<compile_context>
chip_gen: v7x
topology: tpu7x:2x2x1
jax: 0.10.2.dev20260603
libtpu: 0.0.44.dev20260713+nightly
codegen_flags: <defaults>
</compile_context>

<pallas_src>
import functools

import jax
import jax.numpy as jnp
import numpy as np
from jax import lax
from jax.experimental import pallas as pl
from jax.experimental.pallas import tpu as pltpu
from jax.experimental.pallas import tpu_sc as plsc

N = 10000
E = 320000
H = 128
G = 64

NC = 2
NS = 16
NW = NC * NS
EPW = 10240
E_PAD = NW * EPW
CHUNK = 128
NCHUNKS = EPW // CHUNK
NSLAB = 2
HCHUNKS = NCHUNKS // NSLAB
NBUF = 2
NPAD = 10112
ZROWS = NPAD // NS
OROWS = 632

def _make_sc_aggregate(ncols, col0):

    mesh = plsc.VectorSubcoreMesh(core_axis_name="c", subcore_axis_name="s",
                                  num_cores=NC, num_subcores=NS)

    @functools.partial(
        pl.kernel,
        out_type=jax.ShapeDtypeStruct((NC, N, H), jnp.float32),
        mesh=mesh,
        scratch_types=[
            pltpu.VMEM((HCHUNKS, CHUNK), jnp.int32),
            pltpu.VMEM((HCHUNKS, CHUNK), jnp.int32),
            [pltpu.VMEM((CHUNK, H), jnp.float32)] * NBUF,
            [pltpu.SemaphoreType.DMA] * NBUF,
            [pltpu.SemaphoreType.DMA] * NBUF,
            pltpu.SemaphoreType.DMA,
            pltpu.VMEM_SHARED((NPAD, H), jnp.float32),
        ],
        name=f"sc_aggregate_c{col0}",
    )
    def _sc_aggregate(z_hbm, src_hbm, dst_hbm, zeros_hbm, out_hbm,
                      sidx, didx, rows, gsems, ssems, zsem, agg):
        cid = lax.axis_index("c")
        sid = lax.axis_index("s")
        wid = cid * NS + sid

        zdma = pltpu.async_copy(zeros_hbm.at[pl.ds(sid * ZROWS, ZROWS)],
                                agg.at[pl.ds(sid * ZROWS, ZROWS)], zsem)

        def zsrc(c):
            if ncols == H:
                return z_hbm.at[sidx.at[c]]
            return z_hbm.at[sidx.at[c], pl.ds(col0, H)]

        def gather(c, b):
            pltpu.async_copy(zsrc(c), rows[b], gsems[b])

        def gather_wait(c, b):
            pltpu.make_async_copy(zsrc(c), rows[b], gsems[b]).wait()

        def scatter(c, b):
            pltpu.async_copy(rows[b], agg.at[didx.at[c]], ssems[b], add=True)

        def scatter_wait(c, b):
            pltpu.make_async_copy(rows[b], agg.at[didx.at[c]],
                                  ssems[b]).wait()

        for slab in range(NSLAB):
            pltpu.sync_copy(src_hbm.at[wid, pl.ds(slab * HCHUNKS, HCHUNKS)],
                            sidx)
            pltpu.sync_copy(dst_hbm.at[wid, pl.ds(slab * HCHUNKS, HCHUNKS)],
                            didx)

            def step(c, b, first=False, last=False):
                bn = 1 - b
                if not first:
                    scatter_wait(c - 1, bn)
                if not last:
                    gather(c + 1, bn)
                gather_wait(c, b)
                scatter(c, b)

            gather(0, 0)
            if slab == 0:
                zdma.wait()
                plsc.subcore_barrier()
            step(0, 0, first=True)
            step(1, 1)

            def body(i, carry):
                step(2 * i, 0)
                step(2 * i + 1, 1)
                return carry

            lax.fori_loop(1, HCHUNKS // 2 - 1, body, 0)

            step(HCHUNKS - 2, 0)
            step(HCHUNKS - 1, 1, last=True)
            scatter_wait(HCHUNKS - 1, 1)

        plsc.subcore_barrier()

        ostart = jnp.minimum(sid * OROWS, N - OROWS)
        pltpu.sync_copy(agg.at[pl.ds(ostart, OROWS)],
                        out_hbm.at[cid, pl.ds(ostart, OROWS)])

    return _sc_aggregate


_sc_aggregate = functools.cache(lambda: _make_sc_aggregate(H, 0))


R = 2000
GRID = N // R


def _layer_compute(z_ref, p_ref, w1_ref, b1_ref, w2_ref, b2_ref,
                   gamma_ref, beta_ref, batch_ref,
                   zout_ref, g_ref, u_scr, stat_scr, gacc_ref):
    ph = pl.program_id(0)
    i = pl.program_id(1)

    @pl.when(ph == 0)
    def _p0():
        h = z_ref[...] + p_ref[0] + p_ref[1]
        h = jnp.maximum(
            jnp.dot(h, w1_ref[...], preferred_element_type=jnp.float32)
            + b1_ref[...], 0.0)
        h = jnp.dot(h, w2_ref[...],
                    preferred_element_type=jnp.float32) + b2_ref[...]
        u = jnp.maximum(h, 0.0)
        u_scr[pl.ds(i * R, R), :] = u

        @pl.when(i == 0)
        def _init():
            stat_scr[...] = jnp.zeros_like(stat_scr)

        stat_scr[0:1, :] += jnp.sum(u, axis=0, keepdims=True)
        stat_scr[1:2, :] += jnp.sum(u * u, axis=0, keepdims=True)

    @pl.when(ph == 1)
    def _p1():
        sums = stat_scr[...]
        mean = sums[0:1, :] * (1.0 / N)
        var = sums[1:2, :] * (1.0 / N) - mean * mean
        scale = gamma_ref[...] / jnp.sqrt(var + 1e-5)
        shift = beta_ref[...] - mean * scale
        zb = u_scr[pl.ds(i * R, R), :] * scale + shift
        zout_ref[...] = zb

        b = batch_ref[...]
        onehot = (b == lax.broadcasted_iota(jnp.int32,
                                            (R, G), 1)).astype(jnp.float32)

        @pl.when(i == 0)
        def _init():
            gacc_ref[...] = jnp.zeros_like(gacc_ref)

        gacc_ref[...] += lax.dot_general(onehot, zb, (((0,), (0,)), ((), ())),
                                         preferred_element_type=jnp.float32)

        @pl.when(i == GRID - 1)
        def _fin():
            g_ref[...] = gacc_ref[...]


_tc_layer = pl.pallas_call(
    _layer_compute,
    grid=(2, GRID),
    in_specs=[
        pl.BlockSpec((R, H), lambda p, i: (i * (1 - p), 0)),
        pl.BlockSpec((NC, R, H), lambda p, i: (0, i * (1 - p), 0)),
        pl.BlockSpec((H, H), lambda p, i: (0, 0)),
        pl.BlockSpec((1, H), lambda p, i: (0, 0)),
        pl.BlockSpec((H, H), lambda p, i: (0, 0)),
        pl.BlockSpec((1, H), lambda p, i: (0, 0)),
        pl.BlockSpec((1, H), lambda p, i: (0, 0)),
        pl.BlockSpec((1, H), lambda p, i: (0, 0)),
        pl.BlockSpec((R, 1), lambda p, i: (i * p, 0)),
    ],
    out_specs=[
        pl.BlockSpec((R, H), lambda p, i: (i * p, 0)),
        pl.BlockSpec((G, H), lambda p, i: (0, 0)),
    ],
    out_shape=[
        jax.ShapeDtypeStruct((N, H), jnp.float32),
        jax.ShapeDtypeStruct((G, H), jnp.float32),
    ],
    scratch_shapes=[
        pltpu.VMEM((N, H), jnp.float32),
        pltpu.VMEM((8, H), jnp.float32),
        pltpu.VMEM((G, H), jnp.float32),
    ],
)


def kernel(x, edge_index, batch, params):
    src = edge_index[0]
    dst = edge_index[1]
    pad = E_PAD - E
    pad_ids = np.arange(pad, dtype=np.int32)
    src_p = jnp.concatenate([src, jnp.asarray(pad_ids % N)])
    dst_p = jnp.concatenate([dst, jnp.asarray(N + pad_ids % (NPAD - N))])
    src_all = src_p.reshape(NW, NCHUNKS, CHUNK)
    dst_all = dst_p.reshape(NW, NCHUNKS, CHUNK)
    zeros_init = jnp.zeros((NPAD, H), jnp.float32)
    batch2 = batch.reshape(N, 1)

    z = x
    zs = []
    gs = []
    for (w1, b1, w2, b2, gamma, beta) in params:
        p = _sc_aggregate()(z, src_all, dst_all, zeros_init)
        z, g = _tc_layer(z, p, w1, b1.reshape(1, H), w2, b2.reshape(1, H),
                         gamma.reshape(1, H), beta.reshape(1, H), batch2)
        zs.append(z)
        gs.append(g)
    return jnp.concatenate(zs, axis=1), jnp.concatenate(gs, axis=1)

# --- scband reference (transcript-rebuilt; emitter-appended) ---
"""Pipeline reference for scband-gin-16501264351449 (READ-ONLY COPY).

The authoritative reference and input builder live on the scoring server;
editing this copy changes nothing except your own understanding.
"""

import jax, jax.numpy as jnp
import numpy as np

N = 10000
E = 320000
D = 128
H = 128
L = 3
G = 64


def setup_inputs(seed: int = 0) -> dict:
    key = jax.random.key(seed)
    ks = jax.random.split(key, 3 + 6 * L)
    x = jax.random.normal(ks[0], (N, D), dtype=jnp.float32)
    edge_index = jax.random.randint(ks[1], (2, E), 0, N, dtype=jnp.int32)
    batch = jnp.sort(jax.random.randint(ks[2], (N,), 0, G, dtype=jnp.int32))
    params = []
    ki = 3
    for l in range(L):
        ind = D if l == 0 else H
        W1 = jax.random.normal(ks[ki], (ind, H), dtype=jnp.float32) * (1.0 / np.sqrt(ind))
        b1 = jnp.zeros((H,), dtype=jnp.float32)
        W2 = jax.random.normal(ks[ki + 1], (H, H), dtype=jnp.float32) * (1.0 / np.sqrt(H))
        b2 = jnp.zeros((H,), dtype=jnp.float32)
        gamma = jnp.ones((H,), dtype=jnp.float32)
        beta = jnp.zeros((H,), dtype=jnp.float32)
        params.append((W1, b1, W2, b2, gamma, beta))
        ki += 2
    return {"x": x, "edge_index": edge_index, "batch": batch, "params": params}


def reference(x, edge_index, batch, params):
    # GIN: per layer z = BN(ReLU(MLP((1+eps)*z + sum_{j in N(i)} z_j))), eps=0
    src = edge_index[0]
    dst = edge_index[1]
    z = x
    zs = []
    for (W1, b1, W2, b2, gamma, beta) in params:
        agg = jax.ops.segment_sum(z[src], dst, num_segments=N)  # scatter-add aggregation
        h = z + agg  # (1+eps)*x_i + aggregated neighbors, eps=0
        h = jnp.maximum(h @ W1 + b1, 0.0)
        h = h @ W2 + b2
        h = jnp.maximum(h, 0.0)  # F.relu after conv
        # BatchNorm1d (training mode: batch statistics, biased variance)
        mean = jnp.mean(h, axis=0)
        var = jnp.var(h, axis=0)
        h = (h - mean) / jnp.sqrt(var + 1e-5) * gamma + beta
        z = h
        zs.append(z)
    gs = [jax.ops.segment_sum(z_l, batch, num_segments=G) for z_l in zs]
    z_cat = jnp.concatenate(zs, axis=1)
    g_cat = jnp.concatenate(gs, axis=1)
    return (z_cat, g_cat)

if __name__ == "__main__":
    import jax
    _d = setup_inputs()
    print(jax.jit(kernel)(*tuple(_d.values())))

</pallas_src>

<mosaic_0001>
#map = affine_map<(d0, d1) -> (0, 0)>
#map1 = affine_map<(d0, d1) -> (0, 0, 0)>
module attributes {stable_mosaic.version = 14 : i64} {
  func.func @sc_aggregate_c0(%arg0: i32, %arg1: i32, %arg2: memref<10000x128xf32, #tpu.memory_space<hbm>>, %arg3: memref<32x80x128xi32, #tpu.memory_space<hbm>>, %arg4: memref<32x80x128xi32, #tpu.memory_space<hbm>>, %arg5: memref<10112x128xf32, #tpu.memory_space<hbm>>, %arg6: memref<2x10000x128xf32, #tpu.memory_space<hbm>>, %arg7: memref<40x128xi32, #tpu.memory_space<vmem>>, %arg8: memref<40x128xi32, #tpu.memory_space<vmem>>, %arg9: memref<128x128xf32, #tpu.memory_space<vmem>>, %arg10: memref<128x128xf32, #tpu.memory_space<vmem>>, %arg11: memref<!tpu.dma_semaphore, #tpu.memory_space<semaphore_mem>>, %arg12: memref<!tpu.dma_semaphore, #tpu.memory_space<semaphore_mem>>, %arg13: memref<!tpu.dma_semaphore, #tpu.memory_space<semaphore_mem>>, %arg14: memref<!tpu.dma_semaphore, #tpu.memory_space<semaphore_mem>>, %arg15: memref<!tpu.dma_semaphore, #tpu.memory_space<semaphore_mem>>, %arg16: memref<10112x128xf32, #tpu.memory_space<vmem_shared>>) attributes {dimension_semantics = [#tpu.dimension_semantics<core_parallel>, #tpu.dimension_semantics<subcore_parallel>], iteration_bounds = array<i64: 2, 16>, scalar_prefetch = 0 : i64, scratch_operands = 10 : i64, tpu.core_type = #tpu.core_type<sc_vector_subcore>, window_params = [{transform_indices = #map}, {transform_indices = #map1}, {transform_indices = #map1}, {transform_indices = #map}, {transform_indices = #map1}]} {
    %mul3A = arith.constant 16 : i32
    %mul3A_0 = arith.muli %arg0, %mul3A : i32
    %add3A = arith.addi %mul3A_0, %arg1 : i32
    %mul3A_1 = arith.constant 632 : i32
    %mul3A_2 = arith.muli %arg1, %mul3A_1 : i32
    %mul3A_3 = arith.constant 632 : i32
    %mul3A_4 = arith.muli %arg1, %mul3A_3 : i32
    %dma_start3A = arith.constant 0 : i32
    %dma_start3A_5 = tpu.memref_slice %arg16[%mul3A_4, %dma_start3A] : memref<10112x128xf32, #tpu.memory_space<vmem_shared>> -> memref<632x128xf32, #tpu.memory_space<vmem_shared>>
    %dma_start3A_6 = arith.constant 0 : i32
    %dma_start3A_7 = tpu.memref_slice %arg5[%mul3A_2, %dma_start3A_6] : memref<10112x128xf32, #tpu.memory_space<hbm>> -> memref<632x128xf32, #tpu.memory_space<hbm>>
    tpu.enqueue_dma source(%dma_start3A_7 : memref<632x128xf32, #tpu.memory_space<hbm>>) target(%dma_start3A_5 : memref<632x128xf32, #tpu.memory_space<vmem_shared>>) target_semaphore(%arg15 : memref<!tpu.dma_semaphore, #tpu.memory_space<semaphore_mem>>)
    "tpu.region"() ({
      %run_scoped3A = tpu.sem_alloc : memref<!tpu.dma_semaphore, #tpu.memory_space<semaphore_mem>>
      %dma_start3A_250 = arith.constant 0 : i32
      %dma_start3A_251 = arith.constant 0 : i32
      %dma_start3A_252 = tpu.memref_slice %arg3[%add3A, %dma_start3A_250, %dma_start3A_251] : memref<32x80x128xi32, #tpu.memory_space<hbm>> -> memref<1x40x128xi32, #tpu.memory_space<hbm>>
      %dma_start3A_253 = tpu.memref_squeeze %dma_start3A_252 : memref<1x40x128xi32, #tpu.memory_space<hbm>> -> memref<40x128xi32, #tpu.memory_space<hbm>>
      %dma_start3A_254 = arith.constant 0 : i32
      %dma_start3A_255 = arith.constant 0 : i32
      %dma_start3A_256 = tpu.memref_slice %arg3[%add3A, %dma_start3A_254, %dma_start3A_255] : memref<32x80x128xi32, #tpu.memory_space<hbm>> -> memref<1x40x128xi32, #tpu.memory_space<hbm>>
      %dma_start3A_257 = tpu.memref_squeeze %dma_start3A_256 : memref<1x40x128xi32, #tpu.memory_space<hbm>> -> memref<40x128xi32, #tpu.memory_space<hbm>>
      tpu.enqueue_dma source(%dma_start3A_257 : memref<40x128xi32, #tpu.memory_space<hbm>>) target(%arg7 : memref<40x128xi32, #tpu.memory_space<vmem>>) target_semaphore(%run_scoped3A : memref<!tpu.dma_semaphore, #tpu.memory_space<semaphore_mem>>)
      %dma_wait3A_258 = arith.constant 0 : i32
      %dma_wait3A_259 = arith.constant 0 : i32
      %dma_wait3A_260 = tpu.memref_slice %arg3[%add3A, %dma_wait3A_258, %dma_wait3A_259] : memref<32x80x128xi32, #tpu.memory_space<hbm>> -> memref<1x40x128xi32, #tpu.memory_space<hbm>>
      %dma_wait3A_261 = tpu.memref_squeeze %dma_wait3A_260 : memref<1x40x128xi32, #tpu.memory_space<hbm>> -> memref<40x128xi32, #tpu.memory_space<hbm>>
      %dma_wait3A_262 = arith.constant 0 : i32
      %dma_wait3A_263 = arith.constant 0 : i32
      %dma_wait3A_264 = tpu.memref_slice %arg3[%add3A, %dma_wait3A_262, %dma_wait3A_263] : memref<32x80x128xi32, #tpu.memory_space<hbm>> -> memref<1x40x128xi32, #tpu.memory_space<hbm>>
      %dma_wait3A_265 = tpu.memref_squeeze %dma_wait3A_264 : memref<1x40x128xi32, #tpu.memory_space<hbm>> -> memref<40x128xi32, #tpu.memory_space<hbm>>
      tpu.wait_dma2 semaphore(%run_scoped3A : memref<!tpu.dma_semaphore, #tpu.memory_space<semaphore_mem>>) src(%dma_wait3A_265 : memref<40x128xi32, #tpu.memory_space<hbm>>) dst(%arg7 : memref<40x128xi32, #tpu.memory_space<vmem>>)
      tpu.yield
    }) : () -> ()
    "tpu.region"() ({
      %run_scoped3A = tpu.sem_alloc : memref<!tpu.dma_semaphore, #tpu.memory_space<semaphore_mem>>
      %dma_start3A_250 = arith.constant 0 : i32
      %dma_start3A_251 = arith.constant 0 : i32
      %dma_start3A_252 = tpu.memref_slice %arg4[%add3A, %dma_start3A_250, %dma_start3A_251] : memref<32x80x128xi32, #tpu.memory_space<hbm>> -> memref<1x40x128xi32, #tpu.memory_space<hbm>>
      %dma_start3A_253 = tpu.memref_squeeze %dma_start3A_252 : memref<1x40x128xi32, #tpu.memory_space<hbm>> -> memref<40x128xi32, #tpu.memory_space<hbm>>
      %dma_start3A_254 = arith.constant 0 : i32
      %dma_start3A_255 = arith.constant 0 : i32
      %dma_start3A_256 = tpu.memref_slice %arg4[%add3A, %dma_start3A_254, %dma_start3A_255] : memref<32x80x128xi32, #tpu.memory_space<hbm>> -> memref<1x40x128xi32, #tpu.memory_space<hbm>>
      %dma_start3A_257 = tpu.memref_squeeze %dma_start3A_256 : memref<1x40x128xi32, #tpu.memory_space<hbm>> -> memref<40x128xi32, #tpu.memory_space<hbm>>
      tpu.enqueue_dma source(%dma_start3A_257 : memref<40x128xi32, #tpu.memory_space<hbm>>) target(%arg8 : memref<40x128xi32, #tpu.memory_space<vmem>>) target_semaphore(%run_scoped3A : memref<!tpu.dma_semaphore, #tpu.memory_space<semaphore_mem>>)
      %dma_wait3A_258 = arith.constant 0 : i32
      %dma_wait3A_259 = arith.constant 0 : i32
      %dma_wait3A_260 = tpu.memref_slice %arg4[%add3A, %dma_wait3A_258, %dma_wait3A_259] : memref<32x80x128xi32, #tpu.memory_space<hbm>> -> memref<1x40x128xi32, #tpu.memory_space<hbm>>
      %dma_wait3A_261 = tpu.memref_squeeze %dma_wait3A_260 : memref<1x40x128xi32, #tpu.memory_space<hbm>> -> memref<40x128xi32, #tpu.memory_space<hbm>>
      %dma_wait3A_262 = arith.constant 0 : i32
      %dma_wait3A_263 = arith.constant 0 : i32
      %dma_wait3A_264 = tpu.memref_slice %arg4[%add3A, %dma_wait3A_262, %dma_wait3A_263] : memref<32x80x128xi32, #tpu.memory_space<hbm>> -> memref<1x40x128xi32, #tpu.memory_space<hbm>>
      %dma_wait3A_265 = tpu.memref_squeeze %dma_wait3A_264 : memref<1x40x128xi32, #tpu.memory_space<hbm>> -> memref<40x128xi32, #tpu.memory_space<hbm>>
      tpu.wait_dma2 semaphore(%run_scoped3A : memref<!tpu.dma_semaphore, #tpu.memory_space<semaphore_mem>>) src(%dma_wait3A_265 : memref<40x128xi32, #tpu.memory_space<hbm>>) dst(%arg8 : memref<40x128xi32, #tpu.memory_space<vmem>>)
      tpu.yield
    }) : () -> ()
    %dma_start3A_8 = arith.constant 0 : i32
    %dma_start3A_9 = arith.constant 0 : i32
    %dma_start3A_10 = tpu.memref_slice %arg7[%dma_start3A_8, %dma_start3A_9] : memref<40x128xi32, #tpu.memory_space<vmem>> -> memref<1x128xi32, #tpu.memory_space<vmem>>
    %dma_start3A_11 = tpu.memref_squeeze %dma_start3A_10 : memref<1x128xi32, #tpu.memory_space<vmem>> -> memref<128xi32, #tpu.memory_space<vmem>>
    %dma_start3A_12 = arith.constant 0 : i32
    %dma_start3A_13 = arith.constant 0 : i32
    %dma_start3A_14 = tpu.memref_slice %arg2[%dma_start3A_12, %dma_start3A_13] : memref<10000x128xf32, #tpu.memory_space<hbm>> -> memref<10000x128xf32, #tpu.memory_space<hbm>>
    tpu.enqueue_indirect_dma source(%dma_start3A_14 : memref<10000x128xf32, #tpu.memory_space<hbm>>) target(%arg9 : memref<128x128xf32, #tpu.memory_space<vmem>>) offsets(%dma_start3A_11 : memref<128xi32, #tpu.memory_space<vmem>>) semaphore(%arg11 : memref<!tpu.dma_semaphore, #tpu.memory_space<semaphore_mem>>)
    %dma_wait3A = arith.constant 0 : i32
    %dma_wait3A_15 = tpu.memref_slice %arg16[%mul3A_4, %dma_wait3A] : memref<10112x128xf32, #tpu.memory_space<vmem_shared>> -> memref<632x128xf32, #tpu.memory_space<vmem_shared>>
    %dma_wait3A_16 = arith.constant 0 : i32
    %dma_wait3A_17 = tpu.memref_slice %arg5[%mul3A_2, %dma_wait3A_16] : memref<10112x128xf32, #tpu.memory_space<hbm>> -> memref<632x128xf32, #tpu.memory_space<hbm>>
    tpu.wait_dma2 semaphore(%arg15 : memref<!tpu.dma_semaphore, #tpu.memory_space<semaphore_mem>>) src(%dma_wait3A_17 : memref<632x128xf32, #tpu.memory_space<hbm>>) dst(%dma_wait3A_15 : memref<632x128xf32, #tpu.memory_space<vmem_shared>>)
    %barrier3A = arith.constant 0 : index
    tpu.barrier barrier_id(%barrier3A)
    %dma_start3A_18 = arith.constant 1 : i32
    %dma_start3A_19 = arith.constant 0 : i32
    %dma_start3A_20 = tpu.memref_slice %arg7[%dma_start3A_18, %dma_start3A_19] : memref<40x128xi32, #tpu.memory_space<vmem>> -> memref<1x128xi32, #tpu.memory_space<vmem>>
    %dma_start3A_21 = tpu.memref_squeeze %dma_start3A_20 : memref<1x128xi32, #tpu.memory_space<vmem>> -> memref<128xi32, #tpu.memory_space<vmem>>
    %dma_start3A_22 = arith.constant 0 : i32
    %dma_start3A_23 = arith.constant 0 : i32
    %dma_start3A_24 = tpu.memref_slice %arg2[%dma_start3A_22, %dma_start3A_23] : memref<10000x128xf32, #tpu.memory_space<hbm>> -> memref<10000x128xf32, #tpu.memory_space<hbm>>
    tpu.enqueue_indirect_dma source(%dma_start3A_24 : memref<10000x128xf32, #tpu.memory_space<hbm>>) target(%arg10 : memref<128x128xf32, #tpu.memory_space<vmem>>) offsets(%dma_start3A_21 : memref<128xi32, #tpu.memory_space<vmem>>) semaphore(%arg12 : memref<!tpu.dma_semaphore, #tpu.memory_space<semaphore_mem>>)
    %dma_wait3A_25 = arith.constant 0 : i32
    %dma_wait3A_26 = arith.constant 0 : i32
    %dma_wait3A_27 = tpu.memref_slice %arg7[%dma_wait3A_25, %dma_wait3A_26] : memref<40x128xi32, #tpu.memory_space<vmem>> -> memref<1x128xi32, #tpu.memory_space<vmem>>
    %dma_wait3A_28 = tpu.memref_squeeze %dma_wait3A_27 : memref<1x128xi32, #tpu.memory_space<vmem>> -> memref<128xi32, #tpu.memory_space<vmem>>
    %dma_wait3A_29 = arith.constant 0 : i32
    %dma_wait3A_30 = arith.constant 0 : i32
    %dma_wait3A_31 = tpu.memref_slice %arg2[%dma_wait3A_29, %dma_wait3A_30] : memref<10000x128xf32, #tpu.memory_space<hbm>> -> memref<10000x128xf32, #tpu.memory_space<hbm>>
    tpu.wait_indirect_dma semaphore(%arg11 : memref<!tpu.dma_semaphore, #tpu.memory_space<semaphore_mem>>) src(%dma_wait3A_31 : memref<10000x128xf32, #tpu.memory_space<hbm>>) dst(%arg9 : memref<128x128xf32, #tpu.memory_space<vmem>>)
    %dma_start3A_32 = arith.constant 0 : i32
    %dma_start3A_33 = arith.constant 0 : i32
    %dma_start3A_34 = tpu.memref_slice %arg8[%dma_start3A_32, %dma_start3A_33] : memref<40x128xi32, #tpu.memory_space<vmem>> -> memref<1x128xi32, #tpu.memory_space<vmem>>
    %dma_start3A_35 = tpu.memref_squeeze %dma_start3A_34 : memref<1x128xi32, #tpu.memory_space<vmem>> -> memref<128xi32, #tpu.memory_space<vmem>>
    %dma_start3A_36 = arith.constant 0 : i32
    %dma_start3A_37 = arith.constant 0 : i32
    %dma_start3A_38 = tpu.memref_slice %arg16[%dma_start3A_36, %dma_start3A_37] : memref<10112x128xf32, #tpu.memory_space<vmem_shared>> -> memref<10112x128xf32, #tpu.memory_space<vmem_shared>>
    tpu.enqueue_indirect_dma source(%arg9 : memref<128x128xf32, #tpu.memory_space<vmem>>) target(%dma_start3A_38 : memref<10112x128xf32, #tpu.memory_space<vmem_shared>>) offsets(%dma_start3A_35 : memref<128xi32, #tpu.memory_space<vmem>>) semaphore(%arg13 : memref<!tpu.dma_semaphore, #tpu.memory_space<semaphore_mem>>) {add = true}
    %dma_wait3A_39 = arith.constant 0 : i32
    %dma_wait3A_40 = arith.constant 0 : i32
    %dma_wait3A_41 = tpu.memref_slice %arg8[%dma_wait3A_39, %dma_wait3A_40] : memref<40x128xi32, #tpu.memory_space<vmem>> -> memref<1x128xi32, #tpu.memory_space<vmem>>
    %dma_wait3A_42 = tpu.memref_squeeze %dma_wait3A_41 : memref<1x128xi32, #tpu.memory_space<vmem>> -> memref<128xi32, #tpu.memory_space<vmem>>
    %dma_wait3A_43 = arith.constant 0 : i32
    %dma_wait3A_44 = arith.constant 0 : i32
    %dma_wait3A_45 = tpu.memref_slice %arg16[%dma_wait3A_43, %dma_wait3A_44] : memref<10112x128xf32, #tpu.memory_space<vmem_shared>> -> memref<10112x128xf32, #tpu.memory_space<vmem_shared>>
    tpu.wait_indirect_dma semaphore(%arg13 : memref<!tpu.dma_semaphore, #tpu.memory_space<semaphore_mem>>) src(%arg9 : memref<128x128xf32, #tpu.memory_space<vmem>>) dst(%dma_wait3A_45 : memref<10112x128xf32, #tpu.memory_space<vmem_shared>>)
    %dma_start3A_46 = arith.constant 2 : i32
    %dma_start3A_47 = arith.constant 0 : i32
    %dma_start3A_48 = tpu.memref_slice %arg7[%dma_start3A_46, %dma_start3A_47] : memref<40x128xi32, #tpu.memory_space<vmem>> -> memref<1x128xi32, #tpu.memory_space<vmem>>
    %dma_start3A_49 = tpu.memref_squeeze %dma_start3A_48 : memref<1x128xi32, #tpu.memory_space<vmem>> -> memref<128xi32, #tpu.memory_space<vmem>>
    %dma_start3A_50 = arith.constant 0 : i32
    %dma_start3A_51 = arith.constant 0 : i32
    %dma_start3A_52 = tpu.memref_slice %arg2[%dma_start3A_50, %dma_start3A_51] : memref<10000x128xf32, #tpu.memory_space<hbm>> -> memref<10000x128xf32, #tpu.memory_space<hbm>>
    tpu.enqueue_indirect_dma source(%dma_start3A_52 : memref<10000x128xf32, #tpu.memory_space<hbm>>) target(%arg9 : memref<128x128xf32, #tpu.memory_space<vmem>>) offsets(%dma_start3A_49 : memref<128xi32, #tpu.memory_space<vmem>>) semaphore(%arg11 : memref<!tpu.dma_semaphore, #tpu.memory_space<semaphore_mem>>)
    %dma_wait3A_53 = arith.constant 1 : i32
    %dma_wait3A_54 = arith.constant 0 : i32
    %dma_wait3A_55 = tpu.memref_slice %arg7[%dma_wait3A_53, %dma_wait3A_54] : memref<40x128xi32, #tpu.memory_space<vmem>> -> memref<1x128xi32, #tpu.memory_space<vmem>>
    %dma_wait3A_56 = tpu.memref_squeeze %dma_wait3A_55 : memref<1x128xi32, #tpu.memory_space<vmem>> -> memref<128xi32, #tpu.memory_space<vmem>>
    %dma_wait3A_57 = arith.constant 0 : i32
    %dma_wait3A_58 = arith.constant 0 : i32
    %dma_wait3A_59 = tpu.memref_slice %arg2[%dma_wait3A_57, %dma_wait3A_58] : memref<10000x128xf32, #tpu.memory_space<hbm>> -> memref<10000x128xf32, #tpu.memory_space<hbm>>
    tpu.wait_indirect_dma semaphore(%arg12 : memref<!tpu.dma_semaphore, #tpu.memory_space<semaphore_mem>>) src(%dma_wait3A_59 : memref<10000x128xf32, #tpu.memory_space<hbm>>) dst(%arg10 : memref<128x128xf32, #tpu.memory_space<vmem>>)
    %dma_start3A_60 = arith.constant 1 : i32
    %dma_start3A_61 = arith.constant 0 : i32
    %dma_start3A_62 = tpu.memref_slice %arg8[%dma_start3A_60, %dma_start3A_61] : memref<40x128xi32, #tpu.memory_space<vmem>> -> memref<1x128xi32, #tpu.memory_space<vmem>>
    %dma_start3A_63 = tpu.memref_squeeze %dma_start3A_62 : memref<1x128xi32, #tpu.memory_space<vmem>> -> memref<128xi32, #tpu.memory_space<vmem>>
    %dma_start3A_64 = arith.constant 0 : i32
    %dma_start3A_65 = arith.constant 0 : i32
    %dma_start3A_66 = tpu.memref_slice %arg16[%dma_start3A_64, %dma_start3A_65] : memref<10112x128xf32, #tpu.memory_space<vmem_shared>> -> memref<10112x128xf32, #tpu.memory_space<vmem_shared>>
    tpu.enqueue_indirect_dma source(%arg10 : memref<128x128xf32, #tpu.memory_space<vmem>>) target(%dma_start3A_66 : memref<10112x128xf32, #tpu.memory_space<vmem_shared>>) offsets(%dma_start3A_63 : memref<128xi32, #tpu.memory_space<vmem>>) semaphore(%arg14 : memref<!tpu.dma_semaphore, #tpu.memory_space<semaphore_mem>>) {add = true}
    %scan3A = arith.constant 0 : i32
    %scan3A_67 = arith.constant 1 : i32
    %scan3A_68 = arith.constant 18 : i32
    %scan3A_69 = arith.addi %scan3A_67, %scan3A_68 : i32
    %scan3A_70 = arith.constant 1 : i32
    scf.for %scan3A_250 = %scan3A_67 to %scan3A_69 step %scan3A_70  : i32 {
      %mul3A_251 = arith.constant 2 : i32
      %mul3A_252 = arith.muli %mul3A_251, %scan3A_250 : i32
      %sub3A = arith.constant 1 : i32
      %sub3A_253 = arith.subi %mul3A_252, %sub3A : i32
      %dma_wait3A_254 = arith.constant 0 : i32
      %dma_wait3A_255 = tpu.memref_slice %arg8[%sub3A_253, %dma_wait3A_254] : memref<40x128xi32, #tpu.memory_space<vmem>> -> memref<1x128xi32, #tpu.memory_space<vmem>>
      %dma_wait3A_256 = tpu.memref_squeeze %dma_wait3A_255 : memref<1x128xi32, #tpu.memory_space<vmem>> -> memref<128xi32, #tpu.memory_space<vmem>>
      %dma_wait3A_257 = arith.constant 0 : i32
      %dma_wait3A_258 = arith.constant 0 : i32
      %dma_wait3A_259 = tpu.memref_slice %arg16[%dma_wait3A_257, %dma_wait3A_258] : memref<10112x128xf32, #tpu.memory_space<vmem_shared>> -> memref<10112x128xf32, #tpu.memory_space<vmem_shared>>
      tpu.wait_indirect_dma semaphore(%arg14 : memref<!tpu.dma_semaphore, #tpu.memory_space<semaphore_mem>>) src(%arg10 : memref<128x128xf32, #tpu.memory_space<vmem>>) dst(%dma_wait3A_259 : memref<10112x128xf32, #tpu.memory_space<vmem_shared>>)
      %add3A_260 = arith.constant 1 : i32
      %add3A_261 = arith.addi %mul3A_252, %add3A_260 : i32
      %dma_start3A_262 = arith.constant 0 : i32
      %dma_start3A_263 = tpu.memref_slice %arg7[%add3A_261, %dma_start3A_262] : memref<40x128xi32, #tpu.memory_space<vmem>> -> memref<1x128xi32, #tpu.memory_space<vmem>>
      %dma_start3A_264 = tpu.memref_squeeze %dma_start3A_263 : memref<1x128xi32, #tpu.memory_space<vmem>> -> memref<128xi32, #tpu.memory_space<vmem>>
      %dma_start3A_265 = arith.constant 0 : i32
      %dma_start3A_266 = arith.constant 0 : i32
      %dma_start3A_267 = tpu.memref_slice %arg2[%dma_start3A_265, %dma_start3A_266] : memref<10000x128xf32, #tpu.memory_space<hbm>> -> memref<10000x128xf32, #tpu.memory_space<hbm>>
      tpu.enqueue_indirect_dma source(%dma_start3A_267 : memref<10000x128xf32, #tpu.memory_space<hbm>>) target(%arg10 : memref<128x128xf32, #tpu.memory_space<vmem>>) offsets(%dma_start3A_264 : memref<128xi32, #tpu.memory_space<vmem>>) semaphore(%arg12 : memref<!tpu.dma_semaphore, #tpu.memory_space<semaphore_mem>>)
      %dma_wait3A_268 = arith.constant 0 : i32
      %dma_wait3A_269 = tpu.memref_slice %arg7[%mul3A_252, %dma_wait3A_268] : memref<40x128xi32, #tpu.memory_space<vmem>> -> memref<1x128xi32, #tpu.memory_space<vmem>>
      %dma_wait3A_270 = tpu.memref_squeeze %dma_wait3A_269 : memref<1x128xi32, #tpu.memory_space<vmem>> -> memref<128xi32, #tpu.memory_space<vmem>>
      %dma_wait3A_271 = arith.constant 0 : i32
      %dma_wait3A_272 = arith.constant 0 : i32
      %dma_wait3A_273 = tpu.memref_slice %arg2[%dma_wait3A_271, %dma_wait3A_272] : memref<10000x128xf32, #tpu.memory_space<hbm>> -> memref<10000x128xf32, #tpu.memory_space<hbm>>
      tpu.wait_indirect_dma semaphore(%arg11 : memref<!tpu.dma_semaphore, #tpu.memory_space<semaphore_mem>>) src(%dma_wait3A_273 : memref<10000x128xf32, #tpu.memory_space<hbm>>) dst(%arg9 : memref<128x128xf32, #tpu.memory_space<vmem>>)
      %dma_start3A_274 = arith.constant 0 : i32
      %dma_start3A_275 = tpu.memref_slice %arg8[%mul3A_252, %dma_start3A_274] : memref<40x128xi32, #tpu.memory_space<vmem>> -> memref<1x128xi32, #tpu.memory_space<vmem>>
      %dma_start3A_276 = tpu.memref_squeeze %dma_start3A_275 : memref<1x128xi32, #tpu.memory_space<vmem>> -> memref<128xi32, #tpu.memory_space<vmem>>
      %dma_start3A_277 = arith.constant 0 : i32
      %dma_start3A_278 = arith.constant 0 : i32
      %dma_start3A_279 = tpu.memref_slice %arg16[%dma_start3A_277, %dma_start3A_278] : memref<10112x128xf32, #tpu.memory_space<vmem_shared>> -> memref<10112x128xf32, #tpu.memory_space<vmem_shared>>
      tpu.enqueue_indirect_dma source(%arg9 : memref<128x128xf32, #tpu.memory_space<vmem>>) target(%dma_start3A_279 : memref<10112x128xf32, #tpu.memory_space<vmem_shared>>) offsets(%dma_start3A_276 : memref<128xi32, #tpu.memory_space<vmem>>) semaphore(%arg13 : memref<!tpu.dma_semaphore, #tpu.memory_space<semaphore_mem>>) {add = true}
      %mul3A_280 = arith.constant 2 : i32
      %mul3A_281 = arith.muli %mul3A_280, %scan3A_250 : i32
      %add3A_282 = arith.constant 1 : i32
      %add3A_283 = arith.addi %mul3A_281, %add3A_282 : i32
      %sub3A_284 = arith.constant 1 : i32
      %sub3A_285 = arith.subi %add3A_283, %sub3A_284 : i32
      %dma_wait3A_286 = arith.constant 0 : i32
      %dma_wait3A_287 = tpu.memref_slice %arg8[%sub3A_285, %dma_wait3A_286] : memref<40x128xi32, #tpu.memory_space<vmem>> -> memref<1x128xi32, #tpu.memory_space<vmem>>
      %dma_wait3A_288 = tpu.memref_squeeze %dma_wait3A_287 : memref<1x128xi32, #tpu.memory_space<vmem>> -> memref<128xi32, #tpu.memory_space<vmem>>
      %dma_wait3A_289 = arith.constant 0 : i32
      %dma_wait3A_290 = arith.constant 0 : i32
      %dma_wait3A_291 = tpu.memref_slice %arg16[%dma_wait3A_289, %dma_wait3A_290] : memref<10112x128xf32, #tpu.memory_space<vmem_shared>> -> memref<10112x128xf32, #tpu.memory_space<vmem_shared>>
      tpu.wait_indirect_dma semaphore(%arg13 : memref<!tpu.dma_semaphore, #tpu.memory_space<semaphore_mem>>) src(%arg9 : memref<128x128xf32, #tpu.memory_space<vmem>>) dst(%dma_wait3A_291 : memref<10112x128xf32, #tpu.memory_space<vmem_shared>>)
      %add3A_292 = arith.constant 1 : i32
      %add3A_293 = arith.addi %add3A_283, %add3A_292 : i32
      %dma_start3A_294 = arith.constant 0 : i32
      %dma_start3A_295 = tpu.memref_slice %arg7[%add3A_293, %dma_start3A_294] : memref<40x128xi32, #tpu.memory_space<vmem>> -> memref<1x128xi32, #tpu.memory_space<vmem>>
      %dma_start3A_296 = tpu.memref_squeeze %dma_start3A_295 : memref<1x128xi32, #tpu.memory_space<vmem>> -> memref<128xi32, #tpu.memory_space<vmem>>
      %dma_start3A_297 = arith.constant 0 : i32
      %dma_start3A_298 = arith.constant 0 : i32
      %dma_start3A_299 = tpu.memref_slice %arg2[%dma_start3A_297, %dma_start3A_298] : memref<10000x128xf32, #tpu.memory_space<hbm>> -> memref<10000x128xf32, #tpu.memory_space<hbm>>
      tpu.enqueue_indirect_dma source(%dma_start3A_299 : memref<10000x128xf32, #tpu.memory_space<hbm>>) target(%arg9 : memref<128x128xf32, #tpu.memory_space<vmem>>) offsets(%dma_start3A_296 : memref<128xi32, #tpu.memory_space<vmem>>) semaphore(%arg11 : memref<!tpu.dma_semaphore, #tpu.memory_space<semaphore_mem>>)
      %dma_wait3A_300 = arith.constant 0 : i32
      %dma_wait3A_301 = tpu.memref_slice %arg7[%add3A_283, %dma_wait3A_300] : memref<40x128xi32, #tpu.memory_space<vmem>> -> memref<1x128xi32, #tpu.memory_space<vmem>>
      %dma_wait3A_302 = tpu.memref_squeeze %dma_wait3A_301 : memref<1x128xi32, #tpu.memory_space<vmem>> -> memref<128xi32, #tpu.memory_space<vmem>>
      %dma_wait3A_303 = arith.constant 0 : i32
      %dma_wait3A_304 = arith.constant 0 : i32
      %dma_wait3A_305 = tpu.memref_slice %arg2[%dma_wait3A_303, %dma_wait3A_304] : memref<10000x128xf32, #tpu.memory_space<hbm>> -> memref<10000x128xf32, #tpu.memory_space<hbm>>
      tpu.wait_indirect_dma semaphore(%arg12 : memref<!tpu.dma_semaphore, #tpu.memory_space<semaphore_mem>>) src(%dma_wait3A_305 : memref<10000x128xf32, #tpu.memory_space<hbm>>) dst(%arg10 : memref<128x128xf32, #tpu.memory_space<vmem>>)
      %dma_start3A_306 = arith.constant 0 : i32
      %dma_start3A_307 = tpu.memref_slice %arg8[%add3A_283, %dma_start3A_306] : memref<40x128xi32, #tpu.memory_space<vmem>> -> memref<1x128xi32, #tpu.memory_space<vmem>>
      %dma_start3A_308 = tpu.memref_squeeze %dma_start3A_307 : memref<1x128xi32, #tpu.memory_space<vmem>> -> memref<128xi32, #tpu.memory_space<vmem>>
      %dma_start3A_309 = arith.constant 0 : i32
      %dma_start3A_310 = arith.constant 0 : i32
      %dma_start3A_311 = tpu.memref_slice %arg16[%dma_start3A_309, %dma_start3A_310] : memref<10112x128xf32, #tpu.memory_space<vmem_shared>> -> memref<10112x128xf32, #tpu.memory_space<vmem_shared>>
      tpu.enqueue_indirect_dma source(%arg10 : memref<128x128xf32, #tpu.memory_space<vmem>>) target(%dma_start3A_311 : memref<10112x128xf32, #tpu.memory_space<vmem_shared>>) offsets(%dma_start3A_308 : memref<128xi32, #tpu.memory_space<vmem>>) semaphore(%arg14 : memref<!tpu.dma_semaphore, #tpu.memory_space<semaphore_mem>>) {add = true}
    }
    %scan3A_71 = arith.constant 18 : i32
    %dma_wait3A_72 = arith.constant 37 : i32
    %dma_wait3A_73 = arith.constant 0 : i32
    %dma_wait3A_74 = tpu.memref_slice %arg8[%dma_wait3A_72, %dma_wait3A_73] : memref<40x128xi32, #tpu.memory_space<vmem>> -> memref<1x128xi32, #tpu.memory_space<vmem>>
    %dma_wait3A_75 = tpu.memref_squeeze %dma_wait3A_74 : memref<1x128xi32, #tpu.memory_space<vmem>> -> memref<128xi32, #tpu.memory_space<vmem>>
    %dma_wait3A_76 = arith.constant 0 : i32
    %dma_wait3A_77 = arith.constant 0 : i32
    %dma_wait3A_78 = tpu.memref_slice %arg16[%dma_wait3A_76, %dma_wait3A_77] : memref<10112x128xf32, #tpu.memory_space<vmem_shared>> -> memref<10112x128xf32, #tpu.memory_space<vmem_shared>>
    tpu.wait_indirect_dma semaphore(%arg14 : memref<!tpu.dma_semaphore, #tpu.memory_space<semaphore_mem>>) src(%arg10 : memref<128x128xf32, #tpu.memory_space<vmem>>) dst(%dma_wait3A_78 : memref<10112x128xf32, #tpu.memory_space<vmem_shared>>)
    %dma_start3A_79 = arith.constant 39 : i32
    %dma_start3A_80 = arith.constant 0 : i32
    %dma_start3A_81 = tpu.memref_slice %arg7[%dma_start3A_79, %dma_start3A_80] : memref<40x128xi32, #tpu.memory_space<vmem>> -> memref<1x128xi32, #tpu.memory_space<vmem>>
    %dma_start3A_82 = tpu.memref_squeeze %dma_start3A_81 : memref<1x128xi32, #tpu.memory_space<vmem>> -> memref<128xi32, #tpu.memory_space<vmem>>
    %dma_start3A_83 = arith.constant 0 : i32
    %dma_start3A_84 = arith.constant 0 : i32
    %dma_start3A_85 = tpu.memref_slice %arg2[%dma_start3A_83, %dma_start3A_84] : memref<10000x128xf32, #tpu.memory_space<hbm>> -> memref<10000x128xf32, #tpu.memory_space<hbm>>
    tpu.enqueue_indirect_dma source(%dma_start3A_85 : memref<10000x128xf32, #tpu.memory_space<hbm>>) target(%arg10 : memref<128x128xf32, #tpu.memory_space<vmem>>) offsets(%dma_start3A_82 : memref<128xi32, #tpu.memory_space<vmem>>) semaphore(%arg12 : memref<!tpu.dma_semaphore, #tpu.memory_space<semaphore_mem>>)
    %dma_wait3A_86 = arith.constant 38 : i32
    %dma_wait3A_87 = arith.constant 0 : i32
    %dma_wait3A_88 = tpu.memref_slice %arg7[%dma_wait3A_86, %dma_wait3A_87] : memref<40x128xi32, #tpu.memory_space<vmem>> -> memref<1x128xi32, #tpu.memory_space<vmem>>
    %dma_wait3A_89 = tpu.memref_squeeze %dma_wait3A_88 : memref<1x128xi32, #tpu.memory_space<vmem>> -> memref<128xi32, #tpu.memory_space<vmem>>
    %dma_wait3A_90 = arith.constant 0 : i32
    %dma_wait3A_91 = arith.constant 0 : i32
    %dma_wait3A_92 = tpu.memref_slice %arg2[%dma_wait3A_90, %dma_wait3A_91] : memref<10000x128xf32, #tpu.memory_space<hbm>> -> memref<10000x128xf32, #tpu.memory_space<hbm>>
    tpu.wait_indirect_dma semaphore(%arg11 : memref<!tpu.dma_semaphore, #tpu.memory_space<semaphore_mem>>) src(%dma_wait3A_92 : memref<10000x128xf32, #tpu.memory_space<hbm>>) dst(%arg9 : memref<128x128xf32, #tpu.memory_space<vmem>>)
    %dma_start3A_93 = arith.constant 38 : i32
    %dma_start3A_94 = arith.constant 0 : i32
    %dma_start3A_95 = tpu.memref_slice %arg8[%dma_start3A_93, %dma_start3A_94] : memref<40x128xi32, #tpu.memory_space<vmem>> -> memref<1x128xi32, #tpu.memory_space<vmem>>
    %dma_start3A_96 = tpu.memref_squeeze %dma_start3A_95 : memref<1x128xi32, #tpu.memory_space<vmem>> -> memref<128xi32, #tpu.memory_space<vmem>>
    %dma_start3A_97 = arith.constant 0 : i32
    %dma_start3A_98 = arith.constant 0 : i32
    %dma_start3A_99 = tpu.memref_slice %arg16[%dma_start3A_97, %dma_start3A_98] : memref<10112x128xf32, #tpu.memory_space<vmem_shared>> -> memref<10112x128xf32, #tpu.memory_space<vmem_shared>>
    tpu.enqueue_indirect_dma source(%arg9 : memref<128x128xf32, #tpu.memory_space<vmem>>) target(%dma_start3A_99 : memref<10112x128xf32, #tpu.memory_space<vmem_shared>>) offsets(%dma_start3A_96 : memref<128xi32, #tpu.memory_space<vmem>>) semaphore(%arg13 : memref<!tpu.dma_semaphore, #tpu.memory_space<semaphore_mem>>) {add = true}
    %dma_wait3A_100 = arith.constant 38 : i32
    %dma_wait3A_101 = arith.constant 0 : i32
    %dma_wait3A_102 = tpu.memref_slice %arg8[%dma_wait3A_100, %dma_wait3A_101] : memref<40x128xi32, #tpu.memory_space<vmem>> -> memref<1x128xi32, #tpu.memory_space<vmem>>
    %dma_wait3A_103 = tpu.memref_squeeze %dma_wait3A_102 : memref<1x128xi32, #tpu.memory_space<vmem>> -> memref<128xi32, #tpu.memory_space<vmem>>
    %dma_wait3A_104 = arith.constant 0 : i32
    %dma_wait3A_105 = arith.constant 0 : i32
    %dma_wait3A_106 = tpu.memref_slice %arg16[%dma_wait3A_104, %dma_wait3A_105] : memref<10112x128xf32, #tpu.memory_space<vmem_shared>> -> memref<10112x128xf32, #tpu.memory_space<vmem_shared>>
    tpu.wait_indirect_dma semaphore(%arg13 : memref<!tpu.dma_semaphore, #tpu.memory_space<semaphore_mem>>) src(%arg9 : memref<128x128xf32, #tpu.memory_space<vmem>>) dst(%dma_wait3A_106 : memref<10112x128xf32, #tpu.memory_space<vmem_shared>>)
    %dma_wait3A_107 = arith.constant 39 : i32
    %dma_wait3A_108 = arith.constant 0 : i32
    %dma_wait3A_109 = tpu.memref_slice %arg7[%dma_wait3A_107, %dma_wait3A_108] : memref<40x128xi32, #tpu.memory_space<vmem>> -> memref<1x128xi32, #tpu.memory_space<vmem>>
    %dma_wait3A_110 = tpu.memref_squeeze %dma_wait3A_109 : memref<1x128xi32, #tpu.memory_space<vmem>> -> memref<128xi32, #tpu.memory_space<vmem>>
    %dma_wait3A_111 = arith.constant 0 : i32
    %dma_wait3A_112 = arith.constant 0 : i32
    %dma_wait3A_113 = tpu.memref_slice %arg2[%dma_wait3A_111, %dma_wait3A_112] : memref<10000x128xf32, #tpu.memory_space<hbm>> -> memref<10000x128xf32, #tpu.memory_space<hbm>>
    tpu.wait_indirect_dma semaphore(%arg12 : memref<!tpu.dma_semaphore, #tpu.memory_space<semaphore_mem>>) src(%dma_wait3A_113 : memref<10000x128xf32, #tpu.memory_space<hbm>>) dst(%arg10 : memref<128x128xf32, #tpu.memory_space<vmem>>)
    %dma_start3A_114 = arith.constant 39 : i32
    %dma_start3A_115 = arith.constant 0 : i32
    %dma_start3A_116 = tpu.memref_slice %arg8[%dma_start3A_114, %dma_start3A_115] : memref<40x128xi32, #tpu.memory_space<vmem>> -> memref<1x128xi32, #tpu.memory_space<vmem>>
    %dma_start3A_117 = tpu.memref_squeeze %dma_start3A_116 : memref<1x128xi32, #tpu.memory_space<vmem>> -> memref<128xi32, #tpu.memory_space<vmem>>
    %dma_start3A_118 = arith.constant 0 : i32
    %dma_start3A_119 = arith.constant 0 : i32
    %dma_start3A_120 = tpu.memref_slice %arg16[%dma_start3A_118, %dma_start3A_119] : memref<10112x128xf32, #tpu.memory_space<vmem_shared>> -> memref<10112x128xf32, #tpu.memory_space<vmem_shared>>
    tpu.enqueue_indirect_dma source(%arg10 : memref<128x128xf32, #tpu.memory_space<vmem>>) target(%dma_start3A_120 : memref<10112x128xf32, #tpu.memory_space<vmem_shared>>) offsets(%dma_start3A_117 : memref<128xi32, #tpu.memory_space<vmem>>) semaphore(%arg14 : memref<!tpu.dma_semaphore, #tpu.memory_space<semaphore_mem>>) {add = true}
    %dma_wait3A_121 = arith.constant 39 : i32
    %dma_wait3A_122 = arith.constant 0 : i32
    %dma_wait3A_123 = tpu.memref_slice %arg8[%dma_wait3A_121, %dma_wait3A_122] : memref<40x128xi32, #tpu.memory_space<vmem>> -> memref<1x128xi32, #tpu.memory_space<vmem>>
    %dma_wait3A_124 = tpu.memref_squeeze %dma_wait3A_123 : memref<1x128xi32, #tpu.memory_space<vmem>> -> memref<128xi32, #tpu.memory_space<vmem>>
    %dma_wait3A_125 = arith.constant 0 : i32
    %dma_wait3A_126 = arith.constant 0 : i32
    %dma_wait3A_127 = tpu.memref_slice %arg16[%dma_wait3A_125, %dma_wait3A_126] : memref<10112x128xf32, #tpu.memory_space<vmem_shared>> -> memref<10112x128xf32, #tpu.memory_space<vmem_shared>>
    tpu.wait_indirect_dma semaphore(%arg14 : memref<!tpu.dma_semaphore, #tpu.memory_space<semaphore_mem>>) src(%arg10 : memref<128x128xf32, #tpu.memory_space<vmem>>) dst(%dma_wait3A_127 : memref<10112x128xf32, #tpu.memory_space<vmem_shared>>)
    "tpu.region"() ({
      %run_scoped3A = tpu.sem_alloc : memref<!tpu.dma_semaphore, #tpu.memory_space<semaphore_mem>>
      %dma_start3A_250 = arith.constant 40 : i32
      %dma_start3A_251 = arith.constant 0 : i32
      %dma_start3A_252 = tpu.memref_slice %arg3[%add3A, %dma_start3A_250, %dma_start3A_251] : memref<32x80x128xi32, #tpu.memory_space<hbm>> -> memref<1x40x128xi32, #tpu.memory_space<hbm>>
      %dma_start3A_253 = tpu.memref_squeeze %dma_start3A_252 : memref<1x40x128xi32, #tpu.memory_space<hbm>> -> memref<40x128xi32, #tpu.memory_space<hbm>>
      %dma_start3A_254 = arith.constant 40 : i32
      %dma_start3A_255 = arith.constant 0 : i32
      %dma_start3A_256 = tpu.memref_slice %arg3[%add3A, %dma_start3A_254, %dma_start3A_255] : memref<32x80x128xi32, #tpu.memory_space<hbm>> -> memref<1x40x128xi32, #tpu.memory_space<hbm>>
      %dma_start3A_257 = tpu.memref_squeeze %dma_start3A_256 : memref<1x40x128xi32, #tpu.memory_space<hbm>> -> memref<40x128xi32, #tpu.memory_space<hbm>>
      tpu.enqueue_dma source(%dma_start3A_257 : memref<40x128xi32, #tpu.memory_space<hbm>>) target(%arg7 : memref<40x128xi32, #tpu.memory_space<vmem>>) target_semaphore(%run_scoped3A : memref<!tpu.dma_semaphore, #tpu.memory_space<semaphore_mem>>)
      %dma_wait3A_258 = arith.constant 40 : i32
      %dma_wait3A_259 = arith.constant 0 : i32
      %dma_wait3A_260 = tpu.memref_slice %arg3[%add3A, %dma_wait3A_258, %dma_wait3A_259] : memref<32x80x128xi32, #tpu.memory_space<hbm>> -> memref<1x40x128xi32, #tpu.memory_space<hbm>>
      %dma_wait3A_261 = tpu.memref_squeeze %dma_wait3A_260 : memref<1x40x128xi32, #tpu.memory_space<hbm>> -> memref<40x128xi32, #tpu.memory_space<hbm>>
      %dma_wait3A_262 = arith.constant 40 : i32
      %dma_wait3A_263 = arith.constant 0 : i32
      %dma_wait3A_264 = tpu.memref_slice %arg3[%add3A, %dma_wait3A_262, %dma_wait3A_263] : memref<32x80x128xi32, #tpu.memory_space<hbm>> -> memref<1x40x128xi32, #tpu.memory_space<hbm>>
      %dma_wait3A_265 = tpu.memref_squeeze %dma_wait3A_264 : memref<1x40x128xi32, #tpu.memory_space<hbm>> -> memref<40x128xi32, #tpu.memory_space<hbm>>
      tpu.wait_dma2 semaphore(%run_scoped3A : memref<!tpu.dma_semaphore, #tpu.memory_space<semaphore_mem>>) src(%dma_wait3A_265 : memref<40x128xi32, #tpu.memory_space<hbm>>) dst(%arg7 : memref<40x128xi32, #tpu.memory_space<vmem>>)
      tpu.yield
    }) : () -> ()
    "tpu.region"() ({
      %run_scoped3A = tpu.sem_alloc : memref<!tpu.dma_semaphore, #tpu.memory_space<semaphore_mem>>
      %dma_start3A_250 = arith.constant 40 : i32
      %dma_start3A_251 = arith.constant 0 : i32
      %dma_start3A_252 = tpu.memref_slice %arg4[%add3A, %dma_start3A_250, %dma_start3A_251] : memref<32x80x128xi32, #tpu.memory_space<hbm>> -> memref<1x40x128xi32, #tpu.memory_space<hbm>>
      %dma_start3A_253 = tpu.memref_squeeze %dma_start3A_252 : memref<1x40x128xi32, #tpu.memory_space<hbm>> -> memref<40x128xi32, #tpu.memory_space<hbm>>
      %dma_start3A_254 = arith.constant 40 : i32
      %dma_start3A_255 = arith.constant 0 : i32
      %dma_start3A_256 = tpu.memref_slice %arg4[%add3A, %dma_start3A_254, %dma_start3A_255] : memref<32x80x128xi32, #tpu.memory_space<hbm>> -> memref<1x40x128xi32, #tpu.memory_space<hbm>>
      %dma_start3A_257 = tpu.memref_squeeze %dma_start3A_256 : memref<1x40x128xi32, #tpu.memory_space<hbm>> -> memref<40x128xi32, #tpu.memory_space<hbm>>
      tpu.enqueue_dma source(%dma_start3A_257 : memref<40x128xi32, #tpu.memory_space<hbm>>) target(%arg8 : memref<40x128xi32, #tpu.memory_space<vmem>>) target_semaphore(%run_scoped3A : memref<!tpu.dma_semaphore, #tpu.memory_space<semaphore_mem>>)
      %dma_wait3A_258 = arith.constant 40 : i32
      %dma_wait3A_259 = arith.constant 0 : i32
      %dma_wait3A_260 = tpu.memref_slice %arg4[%add3A, %dma_wait3A_258, %dma_wait3A_259] : memref<32x80x128xi32, #tpu.memory_space<hbm>> -> memref<1x40x128xi32, #tpu.memory_space<hbm>>
      %dma_wait3A_261 = tpu.memref_squeeze %dma_wait3A_260 : memref<1x40x128xi32, #tpu.memory_space<hbm>> -> memref<40x128xi32, #tpu.memory_space<hbm>>
      %dma_wait3A_262 = arith.constant 40 : i32
      %dma_wait3A_263 = arith.constant 0 : i32
      %dma_wait3A_264 = tpu.memref_slice %arg4[%add3A, %dma_wait3A_262, %dma_wait3A_263] : memref<32x80x128xi32, #tpu.memory_space<hbm>> -> memref<1x40x128xi32, #tpu.memory_space<hbm>>
      %dma_wait3A_265 = tpu.memref_squeeze %dma_wait3A_264 : memref<1x40x128xi32, #tpu.memory_space<hbm>> -> memref<40x128xi32, #tpu.memory_space<hbm>>
      tpu.wait_dma2 semaphore(%run_scoped3A : memref<!tpu.dma_semaphore, #tpu.memory_space<semaphore_mem>>) src(%dma_wait3A_265 : memref<40x128xi32, #tpu.memory_space<hbm>>) dst(%arg8 : memref<40x128xi32, #tpu.memory_space<vmem>>)
      tpu.yield
    }) : () -> ()
    %dma_start3A_128 = arith.constant 0 : i32
    %dma_start3A_129 = arith.constant 0 : i32
    %dma_start3A_130 = tpu.memref_slice %arg7[%dma_start3A_128, %dma_start3A_129] : memref<40x128xi32, #tpu.memory_space<vmem>> -> memref<1x128xi32, #tpu.memory_space<vmem>>
    %dma_start3A_131 = tpu.memref_squeeze %dma_start3A_130 : memref<1x128xi32, #tpu.memory_space<vmem>> -> memref<128xi32, #tpu.memory_space<vmem>>
    %dma_start3A_132 = arith.constant 0 : i32
    %dma_start3A_133 = arith.constant 0 : i32
    %dma_start3A_134 = tpu.memref_slice %arg2[%dma_start3A_132, %dma_start3A_133] : memref<10000x128xf32, #tpu.memory_space<hbm>> -> memref<10000x128xf32, #tpu.memory_space<hbm>>
    tpu.enqueue_indirect_dma source(%dma_start3A_134 : memref<10000x128xf32, #tpu.memory_space<hbm>>) target(%arg9 : memref<128x128xf32, #tpu.memory_space<vmem>>) offsets(%dma_start3A_131 : memref<128xi32, #tpu.memory_space<vmem>>) semaphore(%arg11 : memref<!tpu.dma_semaphore, #tpu.memory_space<semaphore_mem>>)
    %dma_start3A_135 = arith.constant 1 : i32
    %dma_start3A_136 = arith.constant 0 : i32
    %dma_start3A_137 = tpu.memref_slice %arg7[%dma_start3A_135, %dma_start3A_136] : memref<40x128xi32, #tpu.memory_space<vmem>> -> memref<1x128xi32, #tpu.memory_space<vmem>>
    %dma_start3A_138 = tpu.memref_squeeze %dma_start3A_137 : memref<1x128xi32, #tpu.memory_space<vmem>> -> memref<128xi32, #tpu.memory_space<vmem>>
    %dma_start3A_139 = arith.constant 0 : i32
    %dma_start3A_140 = arith.constant 0 : i32
    %dma_start3A_141 = tpu.memref_slice %arg2[%dma_start3A_139, %dma_start3A_140] : memref<10000x128xf32, #tpu.memory_space<hbm>> -> memref<10000x128xf32, #tpu.memory_space<hbm>>
    tpu.enqueue_indirect_dma source(%dma_start3A_141 : memref<10000x128xf32, #tpu.memory_space<hbm>>) target(%arg10 : memref<128x128xf32, #tpu.memory_space<vmem>>) offsets(%dma_start3A_138 : memref<128xi32, #tpu.memory_space<vmem>>) semaphore(%arg12 : memref<!tpu.dma_semaphore, #tpu.memory_space<semaphore_mem>>)
    %dma_wait3A_142 = arith.constant 0 : i32
    %dma_wait3A_143 = arith.constant 0 : i32
    %dma_wait3A_144 = tpu.memref_slice %arg7[%dma_wait3A_142, %dma_wait3A_143] : memref<40x128xi32, #tpu.memory_space<vmem>> -> memref<1x128xi32, #tpu.memory_space<vmem>>
    %dma_wait3A_145 = tpu.memref_squeeze %dma_wait3A_144 : memref<1x128xi32, #tpu.memory_space<vmem>> -> memref<128xi32, #tpu.memory_space<vmem>>
    %dma_wait3A_146 = arith.constant 0 : i32
    %dma_wait3A_147 = arith.constant 0 : i32
    %dma_wait3A_148 = tpu.memref_slice %arg2[%dma_wait3A_146, %dma_wait3A_147] : memref<10000x128xf32, #tpu.memory_space<hbm>> -> memref<10000x128xf32, #tpu.memory_space<hbm>>
    tpu.wait_indirect_dma semaphore(%arg11 : memref<!tpu.dma_semaphore, #tpu.memory_space<semaphore_mem>>) src(%dma_wait3A_148 : memref<10000x128xf32, #tpu.memory_space<hbm>>) dst(%arg9 : memref<128x128xf32, #tpu.memory_space<vmem>>)
    %dma_start3A_149 = arith.constant 0 : i32
    %dma_start3A_150 = arith.constant 0 : i32
    %dma_start3A_151 = tpu.memref_slice %arg8[%dma_start3A_149, %dma_start3A_150] : memref<40x128xi32, #tpu.memory_space<vmem>> -> memref<1x128xi32, #tpu.memory_space<vmem>>
    %dma_start3A_152 = tpu.memref_squeeze %dma_start3A_151 : memref<1x128xi32, #tpu.memory_space<vmem>> -> memref<128xi32, #tpu.memory_space<vmem>>
    %dma_start3A_153 = arith.constant 0 : i32
    %dma_start3A_154 = arith.constant 0 : i32
    %dma_start3A_155 = tpu.memref_slice %arg16[%dma_start3A_153, %dma_start3A_154] : memref<10112x128xf32, #tpu.memory_space<vmem_shared>> -> memref<10112x128xf32, #tpu.memory_space<vmem_shared>>
    tpu.enqueue_indirect_dma source(%arg9 : memref<128x128xf32, #tpu.memory_space<vmem>>) target(%dma_start3A_155 : memref<10112x128xf32, #tpu.memory_space<vmem_shared>>) offsets(%dma_start3A_152 : memref<128xi32, #tpu.memory_space<vmem>>) semaphore(%arg13 : memref<!tpu.dma_semaphore, #tpu.memory_space<semaphore_mem>>) {add = true}
    %dma_wait3A_156 = arith.constant 0 : i32
    %dma_wait3A_157 = arith.constant 0 : i32
    %dma_wait3A_158 = tpu.memref_slice %arg8[%dma_wait3A_156, %dma_wait3A_157] : memref<40x128xi32, #tpu.memory_space<vmem>> -> memref<1x128xi32, #tpu.memory_space<vmem>>
    %dma_wait3A_159 = tpu.memref_squeeze %dma_wait3A_158 : memref<1x128xi32, #tpu.memory_space<vmem>> -> memref<128xi32, #tpu.memory_space<vmem>>
    %dma_wait3A_160 = arith.constant 0 : i32
    %dma_wait3A_161 = arith.constant 0 : i32
    %dma_wait3A_162 = tpu.memref_slice %arg16[%dma_wait3A_160, %dma_wait3A_161] : memref<10112x128xf32, #tpu.memory_space<vmem_shared>> -> memref<10112x128xf32, #tpu.memory_space<vmem_shared>>
    tpu.wait_indirect_dma semaphore(%arg13 : memref<!tpu.dma_semaphore, #tpu.memory_space<semaphore_mem>>) src(%arg9 : memref<128x128xf32, #tpu.memory_space<vmem>>) dst(%dma_wait3A_162 : memref<10112x128xf32, #tpu.memory_space<vmem_shared>>)
    %dma_start3A_163 = arith.constant 2 : i32
    %dma_start3A_164 = arith.constant 0 : i32
    %dma_start3A_165 = tpu.memref_slice %arg7[%dma_start3A_163, %dma_start3A_164] : memref<40x128xi32, #tpu.memory_space<vmem>> -> memref<1x128xi32, #tpu.memory_space<vmem>>
    %dma_start3A_166 = tpu.memref_squeeze %dma_start3A_165 : memref<1x128xi32, #tpu.memory_space<vmem>> -> memref<128xi32, #tpu.memory_space<vmem>>
    %dma_start3A_167 = arith.constant 0 : i32
    %dma_start3A_168 = arith.constant 0 : i32
    %dma_start3A_169 = tpu.memref_slice %arg2[%dma_start3A_167, %dma_start3A_168] : memref<10000x128xf32, #tpu.memory_space<hbm>> -> memref<10000x128xf32, #tpu.memory_space<hbm>>
    tpu.enqueue_indirect_dma source(%dma_start3A_169 : memref<10000x128xf32, #tpu.memory_space<hbm>>) target(%arg9 : memref<128x128xf32, #tpu.memory_space<vmem>>) offsets(%dma_start3A_166 : memref<128xi32, #tpu.memory_space<vmem>>) semaphore(%arg11 : memref<!tpu.dma_semaphore, #tpu.memory_space<semaphore_mem>>)
    %dma_wait3A_170 = arith.constant 1 : i32
    %dma_wait3A_171 = arith.constant 0 : i32
    %dma_wait3A_172 = tpu.memref_slice %arg7[%dma_wait3A_170, %dma_wait3A_171] : memref<40x128xi32, #tpu.memory_space<vmem>> -> memref<1x128xi32, #tpu.memory_space<vmem>>
    %dma_wait3A_173 = tpu.memref_squeeze %dma_wait3A_172 : memref<1x128xi32, #tpu.memory_space<vmem>> -> memref<128xi32, #tpu.memory_space<vmem>>
    %dma_wait3A_174 = arith.constant 0 : i32
    %dma_wait3A_175 = arith.constant 0 : i32
    %dma_wait3A_176 = tpu.memref_slice %arg2[%dma_wait3A_174, %dma_wait3A_175] : memref<10000x128xf32, #tpu.memory_space<hbm>> -> memref<10000x128xf32, #tpu.memory_space<hbm>>
    tpu.wait_indirect_dma semaphore(%arg12 : memref<!tpu.dma_semaphore, #tpu.memory_space<semaphore_mem>>) src(%dma_wait3A_176 : memref<10000x128xf32, #tpu.memory_space<hbm>>) dst(%arg10 : memref<128x128xf32, #tpu.memory_space<vmem>>)
    %dma_start3A_177 = arith.constant 1 : i32
    %dma_start3A_178 = arith.constant 0 : i32
    %dma_start3A_179 = tpu.memref_slice %arg8[%dma_start3A_177, %dma_start3A_178] : memref<40x128xi32, #tpu.memory_space<vmem>> -> memref<1x128xi32, #tpu.memory_space<vmem>>
    %dma_start3A_180 = tpu.memref_squeeze %dma_start3A_179 : memref<1x128xi32, #tpu.memory_space<vmem>> -> memref<128xi32, #tpu.memory_space<vmem>>
    %dma_start3A_181 = arith.constant 0 : i32
    %dma_start3A_182 = arith.constant 0 : i32
    %dma_start3A_183 = tpu.memref_slice %arg16[%dma_start3A_181, %dma_start3A_182] : memref<10112x128xf32, #tpu.memory_space<vmem_shared>> -> memref<10112x128xf32, #tpu.memory_space<vmem_shared>>
    tpu.enqueue_indirect_dma source(%arg10 : memref<128x128xf32, #tpu.memory_space<vmem>>) target(%dma_start3A_183 : memref<10112x128xf32, #tpu.memory_space<vmem_shared>>) offsets(%dma_start3A_180 : memref<128xi32, #tpu.memory_space<vmem>>) semaphore(%arg14 : memref<!tpu.dma_semaphore, #tpu.memory_space<semaphore_mem>>) {add = true}
    %scan3A_184 = arith.constant 0 : i32
    %scan3A_185 = arith.constant 1 : i32
    %scan3A_186 = arith.constant 18 : i32
    %scan3A_187 = arith.addi %scan3A_185, %scan3A_186 : i32
    %scan3A_188 = arith.constant 1 : i32
    scf.for %scan3A_250 = %scan3A_185 to %scan3A_187 step %scan3A_188  : i32 {
      %mul3A_251 = arith.constant 2 : i32
      %mul3A_252 = arith.muli %mul3A_251, %scan3A_250 : i32
      %sub3A = arith.constant 1 : i32
      %sub3A_253 = arith.subi %mul3A_252, %sub3A : i32
      %dma_wait3A_254 = arith.constant 0 : i32
      %dma_wait3A_255 = tpu.memref_slice %arg8[%sub3A_253, %dma_wait3A_254] : memref<40x128xi32, #tpu.memory_space<vmem>> -> memref<1x128xi32, #tpu.memory_space<vmem>>
      %dma_wait3A_256 = tpu.memref_squeeze %dma_wait3A_255 : memref<1x128xi32, #tpu.memory_space<vmem>> -> memref<128xi32, #tpu.memory_space<vmem>>
      %dma_wait3A_257 = arith.constant 0 : i32
      %dma_wait3A_258 = arith.constant 0 : i32
      %dma_wait3A_259 = tpu.memref_slice %arg16[%dma_wait3A_257, %dma_wait3A_258] : memref<10112x128xf32, #tpu.memory_space<vmem_shared>> -> memref<10112x128xf32, #tpu.memory_space<vmem_shared>>
      tpu.wait_indirect_dma semaphore(%arg14 : memref<!tpu.dma_semaphore, #tpu.memory_space<semaphore_mem>>) src(%arg10 : memref<128x128xf32, #tpu.memory_space<vmem>>) dst(%dma_wait3A_259 : memref<10112x128xf32, #tpu.memory_space<vmem_shared>>)
      %add3A_260 = arith.constant 1 : i32
      %add3A_261 = arith.addi %mul3A_252, %add3A_260 : i32
      %dma_start3A_262 = arith.constant 0 : i32
      %dma_start3A_263 = tpu.memref_slice %arg7[%add3A_261, %dma_start3A_262] : memref<40x128xi32, #tpu.memory_space<vmem>> -> memref<1x128xi32, #tpu.memory_space<vmem>>
      %dma_start3A_264 = tpu.memref_squeeze %dma_start3A_263 : memref<1x128xi32, #tpu.memory_space<vmem>> -> memref<128xi32, #tpu.memory_space<vmem>>
      %dma_start3A_265 = arith.constant 0 : i32
      %dma_start3A_266 = arith.constant 0 : i32
      %dma_start3A_267 = tpu.memref_slice %arg2[%dma_start3A_265, %dma_start3A_266] : memref<10000x128xf32, #tpu.memory_space<hbm>> -> memref<10000x128xf32, #tpu.memory_space<hbm>>
      tpu.enqueue_indirect_dma source(%dma_start3A_267 : memref<10000x128xf32, #tpu.memory_space<hbm>>) target(%arg10 : memref<128x128xf32, #tpu.memory_space<vmem>>) offsets(%dma_start3A_264 : memref<128xi32, #tpu.memory_space<vmem>>) semaphore(%arg12 : memref<!tpu.dma_semaphore, #tpu.memory_space<semaphore_mem>>)
      %dma_wait3A_268 = arith.constant 0 : i32
      %dma_wait3A_269 = tpu.memref_slice %arg7[%mul3A_252, %dma_wait3A_268] : memref<40x128xi32, #tpu.memory_space<vmem>> -> memref<1x128xi32, #tpu.memory_space<vmem>>
      %dma_wait3A_270 = tpu.memref_squeeze %dma_wait3A_269 : memref<1x128xi32, #tpu.memory_space<vmem>> -> memref<128xi32, #tpu.memory_space<vmem>>
      %dma_wait3A_271 = arith.constant 0 : i32
      %dma_wait3A_272 = arith.constant 0 : i32
      %dma_wait3A_273 = tpu.memref_slice %arg2[%dma_wait3A_271, %dma_wait3A_272] : memref<10000x128xf32, #tpu.memory_space<hbm>> -> memref<10000x128xf32, #tpu.memory_space<hbm>>
      tpu.wait_indirect_dma semaphore(%arg11 : memref<!tpu.dma_semaphore, #tpu.memory_space<semaphore_mem>>) src(%dma_wait3A_273 : memref<10000x128xf32, #tpu.memory_space<hbm>>) dst(%arg9 : memref<128x128xf32, #tpu.memory_space<vmem>>)
      %dma_start3A_274 = arith.constant 0 : i32
      %dma_start3A_275 = tpu.memref_slice %arg8[%mul3A_252, %dma_start3A_274] : memref<40x128xi32, #tpu.memory_space<vmem>> -> memref<1x128xi32, #tpu.memory_space<vmem>>
      %dma_start3A_276 = tpu.memref_squeeze %dma_start3A_275 : memref<1x128xi32, #tpu.memory_space<vmem>> -> memref<128xi32, #tpu.memory_space<vmem>>
      %dma_start3A_277 = arith.constant 0 : i32
      %dma_start3A_278 = arith.constant 0 : i32
      %dma_start3A_279 = tpu.memref_slice %arg16[%dma_start3A_277, %dma_start3A_278] : memref<10112x128xf32, #tpu.memory_space<vmem_shared>> -> memref<10112x128xf32, #tpu.memory_space<vmem_shared>>
      tpu.enqueue_indirect_dma source(%arg9 : memref<128x128xf32, #tpu.memory_space<vmem>>) target(%dma_start3A_279 : memref<10112x128xf32, #tpu.memory_space<vmem_shared>>) offsets(%dma_start3A_276 : memref<128xi32, #tpu.memory_space<vmem>>) semaphore(%arg13 : memref<!tpu.dma_semaphore, #tpu.memory_space<semaphore_mem>>) {add = true}
      %mul3A_280 = arith.constant 2 : i32
      %mul3A_281 = arith.muli %mul3A_280, %scan3A_250 : i32
      %add3A_282 = arith.constant 1 : i32
      %add3A_283 = arith.addi %mul3A_281, %add3A_282 : i32
      %sub3A_284 = arith.constant 1 : i32
      %sub3A_285 = arith.subi %add3A_283, %sub3A_284 : i32
      %dma_wait3A_286 = arith.constant 0 : i32
      %dma_wait3A_287 = tpu.memref_slice %arg8[%sub3A_285, %dma_wait3A_286] : memref<40x128xi32, #tpu.memory_space<vmem>> -> memref<1x128xi32, #tpu.memory_space<vmem>>
      %dma_wait3A_288 = tpu.memref_squeeze %dma_wait3A_287 : memref<1x128xi32, #tpu.memory_space<vmem>> -> memref<128xi32, #tpu.memory_space<vmem>>
      %dma_wait3A_289 = arith.constant 0 : i32
      %dma_wait3A_290 = arith.constant 0 : i32
      %dma_wait3A_291 = tpu.memref_slice %arg16[%dma_wait3A_289, %dma_wait3A_290] : memref<10112x128xf32, #tpu.memory_space<vmem_shared>> -> memref<10112x128xf32, #tpu.memory_space<vmem_shared>>
      tpu.wait_indirect_dma semaphore(%arg13 : memref<!tpu.dma_semaphore, #tpu.memory_space<semaphore_mem>>) src(%arg9 : memref<128x128xf32, #tpu.memory_space<vmem>>) dst(%dma_wait3A_291 : memref<10112x128xf32, #tpu.memory_space<vmem_shared>>)
      %add3A_292 = arith.constant 1 : i32
      %add3A_293 = arith.addi %add3A_283, %add3A_292 : i32
      %dma_start3A_294 = arith.constant 0 : i32
      %dma_start3A_295 = tpu.memref_slice %arg7[%add3A_293, %dma_start3A_294] : memref<40x128xi32, #tpu.memory_space<vmem>> -> memref<1x128xi32, #tpu.memory_space<vmem>>
      %dma_start3A_296 = tpu.memref_squeeze %dma_start3A_295 : memref<1x128xi32, #tpu.memory_space<vmem>> -> memref<128xi32, #tpu.memory_space<vmem>>
      %dma_start3A_297 = arith.constant 0 : i32
      %dma_start3A_298 = arith.constant 0 : i32
      %dma_start3A_299 = tpu.memref_slice %arg2[%dma_start3A_297, %dma_start3A_298] : memref<10000x128xf32, #tpu.memory_space<hbm>> -> memref<10000x128xf32, #tpu.memory_space<hbm>>
      tpu.enqueue_indirect_dma source(%dma_start3A_299 : memref<10000x128xf32, #tpu.memory_space<hbm>>) target(%arg9 : memref<128x128xf32, #tpu.memory_space<vmem>>) offsets(%dma_start3A_296 : memref<128xi32, #tpu.memory_space<vmem>>) semaphore(%arg11 : memref<!tpu.dma_semaphore, #tpu.memory_space<semaphore_mem>>)
      %dma_wait3A_300 = arith.constant 0 : i32
      %dma_wait3A_301 = tpu.memref_slice %arg7[%add3A_283, %dma_wait3A_300] : memref<40x128xi32, #tpu.memory_space<vmem>> -> memref<1x128xi32, #tpu.memory_space<vmem>>
      %dma_wait3A_302 = tpu.memref_squeeze %dma_wait3A_301 : memref<1x128xi32, #tpu.memory_space<vmem>> -> memref<128xi32, #tpu.memory_space<vmem>>
      %dma_wait3A_303 = arith.constant 0 : i32
      %dma_wait3A_304 = arith.constant 0 : i32
      %dma_wait3A_305 = tpu.memref_slice %arg2[%dma_wait3A_303, %dma_wait3A_304] : memref<10000x128xf32, #tpu.memory_space<hbm>> -> memref<10000x128xf32, #tpu.memory_space<hbm>>
      tpu.wait_indirect_dma semaphore(%arg12 : memref<!tpu.dma_semaphore, #tpu.memory_space<semaphore_mem>>) src(%dma_wait3A_305 : memref<10000x128xf32, #tpu.memory_space<hbm>>) dst(%arg10 : memref<128x128xf32, #tpu.memory_space<vmem>>)
      %dma_start3A_306 = arith.constant 0 : i32
      %dma_start3A_307 = tpu.memref_slice %arg8[%add3A_283, %dma_start3A_306] : memref<40x128xi32, #tpu.memory_space<vmem>> -> memref<1x128xi32, #tpu.memory_space<vmem>>
      %dma_start3A_308 = tpu.memref_squeeze %dma_start3A_307 : memref<1x128xi32, #tpu.memory_space<vmem>> -> memref<128xi32, #tpu.memory_space<vmem>>
      %dma_start3A_309 = arith.constant 0 : i32
      %dma_start3A_310 = arith.constant 0 : i32
      %dma_start3A_311 = tpu.memref_slice %arg16[%dma_start3A_309, %dma_start3A_310] : memref<10112x128xf32, #tpu.memory_space<vmem_shared>> -> memref<10112x128xf32, #tpu.memory_space<vmem_shared>>
      tpu.enqueue_indirect_dma source(%arg10 : memref<128x128xf32, #tpu.memory_space<vmem>>) target(%dma_start3A_311 : memref<10112x128xf32, #tpu.memory_space<vmem_shared>>) offsets(%dma_start3A_308 : memref<128xi32, #tpu.memory_space<vmem>>) semaphore(%arg14 : memref<!tpu.dma_semaphore, #tpu.memory_space<semaphore_mem>>) {add = true}
    }
    %scan3A_189 = arith.constant 18 : i32
    %dma_wait3A_190 = arith.constant 37 : i32
    %dma_wait3A_191 = arith.constant 0 : i32
    %dma_wait3A_192 = tpu.memref_slice %arg8[%dma_wait3A_190, %dma_wait3A_191] : memref<40x128xi32, #tpu.memory_space<vmem>> -> memref<1x128xi32, #tpu.memory_space<vmem>>
    %dma_wait3A_193 = tpu.memref_squeeze %dma_wait3A_192 : memref<1x128xi32, #tpu.memory_space<vmem>> -> memref<128xi32, #tpu.memory_space<vmem>>
    %dma_wait3A_194 = arith.constant 0 : i32
    %dma_wait3A_195 = arith.constant 0 : i32
    %dma_wait3A_196 = tpu.memref_slice %arg16[%dma_wait3A_194, %dma_wait3A_195] : memref<10112x128xf32, #tpu.memory_space<vmem_shared>> -> memref<10112x128xf32, #tpu.memory_space<vmem_shared>>
    tpu.wait_indirect_dma semaphore(%arg14 : memref<!tpu.dma_semaphore, #tpu.memory_space<semaphore_mem>>) src(%arg10 : memref<128x128xf32, #tpu.memory_space<vmem>>) dst(%dma_wait3A_196 : memref<10112x128xf32, #tpu.memory_space<vmem_shared>>)
    %dma_start3A_197 = arith.constant 39 : i32
    %dma_start3A_198 = arith.constant 0 : i32
    %dma_start3A_199 = tpu.memref_slice %arg7[%dma_start3A_197, %dma_start3A_198] : memref<40x128xi32, #tpu.memory_space<vmem>> -> memref<1x128xi32, #tpu.memory_space<vmem>>
    %dma_start3A_200 = tpu.memref_squeeze %dma_start3A_199 : memref<1x128xi32, #tpu.memory_space<vmem>> -> memref<128xi32, #tpu.memory_space<vmem>>
    %dma_start3A_201 = arith.constant 0 : i32
    %dma_start3A_202 = arith.constant 0 : i32
    %dma_start3A_203 = tpu.memref_slice %arg2[%dma_start3A_201, %dma_start3A_202] : memref<10000x128xf32, #tpu.memory_space<hbm>> -> memref<10000x128xf32, #tpu.memory_space<hbm>>
    tpu.enqueue_indirect_dma source(%dma_start3A_203 : memref<10000x128xf32, #tpu.memory_space<hbm>>) target(%arg10 : memref<128x128xf32, #tpu.memory_space<vmem>>) offsets(%dma_start3A_200 : memref<128xi32, #tpu.memory_space<vmem>>) semaphore(%arg12 : memref<!tpu.dma_semaphore, #tpu.memory_space<semaphore_mem>>)
    %dma_wait3A_204 = arith.constant 38 : i32
    %dma_wait3A_205 = arith.constant 0 : i32
    %dma_wait3A_206 = tpu.memref_slice %arg7[%dma_wait3A_204, %dma_wait3A_205] : memref<40x128xi32, #tpu.memory_space<vmem>> -> memref<1x128xi32, #tpu.memory_space<vmem>>
    %dma_wait3A_207 = tpu.memref_squeeze %dma_wait3A_206 : memref<1x128xi32, #tpu.memory_space<vmem>> -> memref<128xi32, #tpu.memory_space<vmem>>
    %dma_wait3A_208 = arith.constant 0 : i32
    %dma_wait3A_209 = arith.constant 0 : i32
    %dma_wait3A_210 = tpu.memref_slice %arg2[%dma_wait3A_208, %dma_wait3A_209] : memref<10000x128xf32, #tpu.memory_space<hbm>> -> memref<10000x128xf32, #tpu.memory_space<hbm>>
    tpu.wait_indirect_dma semaphore(%arg11 : memref<!tpu.dma_semaphore, #tpu.memory_space<semaphore_mem>>) src(%dma_wait3A_210 : memref<10000x128xf32, #tpu.memory_space<hbm>>) dst(%arg9 : memref<128x128xf32, #tpu.memory_space<vmem>>)
    %dma_start3A_211 = arith.constant 38 : i32
    %dma_start3A_212 = arith.constant 0 : i32
    %dma_start3A_213 = tpu.memref_slice %arg8[%dma_start3A_211, %dma_start3A_212] : memref<40x128xi32, #tpu.memory_space<vmem>> -> memref<1x128xi32, #tpu.memory_space<vmem>>
    %dma_start3A_214 = tpu.memref_squeeze %dma_start3A_213 : memref<1x128xi32, #tpu.memory_space<vmem>> -> memref<128xi32, #tpu.memory_space<vmem>>
    %dma_start3A_215 = arith.constant 0 : i32
    %dma_start3A_216 = arith.constant 0 : i32
    %dma_start3A_217 = tpu.memref_slice %arg16[%dma_start3A_215, %dma_start3A_216] : memref<10112x128xf32, #tpu.memory_space<vmem_shared>> -> memref<10112x128xf32, #tpu.memory_space<vmem_shared>>
    tpu.enqueue_indirect_dma source(%arg9 : memref<128x128xf32, #tpu.memory_space<vmem>>) target(%dma_start3A_217 : memref<10112x128xf32, #tpu.memory_space<vmem_shared>>) offsets(%dma_start3A_214 : memref<128xi32, #tpu.memory_space<vmem>>) semaphore(%arg13 : memref<!tpu.dma_semaphore, #tpu.memory_space<semaphore_mem>>) {add = true}
    %dma_wait3A_218 = arith.constant 38 : i32
    %dma_wait3A_219 = arith.constant 0 : i32
    %dma_wait3A_220 = tpu.memref_slice %arg8[%dma_wait3A_218, %dma_wait3A_219] : memref<40x128xi32, #tpu.memory_space<vmem>> -> memref<1x128xi32, #tpu.memory_space<vmem>>
    %dma_wait3A_221 = tpu.memref_squeeze %dma_wait3A_220 : memref<1x128xi32, #tpu.memory_space<vmem>> -> memref<128xi32, #tpu.memory_space<vmem>>
    %dma_wait3A_222 = arith.constant 0 : i32
    %dma_wait3A_223 = arith.constant 0 : i32
    %dma_wait3A_224 = tpu.memref_slice %arg16[%dma_wait3A_222, %dma_wait3A_223] : memref<10112x128xf32, #tpu.memory_space<vmem_shared>> -> memref<10112x128xf32, #tpu.memory_space<vmem_shared>>
    tpu.wait_indirect_dma semaphore(%arg13 : memref<!tpu.dma_semaphore, #tpu.memory_space<semaphore_mem>>) src(%arg9 : memref<128x128xf32, #tpu.memory_space<vmem>>) dst(%dma_wait3A_224 : memref<10112x128xf32, #tpu.memory_space<vmem_shared>>)
    %dma_wait3A_225 = arith.constant 39 : i32
    %dma_wait3A_226 = arith.constant 0 : i32
    %dma_wait3A_227 = tpu.memref_slice %arg7[%dma_wait3A_225, %dma_wait3A_226] : memref<40x128xi32, #tpu.memory_space<vmem>> -> memref<1x128xi32, #tpu.memory_space<vmem>>
    %dma_wait3A_228 = tpu.memref_squeeze %dma_wait3A_227 : memref<1x128xi32, #tpu.memory_space<vmem>> -> memref<128xi32, #tpu.memory_space<vmem>>
    %dma_wait3A_229 = arith.constant 0 : i32
    %dma_wait3A_230 = arith.constant 0 : i32
    %dma_wait3A_231 = tpu.memref_slice %arg2[%dma_wait3A_229, %dma_wait3A_230] : memref<10000x128xf32, #tpu.memory_space<hbm>> -> memref<10000x128xf32, #tpu.memory_space<hbm>>
    tpu.wait_indirect_dma semaphore(%arg12 : memref<!tpu.dma_semaphore, #tpu.memory_space<semaphore_mem>>) src(%dma_wait3A_231 : memref<10000x128xf32, #tpu.memory_space<hbm>>) dst(%arg10 : memref<128x128xf32, #tpu.memory_space<vmem>>)
    %dma_start3A_232 = arith.constant 39 : i32
    %dma_start3A_233 = arith.constant 0 : i32
    %dma_start3A_234 = tpu.memref_slice %arg8[%dma_start3A_232, %dma_start3A_233] : memref<40x128xi32, #tpu.memory_space<vmem>> -> memref<1x128xi32, #tpu.memory_space<vmem>>
    %dma_start3A_235 = tpu.memref_squeeze %dma_start3A_234 : memref<1x128xi32, #tpu.memory_space<vmem>> -> memref<128xi32, #tpu.memory_space<vmem>>
    %dma_start3A_236 = arith.constant 0 : i32
    %dma_start3A_237 = arith.constant 0 : i32
    %dma_start3A_238 = tpu.memref_slice %arg16[%dma_start3A_236, %dma_start3A_237] : memref<10112x128xf32, #tpu.memory_space<vmem_shared>> -> memref<10112x128xf32, #tpu.memory_space<vmem_shared>>
    tpu.enqueue_indirect_dma source(%arg10 : memref<128x128xf32, #tpu.memory_space<vmem>>) target(%dma_start3A_238 : memref<10112x128xf32, #tpu.memory_space<vmem_shared>>) offsets(%dma_start3A_235 : memref<128xi32, #tpu.memory_space<vmem>>) semaphore(%arg14 : memref<!tpu.dma_semaphore, #tpu.memory_space<semaphore_mem>>) {add = true}
    %dma_wait3A_239 = arith.constant 39 : i32
    %dma_wait3A_240 = arith.constant 0 : i32
    %dma_wait3A_241 = tpu.memref_slice %arg8[%dma_wait3A_239, %dma_wait3A_240] : memref<40x128xi32, #tpu.memory_space<vmem>> -> memref<1x128xi32, #tpu.memory_space<vmem>>
    %dma_wait3A_242 = tpu.memref_squeeze %dma_wait3A_241 : memref<1x128xi32, #tpu.memory_space<vmem>> -> memref<128xi32, #tpu.memory_space<vmem>>
    %dma_wait3A_243 = arith.constant 0 : i32
    %dma_wait3A_244 = arith.constant 0 : i32
    %dma_wait3A_245 = tpu.memref_slice %arg16[%dma_wait3A_243, %dma_wait3A_244] : memref<10112x128xf32, #tpu.memory_space<vmem_shared>> -> memref<10112x128xf32, #tpu.memory_space<vmem_shared>>
    tpu.wait_indirect_dma semaphore(%arg14 : memref<!tpu.dma_semaphore, #tpu.memory_space<semaphore_mem>>) src(%arg10 : memref<128x128xf32, #tpu.memory_space<vmem>>) dst(%dma_wait3A_245 : memref<10112x128xf32, #tpu.memory_space<vmem_shared>>)
    %barrier3A_246 = arith.constant 0 : index
    tpu.barrier barrier_id(%barrier3A_246)
    %mul3A_247 = arith.constant 632 : i32
    %mul3A_248 = arith.muli %arg1, %mul3A_247 : i32
    %min3A = arith.constant 9368 : i32
    %min3A_249 = arith.minsi %mul3A_248, %min3A : i32
    "tpu.region"() ({
      %run_scoped3A = tpu.sem_alloc : memref<!tpu.dma_semaphore, #tpu.memory_space<semaphore_mem>>
      %dma_start3A_250 = arith.constant 0 : i32
      %dma_start3A_251 = tpu.memref_slice %arg6[%arg0, %min3A_249, %dma_start3A_250] : memref<2x10000x128xf32, #tpu.memory_space<hbm>> -> memref<1x632x128xf32, #tpu.memory_space<hbm>>
      %dma_start3A_252 = tpu.memref_squeeze %dma_start3A_251 : memref<1x632x128xf32, #tpu.memory_space<hbm>> -> memref<632x128xf32, #tpu.memory_space<hbm>>
      %dma_start3A_253 = arith.constant 0 : i32
      %dma_start3A_254 = tpu.memref_slice %arg16[%min3A_249, %dma_start3A_253] : memref<10112x128xf32, #tpu.memory_space<vmem_shared>> -> memref<632x128xf32, #tpu.memory_space<vmem_shared>>
      tpu.enqueue_dma source(%dma_start3A_254 : memref<632x128xf32, #tpu.memory_space<vmem_shared>>) target(%dma_start3A_252 : memref<632x128xf32, #tpu.memory_space<hbm>>) target_semaphore(%run_scoped3A : memref<!tpu.dma_semaphore, #tpu.memory_space<semaphore_mem>>)
      %dma_wait3A_255 = arith.constant 0 : i32
      %dma_wait3A_256 = tpu.memref_slice %arg6[%arg0, %min3A_249, %dma_wait3A_255] : memref<2x10000x128xf32, #tpu.memory_space<hbm>> -> memref<1x632x128xf32, #tpu.memory_space<hbm>>
      %dma_wait3A_257 = tpu.memref_squeeze %dma_wait3A_256 : memref<1x632x128xf32, #tpu.memory_space<hbm>> -> memref<632x128xf32, #tpu.memory_space<hbm>>
      %dma_wait3A_258 = arith.constant 0 : i32
      %dma_wait3A_259 = tpu.memref_slice %arg16[%min3A_249, %dma_wait3A_258] : memref<10112x128xf32, #tpu.memory_space<vmem_shared>> -> memref<632x128xf32, #tpu.memory_space<vmem_shared>>
      tpu.wait_dma2 semaphore(%run_scoped3A : memref<!tpu.dma_semaphore, #tpu.memory_space<semaphore_mem>>) src(%dma_wait3A_259 : memref<632x128xf32, #tpu.memory_space<vmem_shared>>) dst(%dma_wait3A_257 : memref<632x128xf32, #tpu.memory_space<hbm>>)
      tpu.yield
    }) : () -> ()
    return
  }
}

#map = affine_map<(d0, d1) -> (0, 0)>
#map1 = affine_map<(d0, d1) -> (0, 0, 0)>
module attributes {stable_mosaic.version = 14 : i64} {
  func.func @sc_aggregate_c0(%arg0: i32, %arg1: i32, %arg2: memref<10000x128xf32, #tpu.memory_space<hbm>>, %arg3: memref<32x80x128xi32, #tpu.memory_space<hbm>>, %arg4: memref<32x80x128xi32, #tpu.memory_space<hbm>>, %arg5: memref<10112x128xf32, #tpu.memory_space<hbm>>, %arg6: memref<2x10000x128xf32, #tpu.memory_space<hbm>>, %arg7: memref<40x128xi32, #tpu.memory_space<vmem>>, %arg8: memref<40x128xi32, #tpu.memory_space<vmem>>, %arg9: memref<128x128xf32, #tpu.memory_space<vmem>>, %arg10: memref<128x128xf32, #tpu.memory_space<vmem>>, %arg11: memref<!tpu.dma_semaphore, #tpu.memory_space<semaphore_mem>>, %arg12: memref<!tpu.dma_semaphore, #tpu.memory_space<semaphore_mem>>, %arg13: memref<!tpu.dma_semaphore, #tpu.memory_space<semaphore_mem>>, %arg14: memref<!tpu.dma_semaphore, #tpu.memory_space<semaphore_mem>>, %arg15: memref<!tpu.dma_semaphore, #tpu.memory_space<semaphore_mem>>, %arg16: memref<10112x128xf32, #tpu.memory_space<vmem_shared>>) attributes {dimension_semantics = [#tpu.dimension_semantics<core_parallel>, #tpu.dimension_semantics<subcore_parallel>], iteration_bounds = array<i64: 2, 16>, scalar_prefetch = 0 : i64, scratch_operands = 10 : i64, tpu.core_type = #tpu.core_type<sc_vector_subcore>, window_params = [{transform_indices = #map}, {transform_indices = #map1}, {transform_indices = #map1}, {transform_indices = #map}, {transform_indices = #map1}]} {
    %mul3A = arith.constant 16 : i32
    %mul3A_0 = arith.muli %arg0, %mul3A : i32
    %add3A = arith.addi %mul3A_0, %arg1 : i32
    %mul3A_1 = arith.constant 632 : i32
    %mul3A_2 = arith.muli %arg1, %mul3A_1 : i32
    %mul3A_3 = arith.constant 632 : i32
    %mul3A_4 = arith.muli %arg1, %mul3A_3 : i32
    %dma_start3A = arith.constant 0 : i32
    %dma_start3A_5 = tpu.memref_slice %arg16[%mul3A_4, %dma_start3A] : memref<10112x128xf32, #tpu.memory_space<vmem_shared>> -> memref<632x128xf32, #tpu.memory_space<vmem_shared>>
    %dma_start3A_6 = arith.constant 0 : i32
    %dma_start3A_7 = tpu.memref_slice %arg5[%mul3A_2, %dma_start3A_6] : memref<10112x128xf32, #tpu.memory_space<hbm>> -> memref<632x128xf32, #tpu.memory_space<hbm>>
    tpu.enqueue_dma source(%dma_start3A_7 : memref<632x128xf32, #tpu.memory_space<hbm>>) target(%dma_start3A_5 : memref<632x128xf32, #tpu.memory_space<vmem_shared>>) target_semaphore(%arg15 : memref<!tpu.dma_semaphore, #tpu.memory_space<semaphore_mem>>)
    "tpu.region"() ({
      %run_scoped3A = tpu.sem_alloc : memref<!tpu.dma_semaphore, #tpu.memory_space<semaphore_mem>>
      %dma_start3A_250 = arith.constant 0 : i32
      %dma_start3A_251 = arith.constant 0 : i32
      %dma_start3A_252 = tpu.memref_slice %arg3[%add3A, %dma_start3A_250, %dma_start3A_251] : memref<32x80x128xi32, #tpu.memory_space<hbm>> -> memref<1x40x128xi32, #tpu.memory_space<hbm>>
      %dma_start3A_253 = tpu.memref_squeeze %dma_start3A_252 : memref<1x40x128xi32, #tpu.memory_space<hbm>> -> memref<40x128xi32, #tpu.memory_space<hbm>>
      %dma_start3A_254 = arith.constant 0 : i32
      %dma_start3A_255 = arith.constant 0 : i32
      %dma_start3A_256 = tpu.memref_slice %arg3[%add3A, %dma_start3A_254, %dma_start3A_255] : memref<32x80x128xi32, #tpu.memory_space<hbm>> -> memref<1x40x128xi32, #tpu.memory_space<hbm>>
      %dma_start3A_257 = tpu.memref_squeeze %dma_start3A_256 : memref<1x40x128xi32, #tpu.memory_space<hbm>> -> memref<40x128xi32, #tpu.memory_space<hbm>>
      tpu.enqueue_dma source(%dma_start3A_257 : memref<40x128xi32, #tpu.memory_space<hbm>>) target(%arg7 : memref<40x128xi32, #tpu.memory_space<vmem>>) target_semaphore(%run_scoped3A : memref<!tpu.dma_semaphore, #tpu.memory_space<semaphore_mem>>)
      %dma_wait3A_258 = arith.constant 0 : i32
      %dma_wait3A_259 = arith.constant 0 : i32
      %dma_wait3A_260 = tpu.memref_slice %arg3[%add3A, %dma_wait3A_258, %dma_wait3A_259] : memref<32x80x128xi32, #tpu.memory_space<hbm>> -> memref<1x40x128xi32, #tpu.memory_space<hbm>>
      %dma_wait3A_261 = tpu.memref_squeeze %dma_wait3A_260 : memref<1x40x128xi32, #tpu.memory_space<hbm>> -> memref<40x128xi32, #tpu.memory_space<hbm>>
      %dma_wait3A_262 = arith.constant 0 : i32
      %dma_wait3A_263 = arith.constant 0 : i32
      %dma_wait3A_264 = tpu.memref_slice %arg3[%add3A, %dma_wait3A_262, %dma_wait3A_263] : memref<32x80x128xi32, #tpu.memory_space<hbm>> -> memref<1x40x128xi32, #tpu.memory_space<hbm>>
      %dma_wait3A_265 = tpu.memref_squeeze %dma_wait3A_264 : memref<1x40x128xi32, #tpu.memory_space<hbm>> -> memref<40x128xi32, #tpu.memory_space<hbm>>
      tpu.wait_dma2 semaphore(%run_scoped3A : memref<!tpu.dma_semaphore, #tpu.memory_space<semaphore_mem>>) src(%dma_wait3A_265 : memref<40x128xi32, #tpu.memory_space<hbm>>) dst(%arg7 : memref<40x128xi32, #tpu.memory_space<vmem>>)
      tpu.yield
    }) : () -> ()
    "tpu.region"() ({
      %run_scoped3A = tpu.sem_alloc : memref<!tpu.dma_semaphore, #tpu.memory_space<semaphore_mem>>
      %dma_start3A_250 = arith.constant 0 : i32
      %dma_start3A_251 = arith.constant 0 : i32
      %dma_start3A_252 = tpu.memref_slice %arg4[%add3A, %dma_start3A_250, %dma_start3A_251] : memref<32x80x128xi32, #tpu.memory_space<hbm>> -> memref<1x40x128xi32, #tpu.memory_space<hbm>>
      %dma_start3A_253 = tpu.memref_squeeze %dma_start3A_252 : memref<1x40x128xi32, #tpu.memory_space<hbm>> -> memref<40x128xi32, #tpu.memory_space<hbm>>
      %dma_start3A_254 = arith.constant 0 : i32
      %dma_start3A_255 = arith.constant 0 : i32
      %dma_start3A_256 = tpu.memref_slice %arg4[%add3A, %dma_start3A_254, %dma_start3A_255] : memref<32x80x128xi32, #tpu.memory_space<hbm>> -> memref<1x40x128xi32, #tpu.memory_space<hbm>>
      %dma_start3A_257 = tpu.memref_squeeze %dma_start3A_256 : memref<1x40x128xi32, #tpu.memory_space<hbm>> -> memref<40x128xi32, #tpu.memory_space<hbm>>
      tpu.enqueue_dma source(%dma_start3A_257 : memref<40x128xi32, #tpu.memory_space<hbm>>) target(%arg8 : memref<40x128xi32, #tpu.memory_space<vmem>>) target_semaphore(%run_scoped3A : memref<!tpu.dma_semaphore, #tpu.memory_space<semaphore_mem>>)
      %dma_wait3A_258 = arith.constant 0 : i32
      %dma_wait3A_259 = arith.constant 0 : i32
      %dma_wait3A_260 = tpu.memref_slice %arg4[%add3A, %dma_wait3A_258, %dma_wait3A_259] : memref<32x80x128xi32, #tpu.memory_space<hbm>> -> memref<1x40x128xi32, #tpu.memory_space<hbm>>
      %dma_wait3A_261 = tpu.memref_squeeze %dma_wait3A_260 : memref<1x40x128xi32, #tpu.memory_space<hbm>> -> memref<40x128xi32, #tpu.memory_space<hbm>>
      %dma_wait3A_262 = arith.constant 0 : i32
      %dma_wait3A_263 = arith.constant 0 : i32
      %dma_wait3A_264 = tpu.memref_slice %arg4[%add3A, %dma_wait3A_262, %dma_wait3A_263] : memref<32x80x128xi32, #tpu.memory_space<hbm>> -> memref<1x40x128xi32, #tpu.memory_space<hbm>>
      %dma_wait3A_265 = tpu.memref_squeeze %dma_wait3A_264 : memref<1x40x128xi32, #tpu.memory_space<hbm>> -> memref<40x128xi32, #tpu.memory_space<hbm>>
      tpu.wait_dma2 semaphore(%run_scoped3A : memref<!tpu.dma_semaphore, #tpu.memory_space<semaphore_mem>>) src(%dma_wait3A_265 : memref<40x128xi32, #tpu.memory_space<hbm>>) dst(%arg8 : memref<40x128xi32, #tpu.memory_space<vmem>>)
      tpu.yield
    }) : () -> ()
    %dma_start3A_8 = arith.constant 0 : i32
    %dma_start3A_9 = arith.constant 0 : i32
    %dma_start3A_10 = tpu.memref_slice %arg7[%dma_start3A_8, %dma_start3A_9] : memref<40x128xi32, #tpu.memory_space<vmem>> -> memref<1x128xi32, #tpu.memory_space<vmem>>
    %dma_start3A_11 = tpu.memref_squeeze %dma_start3A_10 : memref<1x128xi32, #tpu.memory_space<vmem>> -> memref<128xi32, #tpu.memory_space<vmem>>
    %dma_start3A_12 = arith.constant 0 : i32
    %dma_start3A_13 = arith.constant 0 : i32
    %dma_start3A_14 = tpu.memref_slice %arg2[%dma_start3A_12, %dma_start3A_13] : memref<10000x128xf32, #tpu.memory_space<hbm>> -> memref<10000x128xf32, #tpu.memory_space<hbm>>
    tpu.enqueue_indirect_dma source(%dma_start3A_14 : memref<10000x128xf32, #tpu.memory_space<hbm>>) target(%arg9 : memref<128x128xf32, #tpu.memory_space<vmem>>) offsets(%dma_start3A_11 : memref<128xi32, #tpu.memory_space<vmem>>) semaphore(%arg11 : memref<!tpu.dma_semaphore, #tpu.memory_space<semaphore_mem>>)
    %dma_wait3A = arith.constant 0 : i32
    %dma_wait3A_15 = tpu.memref_slice %arg16[%mul3A_4, %dma_wait3A] : memref<10112x128xf32, #tpu.memory_space<vmem_shared>> -> memref<632x128xf32, #tpu.memory_space<vmem_shared>>
    %dma_wait3A_16 = arith.constant 0 : i32
    %dma_wait3A_17 = tpu.memref_slice %arg5[%mul3A_2, %dma_wait3A_16] : memref<10112x128xf32, #tpu.memory_space<hbm>> -> memref<632x128xf32, #tpu.memory_space<hbm>>
    tpu.wait_dma2 semaphore(%arg15 : memref<!tpu.dma_semaphore, #tpu.memory_space<semaphore_mem>>) src(%dma_wait3A_17 : memref<632x128xf32, #tpu.memory_space<hbm>>) dst(%dma_wait3A_15 : memref<632x128xf32, #tpu.memory_space<vmem_shared>>)
    %barrier3A = arith.constant 0 : index
    tpu.barrier barrier_id(%barrier3A)
    %dma_start3A_18 = arith.constant 1 : i32
    %dma_start3A_19 = arith.constant 0 : i32
    %dma_start3A_20 = tpu.memref_slice %arg7[%dma_start3A_18, %dma_start3A_19] : memref<40x128xi32, #tpu.memory_space<vmem>> -> memref<1x128xi32, #tpu.memory_space<vmem>>
    %dma_start3A_21 = tpu.memref_squeeze %dma_start3A_20 : memref<1x128xi32, #tpu.memory_space<vmem>> -> memref<128xi32, #tpu.memory_space<vmem>>
    %dma_start3A_22 = arith.constant 0 : i32
    %dma_start3A_23 = arith.constant 0 : i32
    %dma_start3A_24 = tpu.memref_slice %arg2[%dma_start3A_22, %dma_start3A_23] : memref<10000x128xf32, #tpu.memory_space<hbm>> -> memref<10000x128xf32, #tpu.memory_space<hbm>>
    tpu.enqueue_indirect_dma source(%dma_start3A_24 : memref<10000x128xf32, #tpu.memory_space<hbm>>) target(%arg10 : memref<128x128xf32, #tpu.memory_space<vmem>>) offsets(%dma_start3A_21 : memref<128xi32, #tpu.memory_space<vmem>>) semaphore(%arg12 : memref<!tpu.dma_semaphore, #tpu.memory_space<semaphore_mem>>)
    %dma_wait3A_25 = arith.constant 0 : i32
    %dma_wait3A_26 = arith.constant 0 : i32
    %dma_wait3A_27 = tpu.memref_slice %arg7[%dma_wait3A_25, %dma_wait3A_26] : memref<40x128xi32, #tpu.memory_space<vmem>> -> memref<1x128xi32, #tpu.memory_space<vmem>>
    %dma_wait3A_28 = tpu.memref_squeeze %dma_wait3A_27 : memref<1x128xi32, #tpu.memory_space<vmem>> -> memref<128xi32, #tpu.memory_space<vmem>>
    %dma_wait3A_29 = arith.constant 0 : i32
    %dma_wait3A_30 = arith.constant 0 : i32
    %dma_wait3A_31 = tpu.memref_slice %arg2[%dma_wait3A_29, %dma_wait3A_30] : memref<10000x128xf32, #tpu.memory_space<hbm>> -> memref<10000x128xf32, #tpu.memory_space<hbm>>
    tpu.wait_indirect_dma semaphore(%arg11 : memref<!tpu.dma_semaphore, #tpu.memory_space<semaphore_mem>>) src(%dma_wait3A_31 : memref<10000x128xf32, #tpu.memory_space<hbm>>) dst(%arg9 : memref<128x128xf32, #tpu.memory_space<vmem>>)
    %dma_start3A_32 = arith.constant 0 : i32
    %dma_start3A_33 = arith.constant 0 : i32
    %dma_start3A_34 = tpu.memref_slice %arg8[%dma_start3A_32, %dma_start3A_33] : memref<40x128xi32, #tpu.memory_space<vmem>> -> memref<1x128xi32, #tpu.memory_space<vmem>>
    %dma_start3A_35 = tpu.memref_squeeze %dma_start3A_34 : memref<1x128xi32, #tpu.memory_space<vmem>> -> memref<128xi32, #tpu.memory_space<vmem>>
    %dma_start3A_36 = arith.constant 0 : i32
    %dma_start3A_37 = arith.constant 0 : i32
    %dma_start3A_38 = tpu.memref_slice %arg16[%dma_start3A_36, %dma_start3A_37] : memref<10112x128xf32, #tpu.memory_space<vmem_shared>> -> memref<10112x128xf32, #tpu.memory_space<vmem_shared>>
    tpu.enqueue_indirect_dma source(%arg9 : memref<128x128xf32, #tpu.memory_space<vmem>>) target(%dma_start3A_38 : memref<10112x128xf32, #tpu.memory_space<vmem_shared>>) offsets(%dma_start3A_35 : memref<128xi32, #tpu.memory_space<vmem>>) semaphore(%arg13 : memref<!tpu.dma_semaphore, #tpu.memory_space<semaphore_mem>>) {add = true}
    %dma_wait3A_39 = arith.constant 0 : i32
    %dma_wait3A_40 = arith.constant 0 : i32
    %dma_wait3A_41 = tpu.memref_slice %arg8[%dma_wait3A_39, %dma_wait3A_40] : memref<40x128xi32, #tpu.memory_space<vmem>> -> memref<1x128xi32, #tpu.memory_space<vmem>>
    %dma_wait3A_42 = tpu.memref_squeeze %dma_wait3A_41 : memref<1x128xi32, #tpu.memory_space<vmem>> -> memref<128xi32, #tpu.memory_space<vmem>>
    %dma_wait3A_43 = arith.constant 0 : i32
    %dma_wait3A_44 = arith.constant 0 : i32
    %dma_wait3A_45 = tpu.memref_slice %arg16[%dma_wait3A_43, %dma_wait3A_44] : memref<10112x128xf32, #tpu.memory_space<vmem_shared>> -> memref<10112x128xf32, #tpu.memory_space<vmem_shared>>
    tpu.wait_indirect_dma semaphore(%arg13 : memref<!tpu.dma_semaphore, #tpu.memory_space<semaphore_mem>>) src(%arg9 : memref<128x128xf32, #tpu.memory_space<vmem>>) dst(%dma_wait3A_45 : memref<10112x128xf32, #tpu.memory_space<vmem_shared>>)
    %dma_start3A_46 = arith.constant 2 : i32
    %dma_start3A_47 = arith.constant 0 : i32
    %dma_start3A_48 = tpu.memref_slice %arg7[%dma_start3A_46, %dma_start3A_47] : memref<40x128xi32, #tpu.memory_space<vmem>> -> memref<1x128xi32, #tpu.memory_space<vmem>>
    %dma_start3A_49 = tpu.memref_squeeze %dma_start3A_48 : memref<1x128xi32, #tpu.memory_space<vmem>> -> memref<128xi32, #tpu.memory_space<vmem>>
    %dma_start3A_50 = arith.constant 0 : i32
    %dma_start3A_51 = arith.constant 0 : i32
    %dma_start3A_52 = tpu.memref_slice %arg2[%dma_start3A_50, %dma_start3A_51] : memref<10000x128xf32, #tpu.memory_space<hbm>> -> memref<10000x128xf32, #tpu.memory_space<hbm>>
    tpu.enqueue_indirect_dma source(%dma_start3A_52 : memref<10000x128xf32, #tpu.memory_space<hbm>>) target(%arg9 : memref<128x128xf32, #tpu.memory_space<vmem>>) offsets(%dma_start3A_49 : memref<128xi32, #tpu.memory_space<vmem>>) semaphore(%arg11 : memref<!tpu.dma_semaphore, #tpu.memory_space<semaphore_mem>>)
    %dma_wait3A_53 = arith.constant 1 : i32
    %dma_wait3A_54 = arith.constant 0 : i32
    %dma_wait3A_55 = tpu.memref_slice %arg7[%dma_wait3A_53, %dma_wait3A_54] : memref<40x128xi32, #tpu.memory_space<vmem>> -> memref<1x128xi32, #tpu.memory_space<vmem>>
    %dma_wait3A_56 = tpu.memref_squeeze %dma_wait3A_55 : memref<1x128xi32, #tpu.memory_space<vmem>> -> memref<128xi32, #tpu.memory_space<vmem>>
    %dma_wait3A_57 = arith.constant 0 : i32
    %dma_wait3A_58 = arith.constant 0 : i32
    %dma_wait3A_59 = tpu.memref_slice %arg2[%dma_wait3A_57, %dma_wait3A_58] : memref<10000x128xf32, #tpu.memory_space<hbm>> -> memref<10000x128xf32, #tpu.memory_space<hbm>>
    tpu.wait_indirect_dma semaphore(%arg12 : memref<!tpu.dma_semaphore, #tpu.memory_space<semaphore_mem>>) src(%dma_wait3A_59 : memref<10000x128xf32, #tpu.memory_space<hbm>>) dst(%arg10 : memref<128x128xf32, #tpu.memory_space<vmem>>)
    %dma_start3A_60 = arith.constant 1 : i32
    %dma_start3A_61 = arith.constant 0 : i32
    %dma_start3A_62 = tpu.memref_slice %arg8[%dma_start3A_60, %dma_start3A_61] : memref<40x128xi32, #tpu.memory_space<vmem>> -> memref<1x128xi32, #tpu.memory_space<vmem>>
    %dma_start3A_63 = tpu.memref_squeeze %dma_start3A_62 : memref<1x128xi32, #tpu.memory_space<vmem>> -> memref<128xi32, #tpu.memory_space<vmem>>
    %dma_start3A_64 = arith.constant 0 : i32
    %dma_start3A_65 = arith.constant 0 : i32
    %dma_start3A_66 = tpu.memref_slice %arg16[%dma_start3A_64, %dma_start3A_65] : memref<10112x128xf32, #tpu.memory_space<vmem_shared>> -> memref<10112x128xf32, #tpu.memory_space<vmem_shared>>
    tpu.enqueue_indirect_dma source(%arg10 : memref<128x128xf32, #tpu.memory_space<vmem>>) target(%dma_start3A_66 : memref<10112x128xf32, #tpu.memory_space<vmem_shared>>) offsets(%dma_start3A_63 : memref<128xi32, #tpu.memory_space<vmem>>) semaphore(%arg14 : memref<!tpu.dma_semaphore, #tpu.memory_space<semaphore_mem>>) {add = true}
    %scan3A = arith.constant 0 : i32
    %scan3A_67 = arith.constant 1 : i32
    %scan3A_68 = arith.constant 18 : i32
    %scan3A_69 = arith.addi %scan3A_67, %scan3A_68 : i32
    %scan3A_70 = arith.constant 1 : i32
    scf.for %scan3A_250 = %scan3A_67 to %scan3A_69 step %scan3A_70  : i32 {
      %mul3A_251 = arith.constant 2 : i32
      %mul3A_252 = arith.muli %mul3A_251, %scan3A_250 : i32
      %sub3A = arith.constant 1 : i32
      %sub3A_253 = arith.subi %mul3A_252, %sub3A : i32
      %dma_wait3A_254 = arith.constant 0 : i32
      %dma_wait3A_255 = tpu.memref_slice %arg8[%sub3A_253, %dma_wait3A_254] : memref<40x128xi32, #tpu.memory_space<vmem>> -> memref<1x128xi32, #tpu.memory_space<vmem>>
      %dma_wait3A_256 = tpu.memref_squeeze %dma_wait3A_255 : memref<1x128xi32, #tpu.memory_space<vmem>> -> memref<128xi32, #tpu.memory_space<vmem>>
      %dma_wait3A_257 = arith.constant 0 : i32
      %dma_wait3A_258 = arith.constant 0 : i32
      %dma_wait3A_259 = tpu.memref_slice %arg16[%dma_wait3A_257, %dma_wait3A_258] : memref<10112x128xf32, #tpu.memory_space<vmem_shared>> -> memref<10112x128xf32, #tpu.memory_space<vmem_shared>>
      tpu.wait_indirect_dma semaphore(%arg14 : memref<!tpu.dma_semaphore, #tpu.memory_space<semaphore_mem>>) src(%arg10 : memref<128x128xf32, #tpu.memory_space<vmem>>) dst(%dma_wait3A_259 : memref<10112x128xf32, #tpu.memory_space<vmem_shared>>)
      %add3A_260 = arith.constant 1 : i32
      %add3A_261 = arith.addi %mul3A_252, %add3A_260 : i32
      %dma_start3A_262 = arith.constant 0 : i32
      %dma_start3A_263 = tpu.memref_slice %arg7[%add3A_261, %dma_start3A_262] : memref<40x128xi32, #tpu.memory_space<vmem>> -> memref<1x128xi32, #tpu.memory_space<vmem>>
      %dma_start3A_264 = tpu.memref_squeeze %dma_start3A_263 : memref<1x128xi32, #tpu.memory_space<vmem>> -> memref<128xi32, #tpu.memory_space<vmem>>
      %dma_start3A_265 = arith.constant 0 : i32
      %dma_start3A_266 = arith.constant 0 : i32
      %dma_start3A_267 = tpu.memref_slice %arg2[%dma_start3A_265, %dma_start3A_266] : memref<10000x128xf32, #tpu.memory_space<hbm>> -> memref<10000x128xf32, #tpu.memory_space<hbm>>
      tpu.enqueue_indirect_dma source(%dma_start3A_267 : memref<10000x128xf32, #tpu.memory_space<hbm>>) target(%arg10 : memref<128x128xf32, #tpu.memory_space<vmem>>) offsets(%dma_start3A_264 : memref<128xi32, #tpu.memory_space<vmem>>) semaphore(%arg12 : memref<!tpu.dma_semaphore, #tpu.memory_space<semaphore_mem>>)
      %dma_wait3A_268 = arith.constant 0 : i32
      %dma_wait3A_269 = tpu.memref_slice %arg7[%mul3A_252, %dma_wait3A_268] : memref<40x128xi32, #tpu.memory_space<vmem>> -> memref<1x128xi32, #tpu.memory_space<vmem>>
      %dma_wait3A_270 = tpu.memref_squeeze %dma_wait3A_269 : memref<1x128xi32, #tpu.memory_space<vmem>> -> memref<128xi32, #tpu.memory_space<vmem>>
      %dma_wait3A_271 = arith.constant 0 : i32
      %dma_wait3A_272 = arith.constant 0 : i32
      %dma_wait3A_273 = tpu.memref_slice %arg2[%dma_wait3A_271, %dma_wait3A_272] : memref<10000x128xf32, #tpu.memory_space<hbm>> -> memref<10000x128xf32, #tpu.memory_space<hbm>>
      tpu.wait_indirect_dma semaphore(%arg11 : memref<!tpu.dma_semaphore, #tpu.memory_space<semaphore_mem>>) src(%dma_wait3A_273 : memref<10000x128xf32, #tpu.memory_space<hbm>>) dst(%arg9 : memref<128x128xf32, #tpu.memory_space<vmem>>)
      %dma_start3A_274 = arith.constant 0 : i32
      %dma_start3A_275 = tpu.memref_slice %arg8[%mul3A_252, %dma_start3A_274] : memref<40x128xi32, #tpu.memory_space<vmem>> -> memref<1x128xi32, #tpu.memory_space<vmem>>
      %dma_start3A_276 = tpu.memref_squeeze %dma_start3A_275 : memref<1x128xi32, #tpu.memory_space<vmem>> -> memref<128xi32, #tpu.memory_space<vmem>>
      %dma_start3A_277 = arith.constant 0 : i32
      %dma_start3A_278 = arith.constant 0 : i32
      %dma_start3A_279 = tpu.memref_slice %arg16[%dma_start3A_277, %dma_start3A_278] : memref<10112x128xf32, #tpu.memory_space<vmem_shared>> -> memref<10112x128xf32, #tpu.memory_space<vmem_shared>>
      tpu.enqueue_indirect_dma source(%arg9 : memref<128x128xf32, #tpu.memory_space<vmem>>) target(%dma_start3A_279 : memref<10112x128xf32, #tpu.memory_space<vmem_shared>>) offsets(%dma_start3A_276 : memref<128xi32, #tpu.memory_space<vmem>>) semaphore(%arg13 : memref<!tpu.dma_semaphore, #tpu.memory_space<semaphore_mem>>) {add = true}
      %mul3A_280 = arith.constant 2 : i32
      %mul3A_281 = arith.muli %mul3A_280, %scan3A_250 : i32
      %add3A_282 = arith.constant 1 : i32
      %add3A_283 = arith.addi %mul3A_281, %add3A_282 : i32
      %sub3A_284 = arith.constant 1 : i32
      %sub3A_285 = arith.subi %add3A_283, %sub3A_284 : i32
      %dma_wait3A_286 = arith.constant 0 : i32
      %dma_wait3A_287 = tpu.memref_slice %arg8[%sub3A_285, %dma_wait3A_286] : memref<40x128xi32, #tpu.memory_space<vmem>> -> memref<1x128xi32, #tpu.memory_space<vmem>>
      %dma_wait3A_288 = tpu.memref_squeeze %dma_wait3A_287 : memref<1x128xi32, #tpu.memory_space<vmem>> -> memref<128xi32, #tpu.memory_space<vmem>>
      %dma_wait3A_289 = arith.constant 0 : i32
      %dma_wait3A_290 = arith.constant 0 : i32
      %dma_wait3A_291 = tpu.memref_slice %arg16[%dma_wait3A_289, %dma_wait3A_290] : memref<10112x128xf32, #tpu.memory_space<vmem_shared>> -> memref<10112x128xf32, #tpu.memory_space<vmem_shared>>
      tpu.wait_indirect_dma semaphore(%arg13 : memref<!tpu.dma_semaphore, #tpu.memory_space<semaphore_mem>>) src(%arg9 : memref<128x128xf32, #tpu.memory_space<vmem>>) dst(%dma_wait3A_291 : memref<10112x128xf32, #tpu.memory_space<vmem_shared>>)
      %add3A_292 = arith.constant 1 : i32
      %add3A_293 = arith.addi %add3A_283, %add3A_292 : i32
      %dma_start3A_294 = arith.constant 0 : i32
      %dma_start3A_295 = tpu.memref_slice %arg7[%add3A_293, %dma_start3A_294] : memref<40x128xi32, #tpu.memory_space<vmem>> -> memref<1x128xi32, #tpu.memory_space<vmem>>
      %dma_start3A_296 = tpu.memref_squeeze %dma_start3A_295 : memref<1x128xi32, #tpu.memory_space<vmem>> -> memref<128xi32, #tpu.memory_space<vmem>>
      %dma_start3A_297 = arith.constant 0 : i32
      %dma_start3A_298 = arith.constant 0 : i32
      %dma_start3A_299 = tpu.memref_slice %arg2[%dma_start3A_297, %dma_start3A_298] : memref<10000x128xf32, #tpu.memory_space<hbm>> -> memref<10000x128xf32, #tpu.memory_space<hbm>>
      tpu.enqueue_indirect_dma source(%dma_start3A_299 : memref<10000x128xf32, #tpu.memory_space<hbm>>) target(%arg9 : memref<128x128xf32, #tpu.memory_space<vmem>>) offsets(%dma_start3A_296 : memref<128xi32, #tpu.memory_space<vmem>>) semaphore(%arg11 : memref<!tpu.dma_semaphore, #tpu.memory_space<semaphore_mem>>)
      %dma_wait3A_300 = arith.constant 0 : i32
      %dma_wait3A_301 = tpu.memref_slice %arg7[%add3A_283, %dma_wait3A_300] : memref<40x128xi32, #tpu.memory_space<vmem>> -> memref<1x128xi32, #tpu.memory_space<vmem>>
      %dma_wait3A_302 = tpu.memref_squeeze %dma_wait3A_301 : memref<1x128xi32, #tpu.memory_space<vmem>> -> memref<128xi32, #tpu.memory_space<vmem>>
      %dma_wait3A_303 = arith.constant 0 : i32
      %dma_wait3A_304 = arith.constant 0 : i32
      %dma_wait3A_305 = tpu.memref_slice %arg2[%dma_wait3A_303, %dma_wait3A_304] : memref<10000x128xf32, #tpu.memory_space<hbm>> -> memref<10000x128xf32, #tpu.memory_space<hbm>>
      tpu.wait_indirect_dma semaphore(%arg12 : memref<!tpu.dma_semaphore, #tpu.memory_space<semaphore_mem>>) src(%dma_wait3A_305 : memref<10000x128xf32, #tpu.memory_space<hbm>>) dst(%arg10 : memref<128x128xf32, #tpu.memory_space<vmem>>)
      %dma_start3A_306 = arith.constant 0 : i32
      %dma_start3A_307 = tpu.memref_slice %arg8[%add3A_283, %dma_start3A_306] : memref<40x128xi32, #tpu.memory_space<vmem>> -> memref<1x128xi32, #tpu.memory_space<vmem>>
      %dma_start3A_308 = tpu.memref_squeeze %dma_start3A_307 : memref<1x128xi32, #tpu.memory_space<vmem>> -> memref<128xi32, #tpu.memory_space<vmem>>
      %dma_start3A_309 = arith.constant 0 : i32
      %dma_start3A_310 = arith.constant 0 : i32
      %dma_start3A_311 = tpu.memref_slice %arg16[%dma_start3A_309, %dma_start3A_310] : memref<10112x128xf32, #tpu.memory_space<vmem_shared>> -> memref<10112x128xf32, #tpu.memory_space<vmem_shared>>
      tpu.enqueue_indirect_dma source(%arg10 : memref<128x128xf32, #tpu.memory_space<vmem>>) target(%dma_start3A_311 : memref<10112x128xf32, #tpu.memory_space<vmem_shared>>) offsets(%dma_start3A_308 : memref<128xi32, #tpu.memory_space<vmem>>) semaphore(%arg14 : memref<!tpu.dma_semaphore, #tpu.memory_space<semaphore_mem>>) {add = true}
    }
    %scan3A_71 = arith.constant 18 : i32
    %dma_wait3A_72 = arith.constant 37 : i32
    %dma_wait3A_73 = arith.constant 0 : i32
    %dma_wait3A_74 = tpu.memref_slice %arg8[%dma_wait3A_72, %dma_wait3A_73] : memref<40x128xi32, #tpu.memory_space<vmem>> -> memref<1x128xi32, #tpu.memory_space<vmem>>
    %dma_wait3A_75 = tpu.memref_squeeze %dma_wait3A_74 : memref<1x128xi32, #tpu.memory_space<vmem>> -> memref<128xi32, #tpu.memory_space<vmem>>
    %dma_wait3A_76 = arith.constant 0 : i32
    %dma_wait3A_77 = arith.constant 0 : i32
    %dma_wait3A_78 = tpu.memref_slice %arg16[%dma_wait3A_76, %dma_wait3A_77] : memref<10112x128xf32, #tpu.memory_space<vmem_shared>> -> memref<10112x128xf32, #tpu.memory_space<vmem_shared>>
    tpu.wait_indirect_dma semaphore(%arg14 : memref<!tpu.dma_semaphore, #tpu.memory_space<semaphore_mem>>) src(%arg10 : memref<128x128xf32, #tpu.memory_space<vmem>>) dst(%dma_wait3A_78 : memref<10112x128xf32, #tpu.memory_space<vmem_shared>>)
    %dma_start3A_79 = arith.constant 39 : i32
    %dma_start3A_80 = arith.constant 0 : i32
    %dma_start3A_81 = tpu.memref_slice %arg7[%dma_start3A_79, %dma_start3A_80] : memref<40x128xi32, #tpu.memory_space<vmem>> -> memref<1x128xi32, #tpu.memory_space<vmem>>
    %dma_start3A_82 = tpu.memref_squeeze %dma_start3A_81 : memref<1x128xi32, #tpu.memory_space<vmem>> -> memref<128xi32, #tpu.memory_space<vmem>>
    %dma_start3A_83 = arith.constant 0 : i32
    %dma_start3A_84 = arith.constant 0 : i32
    %dma_start3A_85 = tpu.memref_slice %arg2[%dma_start3A_83, %dma_start3A_84] : memref<10000x128xf32, #tpu.memory_space<hbm>> -> memref<10000x128xf32, #tpu.memory_space<hbm>>
    tpu.enqueue_indirect_dma source(%dma_start3A_85 : memref<10000x128xf32, #tpu.memory_space<hbm>>) target(%arg10 : memref<128x128xf32, #tpu.memory_space<vmem>>) offsets(%dma_start3A_82 : memref<128xi32, #tpu.memory_space<vmem>>) semaphore(%arg12 : memref<!tpu.dma_semaphore, #tpu.memory_space<semaphore_mem>>)
    %dma_wait3A_86 = arith.constant 38 : i32
    %dma_wait3A_87 = arith.constant 0 : i32
    %dma_wait3A_88 = tpu.memref_slice %arg7[%dma_wait3A_86, %dma_wait3A_87] : memref<40x128xi32, #tpu.memory_space<vmem>> -> memref<1x128xi32, #tpu.memory_space<vmem>>
    %dma_wait3A_89 = tpu.memref_squeeze %dma_wait3A_88 : memref<1x128xi32, #tpu.memory_space<vmem>> -> memref<128xi32, #tpu.memory_space<vmem>>
    %dma_wait3A_90 = arith.constant 0 : i32
    %dma_wait3A_91 = arith.constant 0 : i32
    %dma_wait3A_92 = tpu.memref_slice %arg2[%dma_wait3A_90, %dma_wait3A_91] : memref<10000x128xf32, #tpu.memory_space<hbm>> -> memref<10000x128xf32, #tpu.memory_space<hbm>>
    tpu.wait_indirect_dma semaphore(%arg11 : memref<!tpu.dma_semaphore, #tpu.memory_space<semaphore_mem>>) src(%dma_wait3A_92 : memref<10000x128xf32, #tpu.memory_space<hbm>>) dst(%arg9 : memref<128x128xf32, #tpu.memory_space<vmem>>)
    %dma_start3A_93 = arith.constant 38 : i32
    %dma_start3A_94 = arith.constant 0 : i32
    %dma_start3A_95 = tpu.memref_slice %arg8[%dma_start3A_93, %dma_start3A_94] : memref<40x128xi32, #tpu.memory_space<vmem>> -> memref<1x128xi32, #tpu.memory_space<vmem>>
    %dma_start3A_96 = tpu.memref_squeeze %dma_start3A_95 : memref<1x128xi32, #tpu.memory_space<vmem>> -> memref<128xi32, #tpu.memory_space<vmem>>
    %dma_start3A_97 = arith.constant 0 : i32
    %dma_start3A_98 = arith.constant 0 : i32
    %dma_start3A_99 = tpu.memref_slice %arg16[%dma_start3A_97, %dma_start3A_98] : memref<10112x128xf32, #tpu.memory_space<vmem_shared>> -> memref<10112x128xf32, #tpu.memory_space<vmem_shared>>
    tpu.enqueue_indirect_dma source(%arg9 : memref<128x128xf32, #tpu.memory_space<vmem>>) target(%dma_start3A_99 : memref<10112x128xf32, #tpu.memory_space<vmem_shared>>) offsets(%dma_start3A_96 : memref<128xi32, #tpu.memory_space<vmem>>) semaphore(%arg13 : memref<!tpu.dma_semaphore, #tpu.memory_space<semaphore_mem>>) {add = true}
    %dma_wait3A_100 = arith.constant 38 : i32
    %dma_wait3A_101 = arith.constant 0 : i32
    %dma_wait3A_102 = tpu.memref_slice %arg8[%dma_wait3A_100, %dma_wait3A_101] : memref<40x128xi32, #tpu.memory_space<vmem>> -> memref<1x128xi32, #tpu.memory_space<vmem>>
    %dma_wait3A_103 = tpu.memref_squeeze %dma_wait3A_102 : memref<1x128xi32, #tpu.memory_space<vmem>> -> memref<128xi32, #tpu.memory_space<vmem>>
    %dma_wait3A_104 = arith.constant 0 : i32
    %dma_wait3A_105 = arith.constant 0 : i32
    %dma_wait3A_106 = tpu.memref_slice %arg16[%dma_wait3A_104, %dma_wait3A_105] : memref<10112x128xf32, #tpu.memory_space<vmem_shared>> -> memref<10112x128xf32, #tpu.memory_space<vmem_shared>>
    tpu.wait_indirect_dma semaphore(%arg13 : memref<!tpu.dma_semaphore, #tpu.memory_space<semaphore_mem>>) src(%arg9 : memref<128x128xf32, #tpu.memory_space<vmem>>) dst(%dma_wait3A_106 : memref<10112x128xf32, #tpu.memory_space<vmem_shared>>)
    %dma_wait3A_107 = arith.constant 39 : i32
    %dma_wait3A_108 = arith.constant 0 : i32
    %dma_wait3A_109 = tpu.memref_slice %arg7[%dma_wait3A_107, %dma_wait3A_108] : memref<40x128xi32, #tpu.memory_space<vmem>> -> memref<1x128xi32, #tpu.memory_space<vmem>>
    %dma_wait3A_110 = tpu.memref_squeeze %dma_wait3A_109 : memref<1x128xi32, #tpu.memory_space<vmem>> -> memref<128xi32, #tpu.memory_space<vmem>>
    %dma_wait3A_111 = arith.constant 0 : i32
    %dma_wait3A_112 = arith.constant 0 : i32
    %dma_wait3A_113 = tpu.memref_slice %arg2[%dma_wait3A_111, %dma_wait3A_112] : memref<10000x128xf32, #tpu.memory_space<hbm>> -> memref<10000x128xf32, #tpu.memory_space<hbm>>
    tpu.wait_indirect_dma semaphore(%arg12 : memref<!tpu.dma_semaphore, #tpu.memory_space<semaphore_mem>>) src(%dma_wait3A_113 : memref<10000x128xf32, #tpu.memory_space<hbm>>) dst(%arg10 : memref<128x128xf32, #tpu.memory_space<vmem>>)
    %dma_start3A_114 = arith.constant 39 : i32
    %dma_start3A_115 = arith.constant 0 : i32
    %dma_start3A_116 = tpu.memref_slice %arg8[%dma_start3A_114, %dma_start3A_115] : memref<40x128xi32, #tpu.memory_space<vmem>> -> memref<1x128xi32, #tpu.memory_space<vmem>>
    %dma_start3A_117 = tpu.memref_squeeze %dma_start3A_116 : memref<1x128xi32, #tpu.memory_space<vmem>> -> memref<128xi32, #tpu.memory_space<vmem>>
    %dma_start3A_118 = arith.constant 0 : i32
    %dma_start3A_119 = arith.constant 0 : i32
    %dma_start3A_120 = tpu.memref_slice %arg16[%dma_start3A_118, %dma_start3A_119] : memref<10112x128xf32, #tpu.memory_space<vmem_shared>> -> memref<10112x128xf32, #tpu.memory_space<vmem_shared>>
    tpu.enqueue_indirect_dma source(%arg10 : memref<128x128xf32, #tpu.memory_space<vmem>>) target(%dma_start3A_120 : memref<10112x128xf32, #tpu.memory_space<vmem_shared>>) offsets(%dma_start3A_117 : memref<128xi32, #tpu.memory_space<vmem>>) semaphore(%arg14 : memref<!tpu.dma_semaphore, #tpu.memory_space<semaphore_mem>>) {add = true}
    %dma_wait3A_121 = arith.constant 39 : i32
    %dma_wait3A_122 = arith.constant 0 : i32
    %dma_wait3A_123 = tpu.memref_slice %arg8[%dma_wait3A_121, %dma_wait3A_122] : memref<40x128xi32, #tpu.memory_space<vmem>> -> memref<1x128xi32, #tpu.memory_space<vmem>>
    %dma_wait3A_124 = tpu.memref_squeeze %dma_wait3A_123 : memref<1x128xi32, #tpu.memory_space<vmem>> -> memref<128xi32, #tpu.memory_space<vmem>>
    %dma_wait3A_125 = arith.constant 0 : i32
    %dma_wait3A_126 = arith.constant 0 : i32
    %dma_wait3A_127 = tpu.memref_slice %arg16[%dma_wait3A_125, %dma_wait3A_126] : memref<10112x128xf32, #tpu.memory_space<vmem_shared>> -> memref<10112x128xf32, #tpu.memory_space<vmem_shared>>
    tpu.wait_indirect_dma semaphore(%arg14 : memref<!tpu.dma_semaphore, #tpu.memory_space<semaphore_mem>>) src(%arg10 : memref<128x128xf32, #tpu.memory_space<vmem>>) dst(%dma_wait3A_127 : memref<10112x128xf32, #tpu.memory_space<vmem_shared>>)
    "tpu.region"() ({
      %run_scoped3A = tpu.sem_alloc : memref<!tpu.dma_semaphore, #tpu.memory_space<semaphore_mem>>
      %dma_start3A_250 = arith.constant 40 : i32
      %dma_start3A_251 = arith.constant 0 : i32
      %dma_start3A_252 = tpu.memref_slice %arg3[%add3A, %dma_start3A_250, %dma_start3A_251] : memref<32x80x128xi32, #tpu.memory_space<hbm>> -> memref<1x40x128xi32, #tpu.memory_space<hbm>>
      %dma_start3A_253 = tpu.memref_squeeze %dma_start3A_252 : memref<1x40x128xi32, #tpu.memory_space<hbm>> -> memref<40x128xi32, #tpu.memory_space<hbm>>
      %dma_start3A_254 = arith.constant 40 : i32
      %dma_start3A_255 = arith.constant 0 : i32
      %dma_start3A_256 = tpu.memref_slice %arg3[%add3A, %dma_start3A_254, %dma_start3A_255] : memref<32x80x128xi32, #tpu.memory_space<hbm>> -> memref<1x40x128xi32, #tpu.memory_space<hbm>>
      %dma_start3A_257 = tpu.memref_squeeze %dma_start3A_256 : memref<1x40x128xi32, #tpu.memory_space<hbm>> -> memref<40x128xi32, #tpu.memory_space<hbm>>
      tpu.enqueue_dma source(%dma_start3A_257 : memref<40x128xi32, #tpu.memory_space<hbm>>) target(%arg7 : memref<40x128xi32, #tpu.memory_space<vmem>>) target_semaphore(%run_scoped3A : memref<!tpu.dma_semaphore, #tpu.memory_space<semaphore_mem>>)
      %dma_wait3A_258 = arith.constant 40 : i32
      %dma_wait3A_259 = arith.constant 0 : i32
      %dma_wait3A_260 = tpu.memref_slice %arg3[%add3A, %dma_wait3A_258, %dma_wait3A_259] : memref<32x80x128xi32, #tpu.memory_space<hbm>> -> memref<1x40x128xi32, #tpu.memory_space<hbm>>
      %dma_wait3A_261 = tpu.memref_squeeze %dma_wait3A_260 : memref<1x40x128xi32, #tpu.memory_space<hbm>> -> memref<40x128xi32, #tpu.memory_space<hbm>>
      %dma_wait3A_262 = arith.constant 40 : i32
      %dma_wait3A_263 = arith.constant 0 : i32
      %dma_wait3A_264 = tpu.memref_slice %arg3[%add3A, %dma_wait3A_262, %dma_wait3A_263] : memref<32x80x128xi32, #tpu.memory_space<hbm>> -> memref<1x40x128xi32, #tpu.memory_space<hbm>>
      %dma_wait3A_265 = tpu.memref_squeeze %dma_wait3A_264 : memref<1x40x128xi32, #tpu.memory_space<hbm>> -> memref<40x128xi32, #tpu.memory_space<hbm>>
      tpu.wait_dma2 semaphore(%run_scoped3A : memref<!tpu.dma_semaphore, #tpu.memory_space<semaphore_mem>>) src(%dma_wait3A_265 : memref<40x128xi32, #tpu.memory_space<hbm>>) dst(%arg7 : memref<40x128xi32, #tpu.memory_space<vmem>>)
      tpu.yield
    }) : () -> ()
    "tpu.region"() ({
      %run_scoped3A = tpu.sem_alloc : memref<!tpu.dma_semaphore, #tpu.memory_space<semaphore_mem>>
      %dma_start3A_250 = arith.constant 40 : i32
      %dma_start3A_251 = arith.constant 0 : i32
      %dma_start3A_252 = tpu.memref_slice %arg4[%add3A, %dma_start3A_250, %dma_start3A_251] : memref<32x80x128xi32, #tpu.memory_space<hbm>> -> memref<1x40x128xi32, #tpu.memory_space<hbm>>
      %dma_start3A_253 = tpu.memref_squeeze %dma_start3A_252 : memref<1x40x128xi32, #tpu.memory_space<hbm>> -> memref<40x128xi32, #tpu.memory_space<hbm>>
      %dma_start3A_254 = arith.constant 40 : i32
      %dma_start3A_255 = arith.constant 0 : i32
      %dma_start3A_256 = tpu.memref_slice %arg4[%add3A, %dma_start3A_254, %dma_start3A_255] : memref<32x80x128xi32, #tpu.memory_space<hbm>> -> memref<1x40x128xi32, #tpu.memory_space<hbm>>
      %dma_start3A_257 = tpu.memref_squeeze %dma_start3A_256 : memref<1x40x128xi32, #tpu.memory_space<hbm>> -> memref<40x128xi32, #tpu.memory_space<hbm>>
      tpu.enqueue_dma source(%dma_start3A_257 : memref<40x128xi32, #tpu.memory_space<hbm>>) target(%arg8 : memref<40x128xi32, #tpu.memory_space<vmem>>) target_semaphore(%run_scoped3A : memref<!tpu.dma_semaphore, #tpu.memory_space<semaphore_mem>>)
      %dma_wait3A_258 = arith.constant 40 : i32
      %dma_wait3A_259 = arith.constant 0 : i32
      %dma_wait3A_260 = tpu.memref_slice %arg4[%add3A, %dma_wait3A_258, %dma_wait3A_259] : memref<32x80x128xi32, #tpu.memory_space<hbm>> -> memref<1x40x128xi32, #tpu.memory_space<hbm>>
      %dma_wait3A_261 = tpu.memref_squeeze %dma_wait3A_260 : memref<1x40x128xi32, #tpu.memory_space<hbm>> -> memref<40x128xi32, #tpu.memory_space<hbm>>
      %dma_wait3A_262 = arith.constant 40 : i32
      %dma_wait3A_263 = arith.constant 0 : i32
      %dma_wait3A_264 = tpu.memref_slice %arg4[%add3A, %dma_wait3A_262, %dma_wait3A_263] : memref<32x80x128xi32, #tpu.memory_space<hbm>> -> memref<1x40x128xi32, #tpu.memory_space<hbm>>
      %dma_wait3A_265 = tpu.memref_squeeze %dma_wait3A_264 : memref<1x40x128xi32, #tpu.memory_space<hbm>> -> memref<40x128xi32, #tpu.memory_space<hbm>>
      tpu.wait_dma2 semaphore(%run_scoped3A : memref<!tpu.dma_semaphore, #tpu.memory_space<semaphore_mem>>) src(%dma_wait3A_265 : memref<40x128xi32, #tpu.memory_space<hbm>>) dst(%arg8 : memref<40x128xi32, #tpu.memory_space<vmem>>)
      tpu.yield
    }) : () -> ()
    %dma_start3A_128 = arith.constant 0 : i32
    %dma_start3A_129 = arith.constant 0 : i32
    %dma_start3A_130 = tpu.memref_slice %arg7[%dma_start3A_128, %dma_start3A_129] : memref<40x128xi32, #tpu.memory_space<vmem>> -> memref<1x128xi32, #tpu.memory_space<vmem>>
    %dma_start3A_131 = tpu.memref_squeeze %dma_start3A_130 : memref<1x128xi32, #tpu.memory_space<vmem>> -> memref<128xi32, #tpu.memory_space<vmem>>
    %dma_start3A_132 = arith.constant 0 : i32
    %dma_start3A_133 = arith.constant 0 : i32
    %dma_start3A_134 = tpu.memref_slice %arg2[%dma_start3A_132, %dma_start3A_133] : memref<10000x128xf32, #tpu.memory_space<hbm>> -> memref<10000x128xf32, #tpu.memory_space<hbm>>
    tpu.enqueue_indirect_dma source(%dma_start3A_134 : memref<10000x128xf32, #tpu.memory_space<hbm>>) target(%arg9 : memref<128x128xf32, #tpu.memory_space<vmem>>) offsets(%dma_start3A_131 : memref<128xi32, #tpu.memory_space<vmem>>) semaphore(%arg11 : memref<!tpu.dma_semaphore, #tpu.memory_space<semaphore_mem>>)
    %dma_start3A_135 = arith.constant 1 : i32
    %dma_start3A_136 = arith.constant 0 : i32
    %dma_start3A_137 = tpu.memref_slice %arg7[%dma_start3A_135, %dma_start3A_136] : memref<40x128xi32, #tpu.memory_space<vmem>> -> memref<1x128xi32, #tpu.memory_space<vmem>>
    %dma_start3A_138 = tpu.memref_squeeze %dma_start3A_137 : memref<1x128xi32, #tpu.memory_space<vmem>> -> memref<128xi32, #tpu.memory_space<vmem>>
    %dma_start3A_139 = arith.constant 0 : i32
    %dma_start3A_140 = arith.constant 0 : i32
    %dma_start3A_141 = tpu.memref_slice %arg2[%dma_start3A_139, %dma_start3A_140] : memref<10000x128xf32, #tpu.memory_space<hbm>> -> memref<10000x128xf32, #tpu.memory_space<hbm>>
    tpu.enqueue_indirect_dma source(%dma_start3A_141 : memref<10000x128xf32, #tpu.memory_space<hbm>>) target(%arg10 : memref<128x128xf32, #tpu.memory_space<vmem>>) offsets(%dma_start3A_138 : memref<128xi32, #tpu.memory_space<vmem>>) semaphore(%arg12 : memref<!tpu.dma_semaphore, #tpu.memory_space<semaphore_mem>>)
    %dma_wait3A_142 = arith.constant 0 : i32
    %dma_wait3A_143 = arith.constant 0 : i32
    %dma_wait3A_144 = tpu.memref_slice %arg7[%dma_wait3A_142, %dma_wait3A_143] : memref<40x128xi32, #tpu.memory_space<vmem>> -> memref<1x128xi32, #tpu.memory_space<vmem>>
    %dma_wait3A_145 = tpu.memref_squeeze %dma_wait3A_144 : memref<1x128xi32, #tpu.memory_space<vmem>> -> memref<128xi32, #tpu.memory_space<vmem>>
    %dma_wait3A_146 = arith.constant 0 : i32
    %dma_wait3A_147 = arith.constant 0 : i32
    %dma_wait3A_148 = tpu.memref_slice %arg2[%dma_wait3A_146, %dma_wait3A_147] : memref<10000x128xf32, #tpu.memory_space<hbm>> -> memref<10000x128xf32, #tpu.memory_space<hbm>>
    tpu.wait_indirect_dma semaphore(%arg11 : memref<!tpu.dma_semaphore, #tpu.memory_space<semaphore_mem>>) src(%dma_wait3A_148 : memref<10000x128xf32, #tpu.memory_space<hbm>>) dst(%arg9 : memref<128x128xf32, #tpu.memory_space<vmem>>)
    %dma_start3A_149 = arith.constant 0 : i32
    %dma_start3A_150 = arith.constant 0 : i32
    %dma_start3A_151 = tpu.memref_slice %arg8[%dma_start3A_149, %dma_start3A_150] : memref<40x128xi32, #tpu.memory_space<vmem>> -> memref<1x128xi32, #tpu.memory_space<vmem>>
    %dma_start3A_152 = tpu.memref_squeeze %dma_start3A_151 : memref<1x128xi32, #tpu.memory_space<vmem>> -> memref<128xi32, #tpu.memory_space<vmem>>
    %dma_start3A_153 = arith.constant 0 : i32
    %dma_start3A_154 = arith.constant 0 : i32
    %dma_start3A_155 = tpu.memref_slice %arg16[%dma_start3A_153, %dma_start3A_154] : memref<10112x128xf32, #tpu.memory_space<vmem_shared>> -> memref<10112x128xf32, #tpu.memory_space<vmem_shared>>
    tpu.enqueue_indirect_dma source(%arg9 : memref<128x128xf32, #tpu.memory_space<vmem>>) target(%dma_start3A_155 : memref<10112x128xf32, #tpu.memory_space<vmem_shared>>) offsets(%dma_start3A_152 : memref<128xi32, #tpu.memory_space<vmem>>) semaphore(%arg13 : memref<!tpu.dma_semaphore, #tpu.memory_space<semaphore_mem>>) {add = true}
    %dma_wait3A_156 = arith.constant 0 : i32
    %dma_wait3A_157 = arith.constant 0 : i32
    %dma_wait3A_158 = tpu.memref_slice %arg8[%dma_wait3A_156, %dma_wait3A_157] : memref<40x128xi32, #tpu.memory_space<vmem>> -> memref<1x128xi32, #tpu.memory_space<vmem>>
    %dma_wait3A_159 = tpu.memref_squeeze %dma_wait3A_158 : memref<1x128xi32, #tpu.memory_space<vmem>> -> memref<128xi32, #tpu.memory_space<vmem>>
    %dma_wait3A_160 = arith.constant 0 : i32
    %dma_wait3A_161 = arith.constant 0 : i32
    %dma_wait3A_162 = tpu.memref_slice %arg16[%dma_wait3A_160, %dma_wait3A_161] : memref<10112x128xf32, #tpu.memory_space<vmem_shared>> -> memref<10112x128xf32, #tpu.memory_space<vmem_shared>>
    tpu.wait_indirect_dma semaphore(%arg13 : memref<!tpu.dma_semaphore, #tpu.memory_space<semaphore_mem>>) src(%arg9 : memref<128x128xf32, #tpu.memory_space<vmem>>) dst(%dma_wait3A_162 : memref<10112x128xf32, #tpu.memory_space<vmem_shared>>)
    %dma_start3A_163 = arith.constant 2 : i32
    %dma_start3A_164 = arith.constant 0 : i32
    %dma_start3A_165 = tpu.memref_slice %arg7[%dma_start3A_163, %dma_start3A_164] : memref<40x128xi32, #tpu.memory_space<vmem>> -> memref<1x128xi32, #tpu.memory_space<vmem>>
    %dma_start3A_166 = tpu.memref_squeeze %dma_start3A_165 : memref<1x128xi32, #tpu.memory_space<vmem>> -> memref<128xi32, #tpu.memory_space<vmem>>
    %dma_start3A_167 = arith.constant 0 : i32
    %dma_start3A_168 = arith.constant 0 : i32
    %dma_start3A_169 = tpu.memref_slice %arg2[%dma_start3A_167, %dma_start3A_168] : memref<10000x128xf32, #tpu.memory_space<hbm>> -> memref<10000x128xf32, #tpu.memory_space<hbm>>
    tpu.enqueue_indirect_dma source(%dma_start3A_169 : memref<10000x128xf32, #tpu.memory_space<hbm>>) target(%arg9 : memref<128x128xf32, #tpu.memory_space<vmem>>) offsets(%dma_start3A_166 : memref<128xi32, #tpu.memory_space<vmem>>) semaphore(%arg11 : memref<!tpu.dma_semaphore, #tpu.memory_space<semaphore_mem>>)
    %dma_wait3A_170 = arith.constant 1 : i32
    %dma_wait3A_171 = arith.constant 0 : i32
    %dma_wait3A_172 = tpu.memref_slice %arg7[%dma_wait3A_170, %dma_wait3A_171] : memref<40x128xi32, #tpu.memory_space<vmem>> -> memref<1x128xi32, #tpu.memory_space<vmem>>
    %dma_wait3A_173 = tpu.memref_squeeze %dma_wait3A_172 : memref<1x128xi32, #tpu.memory_space<vmem>> -> memref<128xi32, #tpu.memory_space<vmem>>
    %dma_wait3A_174 = arith.constant 0 : i32
    %dma_wait3A_175 = arith.constant 0 : i32
    %dma_wait3A_176 = tpu.memref_slice %arg2[%dma_wait3A_174, %dma_wait3A_175] : memref<10000x128xf32, #tpu.memory_space<hbm>> -> memref<10000x128xf32, #tpu.memory_space<hbm>>
    tpu.wait_indirect_dma semaphore(%arg12 : memref<!tpu.dma_semaphore, #tpu.memory_space<semaphore_mem>>) src(%dma_wait3A_176 : memref<10000x128xf32, #tpu.memory_space<hbm>>) dst(%arg10 : memref<128x128xf32, #tpu.memory_space<vmem>>)
    %dma_start3A_177 = arith.constant 1 : i32
    %dma_start3A_178 = arith.constant 0 : i32
    %dma_start3A_179 = tpu.memref_slice %arg8[%dma_start3A_177, %dma_start3A_178] : memref<40x128xi32, #tpu.memory_space<vmem>> -> memref<1x128xi32, #tpu.memory_space<vmem>>
    %dma_start3A_180 = tpu.memref_squeeze %dma_start3A_179 : memref<1x128xi32, #tpu.memory_space<vmem>> -> memref<128xi32, #tpu.memory_space<vmem>>
    %dma_start3A_181 = arith.constant 0 : i32
    %dma_start3A_182 = arith.constant 0 : i32
    %dma_start3A_183 = tpu.memref_slice %arg16[%dma_start3A_181, %dma_start3A_182] : memref<10112x128xf32, #tpu.memory_space<vmem_shared>> -> memref<10112x128xf32, #tpu.memory_space<vmem_shared>>
    tpu.enqueue_indirect_dma source(%arg10 : memref<128x128xf32, #tpu.memory_space<vmem>>) target(%dma_start3A_183 : memref<10112x128xf32, #tpu.memory_space<vmem_shared>>) offsets(%dma_start3A_180 : memref<128xi32, #tpu.memory_space<vmem>>) semaphore(%arg14 : memref<!tpu.dma_semaphore, #tpu.memory_space<semaphore_mem>>) {add = true}
    %scan3A_184 = arith.constant 0 : i32
    %scan3A_185 = arith.constant 1 : i32
    %scan3A_186 = arith.constant 18 : i32
    %scan3A_187 = arith.addi %scan3A_185, %scan3A_186 : i32
    %scan3A_188 = arith.constant 1 : i32
    scf.for %scan3A_250 = %scan3A_185 to %scan3A_187 step %scan3A_188  : i32 {
      %mul3A_251 = arith.constant 2 : i32
      %mul3A_252 = arith.muli %mul3A_251, %scan3A_250 : i32
      %sub3A = arith.constant 1 : i32
      %sub3A_253 = arith.subi %mul3A_252, %sub3A : i32
      %dma_wait3A_254 = arith.constant 0 : i32
      %dma_wait3A_255 = tpu.memref_slice %arg8[%sub3A_253, %dma_wait3A_254] : memref<40x128xi32, #tpu.memory_space<vmem>> -> memref<1x128xi32, #tpu.memory_space<vmem>>
      %dma_wait3A_256 = tpu.memref_squeeze %dma_wait3A_255 : memref<1x128xi32, #tpu.memory_space<vmem>> -> memref<128xi32, #tpu.memory_space<vmem>>
      %dma_wait3A_257 = arith.constant 0 : i32
      %dma_wait3A_258 = arith.constant 0 : i32
      %dma_wait3A_259 = tpu.memref_slice %arg16[%dma_wait3A_257, %dma_wait3A_258] : memref<10112x128xf32, #tpu.memory_space<vmem_shared>> -> memref<10112x128xf32, #tpu.memory_space<vmem_shared>>
      tpu.wait_indirect_dma semaphore(%arg14 : memref<!tpu.dma_semaphore, #tpu.memory_space<semaphore_mem>>) src(%arg10 : memref<128x128xf32, #tpu.memory_space<vmem>>) dst(%dma_wait3A_259 : memref<10112x128xf32, #tpu.memory_space<vmem_shared>>)
      %add3A_260 = arith.constant 1 : i32
      %add3A_261 = arith.addi %mul3A_252, %add3A_260 : i32
      %dma_start3A_262 = arith.constant 0 : i32
      %dma_start3A_263 = tpu.memref_slice %arg7[%add3A_261, %dma_start3A_262] : memref<40x128xi32, #tpu.memory_space<vmem>> -> memref<1x128xi32, #tpu.memory_space<vmem>>
      %dma_start3A_264 = tpu.memref_squeeze %dma_start3A_263 : memref<1x128xi32, #tpu.memory_space<vmem>> -> memref<128xi32, #tpu.memory_space<vmem>>
      %dma_start3A_265 = arith.constant 0 : i32
      %dma_start3A_266 = arith.constant 0 : i32
      %dma_start3A_267 = tpu.memref_slice %arg2[%dma_start3A_265, %dma_start3A_266] : memref<10000x128xf32, #tpu.memory_space<hbm>> -> memref<10000x128xf32, #tpu.memory_space<hbm>>
      tpu.enqueue_indirect_dma source(%dma_start3A_267 : memref<10000x128xf32, #tpu.memory_space<hbm>>) target(%arg10 : memref<128x128xf32, #tpu.memory_space<vmem>>) offsets(%dma_start3A_264 : memref<128xi32, #tpu.memory_space<vmem>>) semaphore(%arg12 : memref<!tpu.dma_semaphore, #tpu.memory_space<semaphore_mem>>)
      %dma_wait3A_268 = arith.constant 0 : i32
      %dma_wait3A_269 = tpu.memref_slice %arg7[%mul3A_252, %dma_wait3A_268] : memref<40x128xi32, #tpu.memory_space<vmem>> -> memref<1x128xi32, #tpu.memory_space<vmem>>
      %dma_wait3A_270 = tpu.memref_squeeze %dma_wait3A_269 : memref<1x128xi32, #tpu.memory_space<vmem>> -> memref<128xi32, #tpu.memory_space<vmem>>
      %dma_wait3A_271 = arith.constant 0 : i32
      %dma_wait3A_272 = arith.constant 0 : i32
      %dma_wait3A_273 = tpu.memref_slice %arg2[%dma_wait3A_271, %dma_wait3A_272] : memref<10000x128xf32, #tpu.memory_space<hbm>> -> memref<10000x128xf32, #tpu.memory_space<hbm>>
      tpu.wait_indirect_dma semaphore(%arg11 : memref<!tpu.dma_semaphore, #tpu.memory_space<semaphore_mem>>) src(%dma_wait3A_273 : memref<10000x128xf32, #tpu.memory_space<hbm>>) dst(%arg9 : memref<128x128xf32, #tpu.memory_space<vmem>>)
      %dma_start3A_274 = arith.constant 0 : i32
      %dma_start3A_275 = tpu.memref_slice %arg8[%mul3A_252, %dma_start3A_274] : memref<40x128xi32, #tpu.memory_space<vmem>> -> memref<1x128xi32, #tpu.memory_space<vmem>>
      %dma_start3A_276 = tpu.memref_squeeze %dma_start3A_275 : memref<1x128xi32, #tpu.memory_space<vmem>> -> memref<128xi32, #tpu.memory_space<vmem>>
      %dma_start3A_277 = arith.constant 0 : i32
      %dma_start3A_278 = arith.constant 0 : i32
      %dma_start3A_279 = tpu.memref_slice %arg16[%dma_start3A_277, %dma_start3A_278] : memref<10112x128xf32, #tpu.memory_space<vmem_shared>> -> memref<10112x128xf32, #tpu.memory_space<vmem_shared>>
      tpu.enqueue_indirect_dma source(%arg9 : memref<128x128xf32, #tpu.memory_space<vmem>>) target(%dma_start3A_279 : memref<10112x128xf32, #tpu.memory_space<vmem_shared>>) offsets(%dma_start3A_276 : memref<128xi32, #tpu.memory_space<vmem>>) semaphore(%arg13 : memref<!tpu.dma_semaphore, #tpu.memory_space<semaphore_mem>>) {add = true}
      %mul3A_280 = arith.constant 2 : i32
      %mul3A_281 = arith.muli %mul3A_280, %scan3A_250 : i32
      %add3A_282 = arith.constant 1 : i32
      %add3A_283 = arith.addi %mul3A_281, %add3A_282 : i32
      %sub3A_284 = arith.constant 1 : i32
      %sub3A_285 = arith.subi %add3A_283, %sub3A_284 : i32
      %dma_wait3A_286 = arith.constant 0 : i32
      %dma_wait3A_287 = tpu.memref_slice %arg8[%sub3A_285, %dma_wait3A_286] : memref<40x128xi32, #tpu.memory_space<vmem>> -> memref<1x128xi32, #tpu.memory_space<vmem>>
      %dma_wait3A_288 = tpu.memref_squeeze %dma_wait3A_287 : memref<1x128xi32, #tpu.memory_space<vmem>> -> memref<128xi32, #tpu.memory_space<vmem>>
      %dma_wait3A_289 = arith.constant 0 : i32
      %dma_wait3A_290 = arith.constant 0 : i32
      %dma_wait3A_291 = tpu.memref_slice %arg16[%dma_wait3A_289, %dma_wait3A_290] : memref<10112x128xf32, #tpu.memory_space<vmem_shared>> -> memref<10112x128xf32, #tpu.memory_space<vmem_shared>>
      tpu.wait_indirect_dma semaphore(%arg13 : memref<!tpu.dma_semaphore, #tpu.memory_space<semaphore_mem>>) src(%arg9 : memref<128x128xf32, #tpu.memory_space<vmem>>) dst(%dma_wait3A_291 : memref<10112x128xf32, #tpu.memory_space<vmem_shared>>)
      %add3A_292 = arith.constant 1 : i32
      %add3A_293 = arith.addi %add3A_283, %add3A_292 : i32
      %dma_start3A_294 = arith.constant 0 : i32
      %dma_start3A_295 = tpu.memref_slice %arg7[%add3A_293, %dma_start3A_294] : memref<40x128xi32, #tpu.memory_space<vmem>> -> memref<1x128xi32, #tpu.memory_space<vmem>>
      %dma_start3A_296 = tpu.memref_squeeze %dma_start3A_295 : memref<1x128xi32, #tpu.memory_space<vmem>> -> memref<128xi32, #tpu.memory_space<vmem>>
      %dma_start3A_297 = arith.constant 0 : i32
      %dma_start3A_298 = arith.constant 0 : i32
      %dma_start3A_299 = tpu.memref_slice %arg2[%dma_start3A_297, %dma_start3A_298] : memref<10000x128xf32, #tpu.memory_space<hbm>> -> memref<10000x128xf32, #tpu.memory_space<hbm>>
      tpu.enqueue_indirect_dma source(%dma_start3A_299 : memref<10000x128xf32, #tpu.memory_space<hbm>>) target(%arg9 : memref<128x128xf32, #tpu.memory_space<vmem>>) offsets(%dma_start3A_296 : memref<128xi32, #tpu.memory_space<vmem>>) semaphore(%arg11 : memref<!tpu.dma_semaphore, #tpu.memory_space<semaphore_mem>>)
      %dma_wait3A_300 = arith.constant 0 : i32
      %dma_wait3A_301 = tpu.memref_slice %arg7[%add3A_283, %dma_wait3A_300] : memref<40x128xi32, #tpu.memory_space<vmem>> -> memref<1x128xi32, #tpu.memory_space<vmem>>
      %dma_wait3A_302 = tpu.memref_squeeze %dma_wait3A_301 : memref<1x128xi32, #tpu.memory_space<vmem>> -> memref<128xi32, #tpu.memory_space<vmem>>
      %dma_wait3A_303 = arith.constant 0 : i32
      %dma_wait3A_304 = arith.constant 0 : i32
      %dma_wait3A_305 = tpu.memref_slice %arg2[%dma_wait3A_303, %dma_wait3A_304] : memref<10000x128xf32, #tpu.memory_space<hbm>> -> memref<10000x128xf32, #tpu.memory_space<hbm>>
      tpu.wait_indirect_dma semaphore(%arg12 : memref<!tpu.dma_semaphore, #tpu.memory_space<semaphore_mem>>) src(%dma_wait3A_305 : memref<10000x128xf32, #tpu.memory_space<hbm>>) dst(%arg10 : memref<128x128xf32, #tpu.memory_space<vmem>>)
      %dma_start3A_306 = arith.constant 0 : i32
      %dma_start3A_307 = tpu.memref_slice %arg8[%add3A_283, %dma_start3A_306] : memref<40x128xi32, #tpu.memory_space<vmem>> -> memref<1x128xi32, #tpu.memory_space<vmem>>
      %dma_start3A_308 = tpu.memref_squeeze %dma_start3A_307 : memref<1x128xi32, #tpu.memory_space<vmem>> -> memref<128xi32, #tpu.memory_space<vmem>>
      %dma_start3A_309 = arith.constant 0 : i32
      %dma_start3A_310 = arith.constant 0 : i32
      %dma_start3A_311 = tpu.memref_slice %arg16[%dma_start3A_309, %dma_start3A_310] : memref<10112x128xf32, #tpu.memory_space<vmem_shared>> -> memref<10112x128xf32, #tpu.memory_space<vmem_shared>>
      tpu.enqueue_indirect_dma source(%arg10 : memref<128x128xf32, #tpu.memory_space<vmem>>) target(%dma_start3A_311 : memref<10112x128xf32, #tpu.memory_space<vmem_shared>>) offsets(%dma_start3A_308 : memref<128xi32, #tpu.memory_space<vmem>>) semaphore(%arg14 : memref<!tpu.dma_semaphore, #tpu.memory_space<semaphore_mem>>) {add = true}
    }
    %scan3A_189 = arith.constant 18 : i32
    %dma_wait3A_190 = arith.constant 37 : i32
    %dma_wait3A_191 = arith.constant 0 : i32
    %dma_wait3A_192 = tpu.memref_slice %arg8[%dma_wait3A_190, %dma_wait3A_191] : memref<40x128xi32, #tpu.memory_space<vmem>> -> memref<1x128xi32, #tpu.memory_space<vmem>>
    %dma_wait3A_193 = tpu.memref_squeeze %dma_wait3A_192 : memref<1x128xi32, #tpu.memory_space<vmem>> -> memref<128xi32, #tpu.memory_space<vmem>>
    %dma_wait3A_194 = arith.constant 0 : i32
    %dma_wait3A_195 = arith.constant 0 : i32
    %dma_wait3A_196 = tpu.memref_slice %arg16[%dma_wait3A_194, %dma_wait3A_195] : memref<10112x128xf32, #tpu.memory_space<vmem_shared>> -> memref<10112x128xf32, #tpu.memory_space<vmem_shared>>
    tpu.wait_indirect_dma semaphore(%arg14 : memref<!tpu.dma_semaphore, #tpu.memory_space<semaphore_mem>>) src(%arg10 : memref<128x128xf32, #tpu.memory_space<vmem>>) dst(%dma_wait3A_196 : memref<10112x128xf32, #tpu.memory_space<vmem_shared>>)
    %dma_start3A_197 = arith.constant 39 : i32
    %dma_start3A_198 = arith.constant 0 : i32
    %dma_start3A_199 = tpu.memref_slice %arg7[%dma_start3A_197, %dma_start3A_198] : memref<40x128xi32, #tpu.memory_space<vmem>> -> memref<1x128xi32, #tpu.memory_space<vmem>>
    %dma_start3A_200 = tpu.memref_squeeze %dma_start3A_199 : memref<1x128xi32, #tpu.memory_space<vmem>> -> memref<128xi32, #tpu.memory_space<vmem>>
    %dma_start3A_201 = arith.constant 0 : i32
    %dma_start3A_202 = arith.constant 0 : i32
    %dma_start3A_203 = tpu.memref_slice %arg2[%dma_start3A_201, %dma_start3A_202] : memref<10000x128xf32, #tpu.memory_space<hbm>> -> memref<10000x128xf32, #tpu.memory_space<hbm>>
    tpu.enqueue_indirect_dma source(%dma_start3A_203 : memref<10000x128xf32, #tpu.memory_space<hbm>>) target(%arg10 : memref<128x128xf32, #tpu.memory_space<vmem>>) offsets(%dma_start3A_200 : memref<128xi32, #tpu.memory_space<vmem>>) semaphore(%arg12 : memref<!tpu.dma_semaphore, #tpu.memory_space<semaphore_mem>>)
    %dma_wait3A_204 = arith.constant 38 : i32
    %dma_wait3A_205 = arith.constant 0 : i32
    %dma_wait3A_206 = tpu.memref_slice %arg7[%dma_wait3A_204, %dma_wait3A_205] : memref<40x128xi32, #tpu.memory_space<vmem>> -> memref<1x128xi32, #tpu.memory_space<vmem>>
    %dma_wait3A_207 = tpu.memref_squeeze %dma_wait3A_206 : memref<1x128xi32, #tpu.memory_space<vmem>> -> memref<128xi32, #tpu.memory_space<vmem>>
    %dma_wait3A_208 = arith.constant 0 : i32
    %dma_wait3A_209 = arith.constant 0 : i32
    %dma_wait3A_210 = tpu.memref_slice %arg2[%dma_wait3A_208, %dma_wait3A_209] : memref<10000x128xf32, #tpu.memory_space<hbm>> -> memref<10000x128xf32, #tpu.memory_space<hbm>>
    tpu.wait_indirect_dma semaphore(%arg11 : memref<!tpu.dma_semaphore, #tpu.memory_space<semaphore_mem>>) src(%dma_wait3A_210 : memref<10000x128xf32, #tpu.memory_space<hbm>>) dst(%arg9 : memref<128x128xf32, #tpu.memory_space<vmem>>)
    %dma_start3A_211 = arith.constant 38 : i32
    %dma_start3A_212 = arith.constant 0 : i32
    %dma_start3A_213 = tpu.memref_slice %arg8[%dma_start3A_211, %dma_start3A_212] : memref<40x128xi32, #tpu.memory_space<vmem>> -> memref<1x128xi32, #tpu.memory_space<vmem>>
    %dma_start3A_214 = tpu.memref_squeeze %dma_start3A_213 : memref<1x128xi32, #tpu.memory_space<vmem>> -> memref<128xi32, #tpu.memory_space<vmem>>
    %dma_start3A_215 = arith.constant 0 : i32
    %dma_start3A_216 = arith.constant 0 : i32
    %dma_start3A_217 = tpu.memref_slice %arg16[%dma_start3A_215, %dma_start3A_216] : memref<10112x128xf32, #tpu.memory_space<vmem_shared>> -> memref<10112x128xf32, #tpu.memory_space<vmem_shared>>
    tpu.enqueue_indirect_dma source(%arg9 : memref<128x128xf32, #tpu.memory_space<vmem>>) target(%dma_start3A_217 : memref<10112x128xf32, #tpu.memory_space<vmem_shared>>) offsets(%dma_start3A_214 : memref<128xi32, #tpu.memory_space<vmem>>) semaphore(%arg13 : memref<!tpu.dma_semaphore, #tpu.memory_space<semaphore_mem>>) {add = true}
    %dma_wait3A_218 = arith.constant 38 : i32
    %dma_wait3A_219 = arith.constant 0 : i32
    %dma_wait3A_220 = tpu.memref_slice %arg8[%dma_wait3A_218, %dma_wait3A_219] : memref<40x128xi32, #tpu.memory_space<vmem>> -> memref<1x128xi32, #tpu.memory_space<vmem>>
    %dma_wait3A_221 = tpu.memref_squeeze %dma_wait3A_220 : memref<1x128xi32, #tpu.memory_space<vmem>> -> memref<128xi32, #tpu.memory_space<vmem>>
    %dma_wait3A_222 = arith.constant 0 : i32
    %dma_wait3A_223 = arith.constant 0 : i32
    %dma_wait3A_224 = tpu.memref_slice %arg16[%dma_wait3A_222, %dma_wait3A_223] : memref<10112x128xf32, #tpu.memory_space<vmem_shared>> -> memref<10112x128xf32, #tpu.memory_space<vmem_shared>>
    tpu.wait_indirect_dma semaphore(%arg13 : memref<!tpu.dma_semaphore, #tpu.memory_space<semaphore_mem>>) src(%arg9 : memref<128x128xf32, #tpu.memory_space<vmem>>) dst(%dma_wait3A_224 : memref<10112x128xf32, #tpu.memory_space<vmem_shared>>)
    %dma_wait3A_225 = arith.constant 39 : i32
    %dma_wait3A_226 = arith.constant 0 : i32
    %dma_wait3A_227 = tpu.memref_slice %arg7[%dma_wait3A_225, %dma_wait3A_226] : memref<40x128xi32, #tpu.memory_space<vmem>> -> memref<1x128xi32, #tpu.memory_space<vmem>>
    %dma_wait3A_228 = tpu.memref_squeeze %dma_wait3A_227 : memref<1x128xi32, #tpu.memory_space<vmem>> -> memref<128xi32, #tpu.memory_space<vmem>>
    %dma_wait3A_229 = arith.constant 0 : i32
    %dma_wait3A_230 = arith.constant 0 : i32
    %dma_wait3A_231 = tpu.memref_slice %arg2[%dma_wait3A_229, %dma_wait3A_230] : memref<10000x128xf32, #tpu.memory_space<hbm>> -> memref<10000x128xf32, #tpu.memory_space<hbm>>
    tpu.wait_indirect_dma semaphore(%arg12 : memref<!tpu.dma_semaphore, #tpu.memory_space<semaphore_mem>>) src(%dma_wait3A_231 : memref<10000x128xf32, #tpu.memory_space<hbm>>) dst(%arg10 : memref<128x128xf32, #tpu.memory_space<vmem>>)
    %dma_start3A_232 = arith.constant 39 : i32
    %dma_start3A_233 = arith.constant 0 : i32
    %dma_start3A_234 = tpu.memref_slice %arg8[%dma_start3A_232, %dma_start3A_233] : memref<40x128xi32, #tpu.memory_space<vmem>> -> memref<1x128xi32, #tpu.memory_space<vmem>>
    %dma_start3A_235 = tpu.memref_squeeze %dma_start3A_234 : memref<1x128xi32, #tpu.memory_space<vmem>> -> memref<128xi32, #tpu.memory_space<vmem>>
    %dma_start3A_236 = arith.constant 0 : i32
    %dma_start3A_237 = arith.constant 0 : i32
    %dma_start3A_238 = tpu.memref_slice %arg16[%dma_start3A_236, %dma_start3A_237] : memref<10112x128xf32, #tpu.memory_space<vmem_shared>> -> memref<10112x128xf32, #tpu.memory_space<vmem_shared>>
    tpu.enqueue_indirect_dma source(%arg10 : memref<128x128xf32, #tpu.memory_space<vmem>>) target(%dma_start3A_238 : memref<10112x128xf32, #tpu.memory_space<vmem_shared>>) offsets(%dma_start3A_235 : memref<128xi32, #tpu.memory_space<vmem>>) semaphore(%arg14 : memref<!tpu.dma_semaphore, #tpu.memory_space<semaphore_mem>>) {add = true}
    %dma_wait3A_239 = arith.constant 39 : i32
    %dma_wait3A_240 = arith.constant 0 : i32
    %dma_wait3A_241 = tpu.memref_slice %arg8[%dma_wait3A_239, %dma_wait3A_240] : memref<40x128xi32, #tpu.memory_space<vmem>> -> memref<1x128xi32, #tpu.memory_space<vmem>>
    %dma_wait3A_242 = tpu.memref_squeeze %dma_wait3A_241 : memref<1x128xi32, #tpu.memory_space<vmem>> -> memref<128xi32, #tpu.memory_space<vmem>>
    %dma_wait3A_243 = arith.constant 0 : i32
    %dma_wait3A_244 = arith.constant 0 : i32
    %dma_wait3A_245 = tpu.memref_slice %arg16[%dma_wait3A_243, %dma_wait3A_244] : memref<10112x128xf32, #tpu.memory_space<vmem_shared>> -> memref<10112x128xf32, #tpu.memory_space<vmem_shared>>
    tpu.wait_indirect_dma semaphore(%arg14 : memref<!tpu.dma_semaphore, #tpu.memory_space<semaphore_mem>>) src(%arg10 : memref<128x128xf32, #tpu.memory_space<vmem>>) dst(%dma_wait3A_245 : memref<10112x128xf32, #tpu.memory_space<vmem_shared>>)
    %barrier3A_246 = arith.constant 0 : index
    tpu.barrier barrier_id(%barrier3A_246)
    %mul3A_247 = arith.constant 632 : i32
    %mul3A_248 = arith.muli %arg1, %mul3A_247 : i32
    %min3A = arith.constant 9368 : i32
    %min3A_249 = arith.minsi %mul3A_248, %min3A : i32
    "tpu.region"() ({
      %run_scoped3A = tpu.sem_alloc : memref<!tpu.dma_semaphore, #tpu.memory_space<semaphore_mem>>
      %dma_start3A_250 = arith.constant 0 : i32
      %dma_start3A_251 = tpu.memref_slice %arg6[%arg0, %min3A_249, %dma_start3A_250] : memref<2x10000x128xf32, #tpu.memory_space<hbm>> -> memref<1x632x128xf32, #tpu.memory_space<hbm>>
      %dma_start3A_252 = tpu.memref_squeeze %dma_start3A_251 : memref<1x632x128xf32, #tpu.memory_space<hbm>> -> memref<632x128xf32, #tpu.memory_space<hbm>>
      %dma_start3A_253 = arith.constant 0 : i32
      %dma_start3A_254 = tpu.memref_slice %arg16[%min3A_249, %dma_start3A_253] : memref<10112x128xf32, #tpu.memory_space<vmem_shared>> -> memref<632x128xf32, #tpu.memory_space<vmem_shared>>
      tpu.enqueue_dma source(%dma_start3A_254 : memref<632x128xf32, #tpu.memory_space<vmem_shared>>) target(%dma_start3A_252 : memref<632x128xf32, #tpu.memory_space<hbm>>) target_semaphore(%run_scoped3A : memref<!tpu.dma_semaphore, #tpu.memory_space<semaphore_mem>>)
      %dma_wait3A_255 = arith.constant 0 : i32
      %dma_wait3A_256 = tpu.memref_slice %arg6[%arg0, %min3A_249, %dma_wait3A_255] : memref<2x10000x128xf32, #tpu.memory_space<hbm>> -> memref<1x632x128xf32, #tpu.memory_space<hbm>>
      %dma_wait3A_257 = tpu.memref_squeeze %dma_wait3A_256 : memref<1x632x128xf32, #tpu.memory_space<hbm>> -> memref<632x128xf32, #tpu.memory_space<hbm>>
      %dma_wait3A_258 = arith.constant 0 : i32
      %dma_wait3A_259 = tpu.memref_slice %arg16[%min3A_249, %dma_wait3A_258] : memref<10112x128xf32, #tpu.memory_space<vmem_shared>> -> memref<632x128xf32, #tpu.memory_space<vmem_shared>>
      tpu.wait_dma2 semaphore(%run_scoped3A : memref<!tpu.dma_semaphore, #tpu.memory_space<semaphore_mem>>) src(%dma_wait3A_259 : memref<632x128xf32, #tpu.memory_space<vmem_shared>>) dst(%dma_wait3A_257 : memref<632x128xf32, #tpu.memory_space<hbm>>)
      tpu.yield
    }) : () -> ()
    return
  }
}

#map = affine_map<(d0, d1) -> (0, 0)>
#map1 = affine_map<(d0, d1) -> (0, 0, 0)>
module attributes {stable_mosaic.version = 14 : i64} {
  func.func @sc_aggregate_c0(%arg0: i32, %arg1: i32, %arg2: memref<10000x128xf32, #tpu.memory_space<hbm>>, %arg3: memref<32x80x128xi32, #tpu.memory_space<hbm>>, %arg4: memref<32x80x128xi32, #tpu.memory_space<hbm>>, %arg5: memref<10112x128xf32, #tpu.memory_space<hbm>>, %arg6: memref<2x10000x128xf32, #tpu.memory_space<hbm>>, %arg7: memref<40x128xi32, #tpu.memory_space<vmem>>, %arg8: memref<40x128xi32, #tpu.memory_space<vmem>>, %arg9: memref<128x128xf32, #tpu.memory_space<vmem>>, %arg10: memref<128x128xf32, #tpu.memory_space<vmem>>, %arg11: memref<!tpu.dma_semaphore, #tpu.memory_space<semaphore_mem>>, %arg12: memref<!tpu.dma_semaphore, #tpu.memory_space<semaphore_mem>>, %arg13: memref<!tpu.dma_semaphore, #tpu.memory_space<semaphore_mem>>, %arg14: memref<!tpu.dma_semaphore, #tpu.memory_space<semaphore_mem>>, %arg15: memref<!tpu.dma_semaphore, #tpu.memory_space<semaphore_mem>>, %arg16: memref<10112x128xf32, #tpu.memory_space<vmem_shared>>) attributes {dimension_semantics = [#tpu.dimension_semantics<core_parallel>, #tpu.dimension_semantics<subcore_parallel>], iteration_bounds = array<i64: 2, 16>, scalar_prefetch = 0 : i64, scratch_operands = 10 : i64, tpu.core_type = #tpu.core_type<sc_vector_subcore>, window_params = [{transform_indices = #map}, {transform_indices = #map1}, {transform_indices = #map1}, {transform_indices = #map}, {transform_indices = #map1}]} {
    %mul3A = arith.constant 16 : i32
    %mul3A_0 = arith.muli %arg0, %mul3A : i32
    %add3A = arith.addi %mul3A_0, %arg1 : i32
    %mul3A_1 = arith.constant 632 : i32
    %mul3A_2 = arith.muli %arg1, %mul3A_1 : i32
    %mul3A_3 = arith.constant 632 : i32
    %mul3A_4 = arith.muli %arg1, %mul3A_3 : i32
    %dma_start3A = arith.constant 0 : i32
    %dma_start3A_5 = tpu.memref_slice %arg16[%mul3A_4, %dma_start3A] : memref<10112x128xf32, #tpu.memory_space<vmem_shared>> -> memref<632x128xf32, #tpu.memory_space<vmem_shared>>
    %dma_start3A_6 = arith.constant 0 : i32
    %dma_start3A_7 = tpu.memref_slice %arg5[%mul3A_2, %dma_start3A_6] : memref<10112x128xf32, #tpu.memory_space<hbm>> -> memref<632x128xf32, #tpu.memory_space<hbm>>
    tpu.enqueue_dma source(%dma_start3A_7 : memref<632x128xf32, #tpu.memory_space<hbm>>) target(%dma_start3A_5 : memref<632x128xf32, #tpu.memory_space<vmem_shared>>) target_semaphore(%arg15 : memref<!tpu.dma_semaphore, #tpu.memory_space<semaphore_mem>>)
    "tpu.region"() ({
      %run_scoped3A = tpu.sem_alloc : memref<!tpu.dma_semaphore, #tpu.memory_space<semaphore_mem>>
      %dma_start3A_250 = arith.constant 0 : i32
      %dma_start3A_251 = arith.constant 0 : i32
      %dma_start3A_252 = tpu.memref_slice %arg3[%add3A, %dma_start3A_250, %dma_start3A_251] : memref<32x80x128xi32, #tpu.memory_space<hbm>> -> memref<1x40x128xi32, #tpu.memory_space<hbm>>
      %dma_start3A_253 = tpu.memref_squeeze %dma_start3A_252 : memref<1x40x128xi32, #tpu.memory_space<hbm>> -> memref<40x128xi32, #tpu.memory_space<hbm>>
      %dma_start3A_254 = arith.constant 0 : i32
      %dma_start3A_255 = arith.constant 0 : i32
      %dma_start3A_256 = tpu.memref_slice %arg3[%add3A, %dma_start3A_254, %dma_start3A_255] : memref<32x80x128xi32, #tpu.memory_space<hbm>> -> memref<1x40x128xi32, #tpu.memory_space<hbm>>
      %dma_start3A_257 = tpu.memref_squeeze %dma_start3A_256 : memref<1x40x128xi32, #tpu.memory_space<hbm>> -> memref<40x128xi32, #tpu.memory_space<hbm>>
      tpu.enqueue_dma source(%dma_start3A_257 : memref<40x128xi32, #tpu.memory_space<hbm>>) target(%arg7 : memref<40x128xi32, #tpu.memory_space<vmem>>) target_semaphore(%run_scoped3A : memref<!tpu.dma_semaphore, #tpu.memory_space<semaphore_mem>>)
      %dma_wait3A_258 = arith.constant 0 : i32
      %dma_wait3A_259 = arith.constant 0 : i32
      %dma_wait3A_260 = tpu.memref_slice %arg3[%add3A, %dma_wait3A_258, %dma_wait3A_259] : memref<32x80x128xi32, #tpu.memory_space<hbm>> -> memref<1x40x128xi32, #tpu.memory_space<hbm>>
      %dma_wait3A_261 = tpu.memref_squeeze %dma_wait3A_260 : memref<1x40x128xi32, #tpu.memory_space<hbm>> -> memref<40x128xi32, #tpu.memory_space<hbm>>
      %dma_wait3A_262 = arith.constant 0 : i32
      %dma_wait3A_263 = arith.constant 0 : i32
      %dma_wait3A_264 = tpu.memref_slice %arg3[%add3A, %dma_wait3A_262, %dma_wait3A_263] : memref<32x80x128xi32, #tpu.memory_space<hbm>> -> memref<1x40x128xi32, #tpu.memory_space<hbm>>
      %dma_wait3A_265 = tpu.memref_squeeze %dma_wait3A_264 : memref<1x40x128xi32, #tpu.memory_space<hbm>> -> memref<40x128xi32, #tpu.memory_space<hbm>>
      tpu.wait_dma2 semaphore(%run_scoped3A : memref<!tpu.dma_semaphore, #tpu.memory_space<semaphore_mem>>) src(%dma_wait3A_265 : memref<40x128xi32, #tpu.memory_space<hbm>>) dst(%arg7 : memref<40x128xi32, #tpu.memory_space<vmem>>)
      tpu.yield
    }) : () -> ()
    "tpu.region"() ({
      %run_scoped3A = tpu.sem_alloc : memref<!tpu.dma_semaphore, #tpu.memory_space<semaphore_mem>>
      %dma_start3A_250 = arith.constant 0 : i32
      %dma_start3A_251 = arith.constant 0 : i32
      %dma_start3A_252 = tpu.memref_slice %arg4[%add3A, %dma_start3A_250, %dma_start3A_251] : memref<32x80x128xi32, #tpu.memory_space<hbm>> -> memref<1x40x128xi32, #tpu.memory_space<hbm>>
      %dma_start3A_253 = tpu.memref_squeeze %dma_start3A_252 : memref<1x40x128xi32, #tpu.memory_space<hbm>> -> memref<40x128xi32, #tpu.memory_space<hbm>>
      %dma_start3A_254 = arith.constant 0 : i32
      %dma_start3A_255 = arith.constant 0 : i32
      %dma_start3A_256 = tpu.memref_slice %arg4[%add3A, %dma_start3A_254, %dma_start3A_255] : memref<32x80x128xi32, #tpu.memory_space<hbm>> -> memref<1x40x128xi32, #tpu.memory_space<hbm>>
      %dma_start3A_257 = tpu.memref_squeeze %dma_start3A_256 : memref<1x40x128xi32, #tpu.memory_space<hbm>> -> memref<40x128xi32, #tpu.memory_space<hbm>>
      tpu.enqueue_dma source(%dma_start3A_257 : memref<40x128xi32, #tpu.memory_space<hbm>>) target(%arg8 : memref<40x128xi32, #tpu.memory_space<vmem>>) target_semaphore(%run_scoped3A : memref<!tpu.dma_semaphore, #tpu.memory_space<semaphore_mem>>)
      %dma_wait3A_258 = arith.constant 0 : i32
      %dma_wait3A_259 = arith.constant 0 : i32
      %dma_wait3A_260 = tpu.memref_slice %arg4[%add3A, %dma_wait3A_258, %dma_wait3A_259] : memref<32x80x128xi32, #tpu.memory_space<hbm>> -> memref<1x40x128xi32, #tpu.memory_space<hbm>>
      %dma_wait3A_261 = tpu.memref_squeeze %dma_wait3A_260 : memref<1x40x128xi32, #tpu.memory_space<hbm>> -> memref<40x128xi32, #tpu.memory_space<hbm>>
      %dma_wait3A_262 = arith.constant 0 : i32
      %dma_wait3A_263 = arith.constant 0 : i32
      %dma_wait3A_264 = tpu.memref_slice %arg4[%add3A, %dma_wait3A_262, %dma_wait3A_263] : memref<32x80x128xi32, #tpu.memory_space<hbm>> -> memref<1x40x128xi32, #tpu.memory_space<hbm>>
      %dma_wait3A_265 = tpu.memref_squeeze %dma_wait3A_264 : memref<1x40x128xi32, #tpu.memory_space<hbm>> -> memref<40x128xi32, #tpu.memory_space<hbm>>
      tpu.wait_dma2 semaphore(%run_scoped3A : memref<!tpu.dma_semaphore, #tpu.memory_space<semaphore_mem>>) src(%dma_wait3A_265 : memref<40x128xi32, #tpu.memory_space<hbm>>) dst(%arg8 : memref<40x128xi32, #tpu.memory_space<vmem>>)
      tpu.yield
    }) : () -> ()
    %dma_start3A_8 = arith.constant 0 : i32
    %dma_start3A_9 = arith.constant 0 : i32
    %dma_start3A_10 = tpu.memref_slice %arg7[%dma_start3A_8, %dma_start3A_9] : memref<40x128xi32, #tpu.memory_space<vmem>> -> memref<1x128xi32, #tpu.memory_space<vmem>>
    %dma_start3A_11 = tpu.memref_squeeze %dma_start3A_10 : memref<1x128xi32, #tpu.memory_space<vmem>> -> memref<128xi32, #tpu.memory_space<vmem>>
    %dma_start3A_12 = arith.constant 0 : i32
    %dma_start3A_13 = arith.constant 0 : i32
    %dma_start3A_14 = tpu.memref_slice %arg2[%dma_start3A_12, %dma_start3A_13] : memref<10000x128xf32, #tpu.memory_space<hbm>> -> memref<10000x128xf32, #tpu.memory_space<hbm>>
    tpu.enqueue_indirect_dma source(%dma_start3A_14 : memref<10000x128xf32, #tpu.memory_space<hbm>>) target(%arg9 : memref<128x128xf32, #tpu.memory_space<vmem>>) offsets(%dma_start3A_11 : memref<128xi32, #tpu.memory_space<vmem>>) semaphore(%arg11 : memref<!tpu.dma_semaphore, #tpu.memory_space<semaphore_mem>>)
    %dma_wait3A = arith.constant 0 : i32
    %dma_wait3A_15 = tpu.memref_slice %arg16[%mul3A_4, %dma_wait3A] : memref<10112x128xf32, #tpu.memory_space<vmem_shared>> -> memref<632x128xf32, #tpu.memory_space<vmem_shared>>
    %dma_wait3A_16 = arith.constant 0 : i32
    %dma_wait3A_17 = tpu.memref_slice %arg5[%mul3A_2, %dma_wait3A_16] : memref<10112x128xf32, #tpu.memory_space<hbm>> -> memref<632x128xf32, #tpu.memory_space<hbm>>
    tpu.wait_dma2 semaphore(%arg15 : memref<!tpu.dma_semaphore, #tpu.memory_space<semaphore_mem>>) src(%dma_wait3A_17 : memref<632x128xf32, #tpu.memory_space<hbm>>) dst(%dma_wait3A_15 : memref<632x128xf32, #tpu.memory_space<vmem_shared>>)
    %barrier3A = arith.constant 0 : index
    tpu.barrier barrier_id(%barrier3A)
    %dma_start3A_18 = arith.constant 1 : i32
    %dma_start3A_19 = arith.constant 0 : i32
    %dma_start3A_20 = tpu.memref_slice %arg7[%dma_start3A_18, %dma_start3A_19] : memref<40x128xi32, #tpu.memory_space<vmem>> -> memref<1x128xi32, #tpu.memory_space<vmem>>
    %dma_start3A_21 = tpu.memref_squeeze %dma_start3A_20 : memref<1x128xi32, #tpu.memory_space<vmem>> -> memref<128xi32, #tpu.memory_space<vmem>>
    %dma_start3A_22 = arith.constant 0 : i32
    %dma_start3A_23 = arith.constant 0 : i32
    %dma_start3A_24 = tpu.memref_slice %arg2[%dma_start3A_22, %dma_start3A_23] : memref<10000x128xf32, #tpu.memory_space<hbm>> -> memref<10000x128xf32, #tpu.memory_space<hbm>>
    tpu.enqueue_indirect_dma source(%dma_start3A_24 : memref<10000x128xf32, #tpu.memory_space<hbm>>) target(%arg10 : memref<128x128xf32, #tpu.memory_space<vmem>>) offsets(%dma_start3A_21 : memref<128xi32, #tpu.memory_space<vmem>>) semaphore(%arg12 : memref<!tpu.dma_semaphore, #tpu.memory_space<semaphore_mem>>)
    %dma_wait3A_25 = arith.constant 0 : i32
    %dma_wait3A_26 = arith.constant 0 : i32
    %dma_wait3A_27 = tpu.memref_slice %arg7[%dma_wait3A_25, %dma_wait3A_26] : memref<40x128xi32, #tpu.memory_space<vmem>> -> memref<1x128xi32, #tpu.memory_space<vmem>>
    %dma_wait3A_28 = tpu.memref_squeeze %dma_wait3A_27 : memref<1x128xi32, #tpu.memory_space<vmem>> -> memref<128xi32, #tpu.memory_space<vmem>>
    %dma_wait3A_29 = arith.constant 0 : i32
    %dma_wait3A_30 = arith.constant 0 : i32
    %dma_wait3A_31 = tpu.memref_slice %arg2[%dma_wait3A_29, %dma_wait3A_30] : memref<10000x128xf32, #tpu.memory_space<hbm>> -> memref<10000x128xf32, #tpu.memory_space<hbm>>
    tpu.wait_indirect_dma semaphore(%arg11 : memref<!tpu.dma_semaphore, #tpu.memory_space<semaphore_mem>>) src(%dma_wait3A_31 : memref<10000x128xf32, #tpu.memory_space<hbm>>) dst(%arg9 : memref<128x128xf32, #tpu.memory_space<vmem>>)
    %dma_start3A_32 = arith.constant 0 : i32
    %dma_start3A_33 = arith.constant 0 : i32
    %dma_start3A_34 = tpu.memref_slice %arg8[%dma_start3A_32, %dma_start3A_33] : memref<40x128xi32, #tpu.memory_space<vmem>> -> memref<1x128xi32, #tpu.memory_space<vmem>>
    %dma_start3A_35 = tpu.memref_squeeze %dma_start3A_34 : memref<1x128xi32, #tpu.memory_space<vmem>> -> memref<128xi32, #tpu.memory_space<vmem>>
    %dma_start3A_36 = arith.constant 0 : i32
    %dma_start3A_37 = arith.constant 0 : i32
    %dma_start3A_38 = tpu.memref_slice %arg16[%dma_start3A_36, %dma_start3A_37] : memref<10112x128xf32, #tpu.memory_space<vmem_shared>> -> memref<10112x128xf32, #tpu.memory_space<vmem_shared>>
    tpu.enqueue_indirect_dma source(%arg9 : memref<128x128xf32, #tpu.memory_space<vmem>>) target(%dma_start3A_38 : memref<10112x128xf32, #tpu.memory_space<vmem_shared>>) offsets(%dma_start3A_35 : memref<128xi32, #tpu.memory_space<vmem>>) semaphore(%arg13 : memref<!tpu.dma_semaphore, #tpu.memory_space<semaphore_mem>>) {add = true}
    %dma_wait3A_39 = arith.constant 0 : i32
    %dma_wait3A_40 = arith.constant 0 : i32
    %dma_wait3A_41 = tpu.memref_slice %arg8[%dma_wait3A_39, %dma_wait3A_40] : memref<40x128xi32, #tpu.memory_space<vmem>> -> memref<1x128xi32, #tpu.memory_space<vmem>>
    %dma_wait3A_42 = tpu.memref_squeeze %dma_wait3A_41 : memref<1x128xi32, #tpu.memory_space<vmem>> -> memref<128xi32, #tpu.memory_space<vmem>>
    %dma_wait3A_43 = arith.constant 0 : i32
    %dma_wait3A_44 = arith.constant 0 : i32
    %dma_wait3A_45 = tpu.memref_slice %arg16[%dma_wait3A_43, %dma_wait3A_44] : memref<10112x128xf32, #tpu.memory_space<vmem_shared>> -> memref<10112x128xf32, #tpu.memory_space<vmem_shared>>
    tpu.wait_indirect_dma semaphore(%arg13 : memref<!tpu.dma_semaphore, #tpu.memory_space<semaphore_mem>>) src(%arg9 : memref<128x128xf32, #tpu.memory_space<vmem>>) dst(%dma_wait3A_45 : memref<10112x128xf32, #tpu.memory_space<vmem_shared>>)
    %dma_start3A_46 = arith.constant 2 : i32
    %dma_start3A_47 = arith.constant 0 : i32
    %dma_start3A_48 = tpu.memref_slice %arg7[%dma_start3A_46, %dma_start3A_47] : memref<40x128xi32, #tpu.memory_space<vmem>> -> memref<1x128xi32, #tpu.memory_space<vmem>>
    %dma_start3A_49 = tpu.memref_squeeze %dma_start3A_48 : memref<1x128xi32, #tpu.memory_space<vmem>> -> memref<128xi32, #tpu.memory_space<vmem>>
    %dma_start3A_50 = arith.constant 0 : i32
    %dma_start3A_51 = arith.constant 0 : i32
    %dma_start3A_52 = tpu.memref_slice %arg2[%dma_start3A_50, %dma_start3A_51] : memref<10000x128xf32, #tpu.memory_space<hbm>> -> memref<10000x128xf32, #tpu.memory_space<hbm>>
    tpu.enqueue_indirect_dma source(%dma_start3A_52 : memref<10000x128xf32, #tpu.memory_space<hbm>>) target(%arg9 : memref<128x128xf32, #tpu.memory_space<vmem>>) offsets(%dma_start3A_49 : memref<128xi32, #tpu.memory_space<vmem>>) semaphore(%arg11 : memref<!tpu.dma_semaphore, #tpu.memory_space<semaphore_mem>>)
    %dma_wait3A_53 = arith.constant 1 : i32
    %dma_wait3A_54 = arith.constant 0 : i32
    %dma_wait3A_55 = tpu.memref_slice %arg7[%dma_wait3A_53, %dma_wait3A_54] : memref<40x128xi32, #tpu.memory_space<vmem>> -> memref<1x128xi32, #tpu.memory_space<vmem>>
    %dma_wait3A_56 = tpu.memref_squeeze %dma_wait3A_55 : memref<1x128xi32, #tpu.memory_space<vmem>> -> memref<128xi32, #tpu.memory_space<vmem>>
    %dma_wait3A_57 = arith.constant 0 : i32
    %dma_wait3A_58 = arith.constant 0 : i32
    %dma_wait3A_59 = tpu.memref_slice %arg2[%dma_wait3A_57, %dma_wait3A_58] : memref<10000x128xf32, #tpu.memory_space<hbm>> -> memref<10000x128xf32, #tpu.memory_space<hbm>>
    tpu.wait_indirect_dma semaphore(%arg12 : memref<!tpu.dma_semaphore, #tpu.memory_space<semaphore_mem>>) src(%dma_wait3A_59 : memref<10000x128xf32, #tpu.memory_space<hbm>>) dst(%arg10 : memref<128x128xf32, #tpu.memory_space<vmem>>)
    %dma_start3A_60 = arith.constant 1 : i32
    %dma_start3A_61 = arith.constant 0 : i32
    %dma_start3A_62 = tpu.memref_slice %arg8[%dma_start3A_60, %dma_start3A_61] : memref<40x128xi32, #tpu.memory_space<vmem>> -> memref<1x128xi32, #tpu.memory_space<vmem>>
    %dma_start3A_63 = tpu.memref_squeeze %dma_start3A_62 : memref<1x128xi32, #tpu.memory_space<vmem>> -> memref<128xi32, #tpu.memory_space<vmem>>
    %dma_start3A_64 = arith.constant 0 : i32
    %dma_start3A_65 = arith.constant 0 : i32
    %dma_start3A_66 = tpu.memref_slice %arg16[%dma_start3A_64, %dma_start3A_65] : memref<10112x128xf32, #tpu.memory_space<vmem_shared>> -> memref<10112x128xf32, #tpu.memory_space<vmem_shared>>
    tpu.enqueue_indirect_dma source(%arg10 : memref<128x128xf32, #tpu.memory_space<vmem>>) target(%dma_start3A_66 : memref<10112x128xf32, #tpu.memory_space<vmem_shared>>) offsets(%dma_start3A_63 : memref<128xi32, #tpu.memory_space<vmem>>) semaphore(%arg14 : memref<!tpu.dma_semaphore, #tpu.memory_space<semaphore_mem>>) {add = true}
    %scan3A = arith.constant 0 : i32
    %scan3A_67 = arith.constant 1 : i32
    %scan3A_68 = arith.constant 18 : i32
    %scan3A_69 = arith.addi %scan3A_67, %scan3A_68 : i32
    %scan3A_70 = arith.constant 1 : i32
    scf.for %scan3A_250 = %scan3A_67 to %scan3A_69 step %scan3A_70  : i32 {
      %mul3A_251 = arith.constant 2 : i32
      %mul3A_252 = arith.muli %mul3A_251, %scan3A_250 : i32
      %sub3A = arith.constant 1 : i32
      %sub3A_253 = arith.subi %mul3A_252, %sub3A : i32
      %dma_wait3A_254 = arith.constant 0 : i32
      %dma_wait3A_255 = tpu.memref_slice %arg8[%sub3A_253, %dma_wait3A_254] : memref<40x128xi32, #tpu.memory_space<vmem>> -> memref<1x128xi32, #tpu.memory_space<vmem>>
      %dma_wait3A_256 = tpu.memref_squeeze %dma_wait3A_255 : memref<1x128xi32, #tpu.memory_space<vmem>> -> memref<128xi32, #tpu.memory_space<vmem>>
      %dma_wait3A_257 = arith.constant 0 : i32
      %dma_wait3A_258 = arith.constant 0 : i32
      %dma_wait3A_259 = tpu.memref_slice %arg16[%dma_wait3A_257, %dma_wait3A_258] : memref<10112x128xf32, #tpu.memory_space<vmem_shared>> -> memref<10112x128xf32, #tpu.memory_space<vmem_shared>>
      tpu.wait_indirect_dma semaphore(%arg14 : memref<!tpu.dma_semaphore, #tpu.memory_space<semaphore_mem>>) src(%arg10 : memref<128x128xf32, #tpu.memory_space<vmem>>) dst(%dma_wait3A_259 : memref<10112x128xf32, #tpu.memory_space<vmem_shared>>)
      %add3A_260 = arith.constant 1 : i32
      %add3A_261 = arith.addi %mul3A_252, %add3A_260 : i32
      %dma_start3A_262 = arith.constant 0 : i32
      %dma_start3A_263 = tpu.memref_slice %arg7[%add3A_261, %dma_start3A_262] : memref<40x128xi32, #tpu.memory_space<vmem>> -> memref<1x128xi32, #tpu.memory_space<vmem>>
      %dma_start3A_264 = tpu.memref_squeeze %dma_start3A_263 : memref<1x128xi32, #tpu.memory_space<vmem>> -> memref<128xi32, #tpu.memory_space<vmem>>
      %dma_start3A_265 = arith.constant 0 : i32
      %dma_start3A_266 = arith.constant 0 : i32
      %dma_start3A_267 = tpu.memref_slice %arg2[%dma_start3A_265, %dma_start3A_266] : memref<10000x128xf32, #tpu.memory_space<hbm>> -> memref<10000x128xf32, #tpu.memory_space<hbm>>
      tpu.enqueue_indirect_dma source(%dma_start3A_267 : memref<10000x128xf32, #tpu.memory_space<hbm>>) target(%arg10 : memref<128x128xf32, #tpu.memory_space<vmem>>) offsets(%dma_start3A_264 : memref<128xi32, #tpu.memory_space<vmem>>) semaphore(%arg12 : memref<!tpu.dma_semaphore, #tpu.memory_space<semaphore_mem>>)
      %dma_wait3A_268 = arith.constant 0 : i32
      %dma_wait3A_269 = tpu.memref_slice %arg7[%mul3A_252, %dma_wait3A_268] : memref<40x128xi32, #tpu.memory_space<vmem>> -> memref<1x128xi32, #tpu.memory_space<vmem>>
      %dma_wait3A_270 = tpu.memref_squeeze %dma_wait3A_269 : memref<1x128xi32, #tpu.memory_space<vmem>> -> memref<128xi32, #tpu.memory_space<vmem>>
      %dma_wait3A_271 = arith.constant 0 : i32
      %dma_wait3A_272 = arith.constant 0 : i32
      %dma_wait3A_273 = tpu.memref_slice %arg2[%dma_wait3A_271, %dma_wait3A_272] : memref<10000x128xf32, #tpu.memory_space<hbm>> -> memref<10000x128xf32, #tpu.memory_space<hbm>>
      tpu.wait_indirect_dma semaphore(%arg11 : memref<!tpu.dma_semaphore, #tpu.memory_space<semaphore_mem>>) src(%dma_wait3A_273 : memref<10000x128xf32, #tpu.memory_space<hbm>>) dst(%arg9 : memref<128x128xf32, #tpu.memory_space<vmem>>)
      %dma_start3A_274 = arith.constant 0 : i32
      %dma_start3A_275 = tpu.memref_slice %arg8[%mul3A_252, %dma_start3A_274] : memref<40x128xi32, #tpu.memory_space<vmem>> -> memref<1x128xi32, #tpu.memory_space<vmem>>
      %dma_start3A_276 = tpu.memref_squeeze %dma_start3A_275 : memref<1x128xi32, #tpu.memory_space<vmem>> -> memref<128xi32, #tpu.memory_space<vmem>>
      %dma_start3A_277 = arith.constant 0 : i32
      %dma_start3A_278 = arith.constant 0 : i32
      %dma_start3A_279 = tpu.memref_slice %arg16[%dma_start3A_277, %dma_start3A_278] : memref<10112x128xf32, #tpu.memory_space<vmem_shared>> -> memref<10112x128xf32, #tpu.memory_space<vmem_shared>>
      tpu.enqueue_indirect_dma source(%arg9 : memref<128x128xf32, #tpu.memory_space<vmem>>) target(%dma_start3A_279 : memref<10112x128xf32, #tpu.memory_space<vmem_shared>>) offsets(%dma_start3A_276 : memref<128xi32, #tpu.memory_space<vmem>>) semaphore(%arg13 : memref<!tpu.dma_semaphore, #tpu.memory_space<semaphore_mem>>) {add = true}
      %mul3A_280 = arith.constant 2 : i32
      %mul3A_281 = arith.muli %mul3A_280, %scan3A_250 : i32
      %add3A_282 = arith.constant 1 : i32
      %add3A_283 = arith.addi %mul3A_281, %add3A_282 : i32
      %sub3A_284 = arith.constant 1 : i32
      %sub3A_285 = arith.subi %add3A_283, %sub3A_284 : i32
      %dma_wait3A_286 = arith.constant 0 : i32
      %dma_wait3A_287 = tpu.memref_slice %arg8[%sub3A_285, %dma_wait3A_286] : memref<40x128xi32, #tpu.memory_space<vmem>> -> memref<1x128xi32, #tpu.memory_space<vmem>>
      %dma_wait3A_288 = tpu.memref_squeeze %dma_wait3A_287 : memref<1x128xi32, #tpu.memory_space<vmem>> -> memref<128xi32, #tpu.memory_space<vmem>>
      %dma_wait3A_289 = arith.constant 0 : i32
      %dma_wait3A_290 = arith.constant 0 : i32
      %dma_wait3A_291 = tpu.memref_slice %arg16[%dma_wait3A_289, %dma_wait3A_290] : memref<10112x128xf32, #tpu.memory_space<vmem_shared>> -> memref<10112x128xf32, #tpu.memory_space<vmem_shared>>
      tpu.wait_indirect_dma semaphore(%arg13 : memref<!tpu.dma_semaphore, #tpu.memory_space<semaphore_mem>>) src(%arg9 : memref<128x128xf32, #tpu.memory_space<vmem>>) dst(%dma_wait3A_291 : memref<10112x128xf32, #tpu.memory_space<vmem_shared>>)
      %add3A_292 = arith.constant 1 : i32
      %add3A_293 = arith.addi %add3A_283, %add3A_292 : i32
      %dma_start3A_294 = arith.constant 0 : i32
      %dma_start3A_295 = tpu.memref_slice %arg7[%add3A_293, %dma_start3A_294] : memref<40x128xi32, #tpu.memory_space<vmem>> -> memref<1x128xi32, #tpu.memory_space<vmem>>
      %dma_start3A_296 = tpu.memref_squeeze %dma_start3A_295 : memref<1x128xi32, #tpu.memory_space<vmem>> -> memref<128xi32, #tpu.memory_space<vmem>>
      %dma_start3A_297 = arith.constant 0 : i32
      %dma_start3A_298 = arith.constant 0 : i32
      %dma_start3A_299 = tpu.memref_slice %arg2[%dma_start3A_297, %dma_start3A_298] : memref<10000x128xf32, #tpu.memory_space<hbm>> -> memref<10000x128xf32, #tpu.memory_space<hbm>>
      tpu.enqueue_indirect_dma source(%dma_start3A_299 : memref<10000x128xf32, #tpu.memory_space<hbm>>) target(%arg9 : memref<128x128xf32, #tpu.memory_space<vmem>>) offsets(%dma_start3A_296 : memref<128xi32, #tpu.memory_space<vmem>>) semaphore(%arg11 : memref<!tpu.dma_semaphore, #tpu.memory_space<semaphore_mem>>)
      %dma_wait3A_300 = arith.constant 0 : i32
      %dma_wait3A_301 = tpu.memref_slice %arg7[%add3A_283, %dma_wait3A_300] : memref<40x128xi32, #tpu.memory_space<vmem>> -> memref<1x128xi32, #tpu.memory_space<vmem>>
      %dma_wait3A_302 = tpu.memref_squeeze %dma_wait3A_301 : memref<1x128xi32, #tpu.memory_space<vmem>> -> memref<128xi32, #tpu.memory_space<vmem>>
      %dma_wait3A_303 = arith.constant 0 : i32
      %dma_wait3A_304 = arith.constant 0 : i32
      %dma_wait3A_305 = tpu.memref_slice %arg2[%dma_wait3A_303, %dma_wait3A_304] : memref<10000x128xf32, #tpu.memory_space<hbm>> -> memref<10000x128xf32, #tpu.memory_space<hbm>>
      tpu.wait_indirect_dma semaphore(%arg12 : memref<!tpu.dma_semaphore, #tpu.memory_space<semaphore_mem>>) src(%dma_wait3A_305 : memref<10000x128xf32, #tpu.memory_space<hbm>>) dst(%arg10 : memref<128x128xf32, #tpu.memory_space<vmem>>)
      %dma_start3A_306 = arith.constant 0 : i32
      %dma_start3A_307 = tpu.memref_slice %arg8[%add3A_283, %dma_start3A_306] : memref<40x128xi32, #tpu.memory_space<vmem>> -> memref<1x128xi32, #tpu.memory_space<vmem>>
      %dma_start3A_308 = tpu.memref_squeeze %dma_start3A_307 : memref<1x128xi32, #tpu.memory_space<vmem>> -> memref<128xi32, #tpu.memory_space<vmem>>
      %dma_start3A_309 = arith.constant 0 : i32
      %dma_start3A_310 = arith.constant 0 : i32
      %dma_start3A_311 = tpu.memref_slice %arg16[%dma_start3A_309, %dma_start3A_310] : memref<10112x128xf32, #tpu.memory_space<vmem_shared>> -> memref<10112x128xf32, #tpu.memory_space<vmem_shared>>
      tpu.enqueue_indirect_dma source(%arg10 : memref<128x128xf32, #tpu.memory_space<vmem>>) target(%dma_start3A_311 : memref<10112x128xf32, #tpu.memory_space<vmem_shared>>) offsets(%dma_start3A_308 : memref<128xi32, #tpu.memory_space<vmem>>) semaphore(%arg14 : memref<!tpu.dma_semaphore, #tpu.memory_space<semaphore_mem>>) {add = true}
    }
    %scan3A_71 = arith.constant 18 : i32
    %dma_wait3A_72 = arith.constant 37 : i32
    %dma_wait3A_73 = arith.constant 0 : i32
    %dma_wait3A_74 = tpu.memref_slice %arg8[%dma_wait3A_72, %dma_wait3A_73] : memref<40x128xi32, #tpu.memory_space<vmem>> -> memref<1x128xi32, #tpu.memory_space<vmem>>
    %dma_wait3A_75 = tpu.memref_squeeze %dma_wait3A_74 : memref<1x128xi32, #tpu.memory_space<vmem>> -> memref<128xi32, #tpu.memory_space<vmem>>
    %dma_wait3A_76 = arith.constant 0 : i32
    %dma_wait3A_77 = arith.constant 0 : i32
    %dma_wait3A_78 = tpu.memref_slice %arg16[%dma_wait3A_76, %dma_wait3A_77] : memref<10112x128xf32, #tpu.memory_space<vmem_shared>> -> memref<10112x128xf32, #tpu.memory_space<vmem_shared>>
    tpu.wait_indirect_dma semaphore(%arg14 : memref<!tpu.dma_semaphore, #tpu.memory_space<semaphore_mem>>) src(%arg10 : memref<128x128xf32, #tpu.memory_space<vmem>>) dst(%dma_wait3A_78 : memref<10112x128xf32, #tpu.memory_space<vmem_shared>>)
    %dma_start3A_79 = arith.constant 39 : i32
    %dma_start3A_80 = arith.constant 0 : i32
    %dma_start3A_81 = tpu.memref_slice %arg7[%dma_start3A_79, %dma_start3A_80] : memref<40x128xi32, #tpu.memory_space<vmem>> -> memref<1x128xi32, #tpu.memory_space<vmem>>
    %dma_start3A_82 = tpu.memref_squeeze %dma_start3A_81 : memref<1x128xi32, #tpu.memory_space<vmem>> -> memref<128xi32, #tpu.memory_space<vmem>>
    %dma_start3A_83 = arith.constant 0 : i32
    %dma_start3A_84 = arith.constant 0 : i32
    %dma_start3A_85 = tpu.memref_slice %arg2[%dma_start3A_83, %dma_start3A_84] : memref<10000x128xf32, #tpu.memory_space<hbm>> -> memref<10000x128xf32, #tpu.memory_space<hbm>>
    tpu.enqueue_indirect_dma source(%dma_start3A_85 : memref<10000x128xf32, #tpu.memory_space<hbm>>) target(%arg10 : memref<128x128xf32, #tpu.memory_space<vmem>>) offsets(%dma_start3A_82 : memref<128xi32, #tpu.memory_space<vmem>>) semaphore(%arg12 : memref<!tpu.dma_semaphore, #tpu.memory_space<semaphore_mem>>)
    %dma_wait3A_86 = arith.constant 38 : i32
    %dma_wait3A_87 = arith.constant 0 : i32
    %dma_wait3A_88 = tpu.memref_slice %arg7[%dma_wait3A_86, %dma_wait3A_87] : memref<40x128xi32, #tpu.memory_space<vmem>> -> memref<1x128xi32, #tpu.memory_space<vmem>>
    %dma_wait3A_89 = tpu.memref_squeeze %dma_wait3A_88 : memref<1x128xi32, #tpu.memory_space<vmem>> -> memref<128xi32, #tpu.memory_space<vmem>>
    %dma_wait3A_90 = arith.constant 0 : i32
    %dma_wait3A_91 = arith.constant 0 : i32
    %dma_wait3A_92 = tpu.memref_slice %arg2[%dma_wait3A_90, %dma_wait3A_91] : memref<10000x128xf32, #tpu.memory_space<hbm>> -> memref<10000x128xf32, #tpu.memory_space<hbm>>
    tpu.wait_indirect_dma semaphore(%arg11 : memref<!tpu.dma_semaphore, #tpu.memory_space<semaphore_mem>>) src(%dma_wait3A_92 : memref<10000x128xf32, #tpu.memory_space<hbm>>) dst(%arg9 : memref<128x128xf32, #tpu.memory_space<vmem>>)
    %dma_start3A_93 = arith.constant 38 : i32
    %dma_start3A_94 = arith.constant 0 : i32
    %dma_start3A_95 = tpu.memref_slice %arg8[%dma_start3A_93, %dma_start3A_94] : memref<40x128xi32, #tpu.memory_space<vmem>> -> memref<1x128xi32, #tpu.memory_space<vmem>>
    %dma_start3A_96 = tpu.memref_squeeze %dma_start3A_95 : memref<1x128xi32, #tpu.memory_space<vmem>> -> memref<128xi32, #tpu.memory_space<vmem>>
    %dma_start3A_97 = arith.constant 0 : i32
    %dma_start3A_98 = arith.constant 0 : i32
    %dma_start3A_99 = tpu.memref_slice %arg16[%dma_start3A_97, %dma_start3A_98] : memref<10112x128xf32, #tpu.memory_space<vmem_shared>> -> memref<10112x128xf32, #tpu.memory_space<vmem_shared>>
    tpu.enqueue_indirect_dma source(%arg9 : memref<128x128xf32, #tpu.memory_space<vmem>>) target(%dma_start3A_99 : memref<10112x128xf32, #tpu.memory_space<vmem_shared>>) offsets(%dma_start3A_96 : memref<128xi32, #tpu.memory_space<vmem>>) semaphore(%arg13 : memref<!tpu.dma_semaphore, #tpu.memory_space<semaphore_mem>>) {add = true}
    %dma_wait3A_100 = arith.constant 38 : i32
    %dma_wait3A_101 = arith.constant 0 : i32
    %dma_wait3A_102 = tpu.memref_slice %arg8[%dma_wait3A_100, %dma_wait3A_101] : memref<40x128xi32, #tpu.memory_space<vmem>> -> memref<1x128xi32, #tpu.memory_space<vmem>>
    %dma_wait3A_103 = tpu.memref_squeeze %dma_wait3A_102 : memref<1x128xi32, #tpu.memory_space<vmem>> -> memref<128xi32, #tpu.memory_space<vmem>>
    %dma_wait3A_104 = arith.constant 0 : i32
    %dma_wait3A_105 = arith.constant 0 : i32
    %dma_wait3A_106 = tpu.memref_slice %arg16[%dma_wait3A_104, %dma_wait3A_105] : memref<10112x128xf32, #tpu.memory_space<vmem_shared>> -> memref<10112x128xf32, #tpu.memory_space<vmem_shared>>
    tpu.wait_indirect_dma semaphore(%arg13 : memref<!tpu.dma_semaphore, #tpu.memory_space<semaphore_mem>>) src(%arg9 : memref<128x128xf32, #tpu.memory_space<vmem>>) dst(%dma_wait3A_106 : memref<10112x128xf32, #tpu.memory_space<vmem_shared>>)
    %dma_wait3A_107 = arith.constant 39 : i32
    %dma_wait3A_108 = arith.constant 0 : i32
    %dma_wait3A_109 = tpu.memref_slice %arg7[%dma_wait3A_107, %dma_wait3A_108] : memref<40x128xi32, #tpu.memory_space<vmem>> -> memref<1x128xi32, #tpu.memory_space<vmem>>
    %dma_wait3A_110 = tpu.memref_squeeze %dma_wait3A_109 : memref<1x128xi32, #tpu.memory_space<vmem>> -> memref<128xi32, #tpu.memory_space<vmem>>
    %dma_wait3A_111 = arith.constant 0 : i32
    %dma_wait3A_112 = arith.constant 0 : i32
    %dma_wait3A_113 = tpu.memref_slice %arg2[%dma_wait3A_111, %dma_wait3A_112] : memref<10000x128xf32, #tpu.memory_space<hbm>> -> memref<10000x128xf32, #tpu.memory_space<hbm>>
    tpu.wait_indirect_dma semaphore(%arg12 : memref<!tpu.dma_semaphore, #tpu.memory_space<semaphore_mem>>) src(%dma_wait3A_113 : memref<10000x128xf32, #tpu.memory_space<hbm>>) dst(%arg10 : memref<128x128xf32, #tpu.memory_space<vmem>>)
    %dma_start3A_114 = arith.constant 39 : i32
    %dma_start3A_115 = arith.constant 0 : i32
    %dma_start3A_116 = tpu.memref_slice %arg8[%dma_start3A_114, %dma_start3A_115] : memref<40x128xi32, #tpu.memory_space<vmem>> -> memref<1x128xi32, #tpu.memory_space<vmem>>
    %dma_start3A_117 = tpu.memref_squeeze %dma_start3A_116 : memref<1x128xi32, #tpu.memory_space<vmem>> -> memref<128xi32, #tpu.memory_space<vmem>>
    %dma_start3A_118 = arith.constant 0 : i32
    %dma_start3A_119 = arith.constant 0 : i32
    %dma_start3A_120 = tpu.memref_slice %arg16[%dma_start3A_118, %dma_start3A_119] : memref<10112x128xf32, #tpu.memory_space<vmem_shared>> -> memref<10112x128xf32, #tpu.memory_space<vmem_shared>>
    tpu.enqueue_indirect_dma source(%arg10 : memref<128x128xf32, #tpu.memory_space<vmem>>) target(%dma_start3A_120 : memref<10112x128xf32, #tpu.memory_space<vmem_shared>>) offsets(%dma_start3A_117 : memref<128xi32, #tpu.memory_space<vmem>>) semaphore(%arg14 : memref<!tpu.dma_semaphore, #tpu.memory_space<semaphore_mem>>) {add = true}
    %dma_wait3A_121 = arith.constant 39 : i32
    %dma_wait3A_122 = arith.constant 0 : i32
    %dma_wait3A_123 = tpu.memref_slice %arg8[%dma_wait3A_121, %dma_wait3A_122] : memref<40x128xi32, #tpu.memory_space<vmem>> -> memref<1x128xi32, #tpu.memory_space<vmem>>
    %dma_wait3A_124 = tpu.memref_squeeze %dma_wait3A_123 : memref<1x128xi32, #tpu.memory_space<vmem>> -> memref<128xi32, #tpu.memory_space<vmem>>
    %dma_wait3A_125 = arith.constant 0 : i32
    %dma_wait3A_126 = arith.constant 0 : i32
    %dma_wait3A_127 = tpu.memref_slice %arg16[%dma_wait3A_125, %dma_wait3A_126] : memref<10112x128xf32, #tpu.memory_space<vmem_shared>> -> memref<10112x128xf32, #tpu.memory_space<vmem_shared>>
    tpu.wait_indirect_dma semaphore(%arg14 : memref<!tpu.dma_semaphore, #tpu.memory_space<semaphore_mem>>) src(%arg10 : memref<128x128xf32, #tpu.memory_space<vmem>>) dst(%dma_wait3A_127 : memref<10112x128xf32, #tpu.memory_space<vmem_shared>>)
    "tpu.region"() ({
      %run_scoped3A = tpu.sem_alloc : memref<!tpu.dma_semaphore, #tpu.memory_space<semaphore_mem>>
      %dma_start3A_250 = arith.constant 40 : i32
      %dma_start3A_251 = arith.constant 0 : i32
      %dma_start3A_252 = tpu.memref_slice %arg3[%add3A, %dma_start3A_250, %dma_start3A_251] : memref<32x80x128xi32, #tpu.memory_space<hbm>> -> memref<1x40x128xi32, #tpu.memory_space<hbm>>
      %dma_start3A_253 = tpu.memref_squeeze %dma_start3A_252 : memref<1x40x128xi32, #tpu.memory_space<hbm>> -> memref<40x128xi32, #tpu.memory_space<hbm>>
      %dma_start3A_254 = arith.constant 40 : i32
      %dma_start3A_255 = arith.constant 0 : i32
      %dma_start3A_256 = tpu.memref_slice %arg3[%add3A, %dma_start3A_254, %dma_start3A_255] : memref<32x80x128xi32, #tpu.memory_space<hbm>> -> memref<1x40x128xi32, #tpu.memory_space<hbm>>
      %dma_start3A_257 = tpu.memref_squeeze %dma_start3A_256 : memref<1x40x128xi32, #tpu.memory_space<hbm>> -> memref<40x128xi32, #tpu.memory_space<hbm>>
      tpu.enqueue_dma source(%dma_start3A_257 : memref<40x128xi32, #tpu.memory_space<hbm>>) target(%arg7 : memref<40x128xi32, #tpu.memory_space<vmem>>) target_semaphore(%run_scoped3A : memref<!tpu.dma_semaphore, #tpu.memory_space<semaphore_mem>>)
      %dma_wait3A_258 = arith.constant 40 : i32
      %dma_wait3A_259 = arith.constant 0 : i32
      %dma_wait3A_260 = tpu.memref_slice %arg3[%add3A, %dma_wait3A_258, %dma_wait3A_259] : memref<32x80x128xi32, #tpu.memory_space<hbm>> -> memref<1x40x128xi32, #tpu.memory_space<hbm>>
      %dma_wait3A_261 = tpu.memref_squeeze %dma_wait3A_260 : memref<1x40x128xi32, #tpu.memory_space<hbm>> -> memref<40x128xi32, #tpu.memory_space<hbm>>
      %dma_wait3A_262 = arith.constant 40 : i32
      %dma_wait3A_263 = arith.constant 0 : i32
      %dma_wait3A_264 = tpu.memref_slice %arg3[%add3A, %dma_wait3A_262, %dma_wait3A_263] : memref<32x80x128xi32, #tpu.memory_space<hbm>> -> memref<1x40x128xi32, #tpu.memory_space<hbm>>
      %dma_wait3A_265 = tpu.memref_squeeze %dma_wait3A_264 : memref<1x40x128xi32, #tpu.memory_space<hbm>> -> memref<40x128xi32, #tpu.memory_space<hbm>>
      tpu.wait_dma2 semaphore(%run_scoped3A : memref<!tpu.dma_semaphore, #tpu.memory_space<semaphore_mem>>) src(%dma_wait3A_265 : memref<40x128xi32, #tpu.memory_space<hbm>>) dst(%arg7 : memref<40x128xi32, #tpu.memory_space<vmem>>)
      tpu.yield
    }) : () -> ()
    "tpu.region"() ({
      %run_scoped3A = tpu.sem_alloc : memref<!tpu.dma_semaphore, #tpu.memory_space<semaphore_mem>>
      %dma_start3A_250 = arith.constant 40 : i32
      %dma_start3A_251 = arith.constant 0 : i32
      %dma_start3A_252 = tpu.memref_slice %arg4[%add3A, %dma_start3A_250, %dma_start3A_251] : memref<32x80x128xi32, #tpu.memory_space<hbm>> -> memref<1x40x128xi32, #tpu.memory_space<hbm>>
      %dma_start3A_253 = tpu.memref_squeeze %dma_start3A_252 : memref<1x40x128xi32, #tpu.memory_space<hbm>> -> memref<40x128xi32, #tpu.memory_space<hbm>>
      %dma_start3A_254 = arith.constant 40 : i32
      %dma_start3A_255 = arith.constant 0 : i32
      %dma_start3A_256 = tpu.memref_slice %arg4[%add3A, %dma_start3A_254, %dma_start3A_255] : memref<32x80x128xi32, #tpu.memory_space<hbm>> -> memref<1x40x128xi32, #tpu.memory_space<hbm>>
      %dma_start3A_257 = tpu.memref_squeeze %dma_start3A_256 : memref<1x40x128xi32, #tpu.memory_space<hbm>> -> memref<40x128xi32, #tpu.memory_space<hbm>>
      tpu.enqueue_dma source(%dma_start3A_257 : memref<40x128xi32, #tpu.memory_space<hbm>>) target(%arg8 : memref<40x128xi32, #tpu.memory_space<vmem>>) target_semaphore(%run_scoped3A : memref<!tpu.dma_semaphore, #tpu.memory_space<semaphore_mem>>)
      %dma_wait3A_258 = arith.constant 40 : i32
      %dma_wait3A_259 = arith.constant 0 : i32
      %dma_wait3A_260 = tpu.memref_slice %arg4[%add3A, %dma_wait3A_258, %dma_wait3A_259] : memref<32x80x128xi32, #tpu.memory_space<hbm>> -> memref<1x40x128xi32, #tpu.memory_space<hbm>>
      %dma_wait3A_261 = tpu.memref_squeeze %dma_wait3A_260 : memref<1x40x128xi32, #tpu.memory_space<hbm>> -> memref<40x128xi32, #tpu.memory_space<hbm>>
      %dma_wait3A_262 = arith.constant 40 : i32
      %dma_wait3A_263 = arith.constant 0 : i32
      %dma_wait3A_264 = tpu.memref_slice %arg4[%add3A, %dma_wait3A_262, %dma_wait3A_263] : memref<32x80x128xi32, #tpu.memory_space<hbm>> -> memref<1x40x128xi32, #tpu.memory_space<hbm>>
      %dma_wait3A_265 = tpu.memref_squeeze %dma_wait3A_264 : memref<1x40x128xi32, #tpu.memory_space<hbm>> -> memref<40x128xi32, #tpu.memory_space<hbm>>
      tpu.wait_dma2 semaphore(%run_scoped3A : memref<!tpu.dma_semaphore, #tpu.memory_space<semaphore_mem>>) src(%dma_wait3A_265 : memref<40x128xi32, #tpu.memory_space<hbm>>) dst(%arg8 : memref<40x128xi32, #tpu.memory_space<vmem>>)
      tpu.yield
    }) : () -> ()
    %dma_start3A_128 = arith.constant 0 : i32
    %dma_start3A_129 = arith.constant 0 : i32
    %dma_start3A_130 = tpu.memref_slice %arg7[%dma_start3A_128, %dma_start3A_129] : memref<40x128xi32, #tpu.memory_space<vmem>> -> memref<1x128xi32, #tpu.memory_space<vmem>>
    %dma_start3A_131 = tpu.memref_squeeze %dma_start3A_130 : memref<1x128xi32, #tpu.memory_space<vmem>> -> memref<128xi32, #tpu.memory_space<vmem>>
    %dma_start3A_132 = arith.constant 0 : i32
    %dma_start3A_133 = arith.constant 0 : i32
    %dma_start3A_134 = tpu.memref_slice %arg2[%dma_start3A_132, %dma_start3A_133] : memref<10000x128xf32, #tpu.memory_space<hbm>> -> memref<10000x128xf32, #tpu.memory_space<hbm>>
    tpu.enqueue_indirect_dma source(%dma_start3A_134 : memref<10000x128xf32, #tpu.memory_space<hbm>>) target(%arg9 : memref<128x128xf32, #tpu.memory_space<vmem>>) offsets(%dma_start3A_131 : memref<128xi32, #tpu.memory_space<vmem>>) semaphore(%arg11 : memref<!tpu.dma_semaphore, #tpu.memory_space<semaphore_mem>>)
    %dma_start3A_135 = arith.constant 1 : i32
    %dma_start3A_136 = arith.constant 0 : i32
    %dma_start3A_137 = tpu.memref_slice %arg7[%dma_start3A_135, %dma_start3A_136] : memref<40x128xi32, #tpu.memory_space<vmem>> -> memref<1x128xi32, #tpu.memory_space<vmem>>
    %dma_start3A_138 = tpu.memref_squeeze %dma_start3A_137 : memref<1x128xi32, #tpu.memory_space<vmem>> -> memref<128xi32, #tpu.memory_space<vmem>>
    %dma_start3A_139 = arith.constant 0 : i32
    %dma_start3A_140 = arith.constant 0 : i32
    %dma_start3A_141 = tpu.memref_slice %arg2[%dma_start3A_139, %dma_start3A_140] : memref<10000x128xf32, #tpu.memory_space<hbm>> -> memref<10000x128xf32, #tpu.memory_space<hbm>>
    tpu.enqueue_indirect_dma source(%dma_start3A_141 : memref<10000x128xf32, #tpu.memory_space<hbm>>) target(%arg10 : memref<128x128xf32, #tpu.memory_space<vmem>>) offsets(%dma_start3A_138 : memref<128xi32, #tpu.memory_space<vmem>>) semaphore(%arg12 : memref<!tpu.dma_semaphore, #tpu.memory_space<semaphore_mem>>)
    %dma_wait3A_142 = arith.constant 0 : i32
    %dma_wait3A_143 = arith.constant 0 : i32
    %dma_wait3A_144 = tpu.memref_slice %arg7[%dma_wait3A_142, %dma_wait3A_143] : memref<40x128xi32, #tpu.memory_space<vmem>> -> memref<1x128xi32, #tpu.memory_space<vmem>>
    %dma_wait3A_145 = tpu.memref_squeeze %dma_wait3A_144 : memref<1x128xi32, #tpu.memory_space<vmem>> -> memref<128xi32, #tpu.memory_space<vmem>>
    %dma_wait3A_146 = arith.constant 0 : i32
    %dma_wait3A_147 = arith.constant 0 : i32
    %dma_wait3A_148 = tpu.memref_slice %arg2[%dma_wait3A_146, %dma_wait3A_147] : memref<10000x128xf32, #tpu.memory_space<hbm>> -> memref<10000x128xf32, #tpu.memory_space<hbm>>
    tpu.wait_indirect_dma semaphore(%arg11 : memref<!tpu.dma_semaphore, #tpu.memory_space<semaphore_mem>>) src(%dma_wait3A_148 : memref<10000x128xf32, #tpu.memory_space<hbm>>) dst(%arg9 : memref<128x128xf32, #tpu.memory_space<vmem>>)
    %dma_start3A_149 = arith.constant 0 : i32
    %dma_start3A_150 = arith.constant 0 : i32
    %dma_start3A_151 = tpu.memref_slice %arg8[%dma_start3A_149, %dma_start3A_150] : memref<40x128xi32, #tpu.memory_space<vmem>> -> memref<1x128xi32, #tpu.memory_space<vmem>>
    %dma_start3A_152 = tpu.memref_squeeze %dma_start3A_151 : memref<1x128xi32, #tpu.memory_space<vmem>> -> memref<128xi32, #tpu.memory_space<vmem>>
    %dma_start3A_153 = arith.constant 0 : i32
    %dma_start3A_154 = arith.constant 0 : i32
    %dma_start3A_155 = tpu.memref_slice %arg16[%dma_start3A_153, %dma_start3A_154] : memref<10112x128xf32, #tpu.memory_space<vmem_shared>> -> memref<10112x128xf32, #tpu.memory_space<vmem_shared>>
    tpu.enqueue_indirect_dma source(%arg9 : memref<128x128xf32, #tpu.memory_space<vmem>>) target(%dma_start3A_155 : memref<10112x128xf32, #tpu.memory_space<vmem_shared>>) offsets(%dma_start3A_152 : memref<128xi32, #tpu.memory_space<vmem>>) semaphore(%arg13 : memref<!tpu.dma_semaphore, #tpu.memory_space<semaphore_mem>>) {add = true}
    %dma_wait3A_156 = arith.constant 0 : i32
    %dma_wait3A_157 = arith.constant 0 : i32
    %dma_wait3A_158 = tpu.memref_slice %arg8[%dma_wait3A_156, %dma_wait3A_157] : memref<40x128xi32, #tpu.memory_space<vmem>> -> memref<1x128xi32, #tpu.memory_space<vmem>>
    %dma_wait3A_159 = tpu.memref_squeeze %dma_wait3A_158 : memref<1x128xi32, #tpu.memory_space<vmem>> -> memref<128xi32, #tpu.memory_space<vmem>>
    %dma_wait3A_160 = arith.constant 0 : i32
    %dma_wait3A_161 = arith.constant 0 : i32
    %dma_wait3A_162 = tpu.memref_slice %arg16[%dma_wait3A_160, %dma_wait3A_161] : memref<10112x128xf32, #tpu.memory_space<vmem_shared>> -> memref<10112x128xf32, #tpu.memory_space<vmem_shared>>
    tpu.wait_indirect_dma semaphore(%arg13 : memref<!tpu.dma_semaphore, #tpu.memory_space<semaphore_mem>>) src(%arg9 : memref<128x128xf32, #tpu.memory_space<vmem>>) dst(%dma_wait3A_162 : memref<10112x128xf32, #tpu.memory_space<vmem_shared>>)
    %dma_start3A_163 = arith.constant 2 : i32
    %dma_start3A_164 = arith.constant 0 : i32
    %dma_start3A_165 = tpu.memref_slice %arg7[%dma_start3A_163, %dma_start3A_164] : memref<40x128xi32, #tpu.memory_space<vmem>> -> memref<1x128xi32, #tpu.memory_space<vmem>>
    %dma_start3A_166 = tpu.memref_squeeze %dma_start3A_165 : memref<1x128xi32, #tpu.memory_space<vmem>> -> memref<128xi32, #tpu.memory_space<vmem>>
    %dma_start3A_167 = arith.constant 0 : i32
    %dma_start3A_168 = arith.constant 0 : i32
    %dma_start3A_169 = tpu.memref_slice %arg2[%dma_start3A_167, %dma_start3A_168] : memref<10000x128xf32, #tpu.memory_space<hbm>> -> memref<10000x128xf32, #tpu.memory_space<hbm>>
    tpu.enqueue_indirect_dma source(%dma_start3A_169 : memref<10000x128xf32, #tpu.memory_space<hbm>>) target(%arg9 : memref<128x128xf32, #tpu.memory_space<vmem>>) offsets(%dma_start3A_166 : memref<128xi32, #tpu.memory_space<vmem>>) semaphore(%arg11 : memref<!tpu.dma_semaphore, #tpu.memory_space<semaphore_mem>>)
    %dma_wait3A_170 = arith.constant 1 : i32
    %dma_wait3A_171 = arith.constant 0 : i32
    %dma_wait3A_172 = tpu.memref_slice %arg7[%dma_wait3A_170, %dma_wait3A_171] : memref<40x128xi32, #tpu.memory_space<vmem>> -> memref<1x128xi32, #tpu.memory_space<vmem>>
    %dma_wait3A_173 = tpu.memref_squeeze %dma_wait3A_172 : memref<1x128xi32, #tpu.memory_space<vmem>> -> memref<128xi32, #tpu.memory_space<vmem>>
    %dma_wait3A_174 = arith.constant 0 : i32
    %dma_wait3A_175 = arith.constant 0 : i32
    %dma_wait3A_176 = tpu.memref_slice %arg2[%dma_wait3A_174, %dma_wait3A_175] : memref<10000x128xf32, #tpu.memory_space<hbm>> -> memref<10000x128xf32, #tpu.memory_space<hbm>>
    tpu.wait_indirect_dma semaphore(%arg12 : memref<!tpu.dma_semaphore, #tpu.memory_space<semaphore_mem>>) src(%dma_wait3A_176 : memref<10000x128xf32, #tpu.memory_space<hbm>>) dst(%arg10 : memref<128x128xf32, #tpu.memory_space<vmem>>)
    %dma_start3A_177 = arith.constant 1 : i32
    %dma_start3A_178 = arith.constant 0 : i32
    %dma_start3A_179 = tpu.memref_slice %arg8[%dma_start3A_177, %dma_start3A_178] : memref<40x128xi32, #tpu.memory_space<vmem>> -> memref<1x128xi32, #tpu.memory_space<vmem>>
    %dma_start3A_180 = tpu.memref_squeeze %dma_start3A_179 : memref<1x128xi32, #tpu.memory_space<vmem>> -> memref<128xi32, #tpu.memory_space<vmem>>
    %dma_start3A_181 = arith.constant 0 : i32
    %dma_start3A_182 = arith.constant 0 : i32
    %dma_start3A_183 = tpu.memref_slice %arg16[%dma_start3A_181, %dma_start3A_182] : memref<10112x128xf32, #tpu.memory_space<vmem_shared>> -> memref<10112x128xf32, #tpu.memory_space<vmem_shared>>
    tpu.enqueue_indirect_dma source(%arg10 : memref<128x128xf32, #tpu.memory_space<vmem>>) target(%dma_start3A_183 : memref<10112x128xf32, #tpu.memory_space<vmem_shared>>) offsets(%dma_start3A_180 : memref<128xi32, #tpu.memory_space<vmem>>) semaphore(%arg14 : memref<!tpu.dma_semaphore, #tpu.memory_space<semaphore_mem>>) {add = true}
    %scan3A_184 = arith.constant 0 : i32
    %scan3A_185 = arith.constant 1 : i32
    %scan3A_186 = arith.constant 18 : i32
    %scan3A_187 = arith.addi %scan3A_185, %scan3A_186 : i32
    %scan3A_188 = arith.constant 1 : i32
    scf.for %scan3A_250 = %scan3A_185 to %scan3A_187 step %scan3A_188  : i32 {
      %mul3A_251 = arith.constant 2 : i32
      %mul3A_252 = arith.muli %mul3A_251, %scan3A_250 : i32
      %sub3A = arith.constant 1 : i32
      %sub3A_253 = arith.subi %mul3A_252, %sub3A : i32
      %dma_wait3A_254 = arith.constant 0 : i32
      %dma_wait3A_255 = tpu.memref_slice %arg8[%sub3A_253, %dma_wait3A_254] : memref<40x128xi32, #tpu.memory_space<vmem>> -> memref<1x128xi32, #tpu.memory_space<vmem>>
      %dma_wait3A_256 = tpu.memref_squeeze %dma_wait3A_255 : memref<1x128xi32, #tpu.memory_space<vmem>> -> memref<128xi32, #tpu.memory_space<vmem>>
      %dma_wait3A_257 = arith.constant 0 : i32
      %dma_wait3A_258 = arith.constant 0 : i32
      %dma_wait3A_259 = tpu.memref_slice %arg16[%dma_wait3A_257, %dma_wait3A_258] : memref<10112x128xf32, #tpu.memory_space<vmem_shared>> -> memref<10112x128xf32, #tpu.memory_space<vmem_shared>>
      tpu.wait_indirect_dma semaphore(%arg14 : memref<!tpu.dma_semaphore, #tpu.memory_space<semaphore_mem>>) src(%arg10 : memref<128x128xf32, #tpu.memory_space<vmem>>) dst(%dma_wait3A_259 : memref<10112x128xf32, #tpu.memory_space<vmem_shared>>)
      %add3A_260 = arith.constant 1 : i32
      %add3A_261 = arith.addi %mul3A_252, %add3A_260 : i32
      %dma_start3A_262 = arith.constant 0 : i32
      %dma_start3A_263 = tpu.memref_slice %arg7[%add3A_261, %dma_start3A_262] : memref<40x128xi32, #tpu.memory_space<vmem>> -> memref<1x128xi32, #tpu.memory_space<vmem>>
      %dma_start3A_264 = tpu.memref_squeeze %dma_start3A_263 : memref<1x128xi32, #tpu.memory_space<vmem>> -> memref<128xi32, #tpu.memory_space<vmem>>
      %dma_start3A_265 = arith.constant 0 : i32
      %dma_start3A_266 = arith.constant 0 : i32
      %dma_start3A_267 = tpu.memref_slice %arg2[%dma_start3A_265, %dma_start3A_266] : memref<10000x128xf32, #tpu.memory_space<hbm>> -> memref<10000x128xf32, #tpu.memory_space<hbm>>
      tpu.enqueue_indirect_dma source(%dma_start3A_267 : memref<10000x128xf32, #tpu.memory_space<hbm>>) target(%arg10 : memref<128x128xf32, #tpu.memory_space<vmem>>) offsets(%dma_start3A_264 : memref<128xi32, #tpu.memory_space<vmem>>) semaphore(%arg12 : memref<!tpu.dma_semaphore, #tpu.memory_space<semaphore_mem>>)
      %dma_wait3A_268 = arith.constant 0 : i32
      %dma_wait3A_269 = tpu.memref_slice %arg7[%mul3A_252, %dma_wait3A_268] : memref<40x128xi32, #tpu.memory_space<vmem>> -> memref<1x128xi32, #tpu.memory_space<vmem>>
      %dma_wait3A_270 = tpu.memref_squeeze %dma_wait3A_269 : memref<1x128xi32, #tpu.memory_space<vmem>> -> memref<128xi32, #tpu.memory_space<vmem>>
      %dma_wait3A_271 = arith.constant 0 : i32
      %dma_wait3A_272 = arith.constant 0 : i32
      %dma_wait3A_273 = tpu.memref_slice %arg2[%dma_wait3A_271, %dma_wait3A_272] : memref<10000x128xf32, #tpu.memory_space<hbm>> -> memref<10000x128xf32, #tpu.memory_space<hbm>>
      tpu.wait_indirect_dma semaphore(%arg11 : memref<!tpu.dma_semaphore, #tpu.memory_space<semaphore_mem>>) src(%dma_wait3A_273 : memref<10000x128xf32, #tpu.memory_space<hbm>>) dst(%arg9 : memref<128x128xf32, #tpu.memory_space<vmem>>)
      %dma_start3A_274 = arith.constant 0 : i32
      %dma_start3A_275 = tpu.memref_slice %arg8[%mul3A_252, %dma_start3A_274] : memref<40x128xi32, #tpu.memory_space<vmem>> -> memref<1x128xi32, #tpu.memory_space<vmem>>
      %dma_start3A_276 = tpu.memref_squeeze %dma_start3A_275 : memref<1x128xi32, #tpu.memory_space<vmem>> -> memref<128xi32, #tpu.memory_space<vmem>>
      %dma_start3A_277 = arith.constant 0 : i32
      %dma_start3A_278 = arith.constant 0 : i32
      %dma_start3A_279 = tpu.memref_slice %arg16[%dma_start3A_277, %dma_start3A_278] : memref<10112x128xf32, #tpu.memory_space<vmem_shared>> -> memref<10112x128xf32, #tpu.memory_space<vmem_shared>>
      tpu.enqueue_indirect_dma source(%arg9 : memref<128x128xf32, #tpu.memory_space<vmem>>) target(%dma_start3A_279 : memref<10112x128xf32, #tpu.memory_space<vmem_shared>>) offsets(%dma_start3A_276 : memref<128xi32, #tpu.memory_space<vmem>>) semaphore(%arg13 : memref<!tpu.dma_semaphore, #tpu.memory_space<semaphore_mem>>) {add = true}
      %mul3A_280 = arith.constant 2 : i32
      %mul3A_281 = arith.muli %mul3A_280, %scan3A_250 : i32
      %add3A_282 = arith.constant 1 : i32
      %add3A_283 = arith.addi %mul3A_281, %add3A_282 : i32
      %sub3A_284 = arith.constant 1 : i32
      %sub3A_285 = arith.subi %add3A_283, %sub3A_284 : i32
      %dma_wait3A_286 = arith.constant 0 : i32
      %dma_wait3A_287 = tpu.memref_slice %arg8[%sub3A_285, %dma_wait3A_286] : memref<40x128xi32, #tpu.memory_space<vmem>> -> memref<1x128xi32, #tpu.memory_space<vmem>>
      %dma_wait3A_288 = tpu.memref_squeeze %dma_wait3A_287 : memref<1x128xi32, #tpu.memory_space<vmem>> -> memref<128xi32, #tpu.memory_space<vmem>>
      %dma_wait3A_289 = arith.constant 0 : i32
      %dma_wait3A_290 = arith.constant 0 : i32
      %dma_wait3A_291 = tpu.memref_slice %arg16[%dma_wait3A_289, %dma_wait3A_290] : memref<10112x128xf32, #tpu.memory_space<vmem_shared>> -> memref<10112x128xf32, #tpu.memory_space<vmem_shared>>
      tpu.wait_indirect_dma semaphore(%arg13 : memref<!tpu.dma_semaphore, #tpu.memory_space<semaphore_mem>>) src(%arg9 : memref<128x128xf32, #tpu.memory_space<vmem>>) dst(%dma_wait3A_291 : memref<10112x128xf32, #tpu.memory_space<vmem_shared>>)
      %add3A_292 = arith.constant 1 : i32
      %add3A_293 = arith.addi %add3A_283, %add3A_292 : i32
      %dma_start3A_294 = arith.constant 0 : i32
      %dma_start3A_295 = tpu.memref_slice %arg7[%add3A_293, %dma_start3A_294] : memref<40x128xi32, #tpu.memory_space<vmem>> -> memref<1x128xi32, #tpu.memory_space<vmem>>
      %dma_start3A_296 = tpu.memref_squeeze %dma_start3A_295 : memref<1x128xi32, #tpu.memory_space<vmem>> -> memref<128xi32, #tpu.memory_space<vmem>>
      %dma_start3A_297 = arith.constant 0 : i32
      %dma_start3A_298 = arith.constant 0 : i32
      %dma_start3A_299 = tpu.memref_slice %arg2[%dma_start3A_297, %dma_start3A_298] : memref<10000x128xf32, #tpu.memory_space<hbm>> -> memref<10000x128xf32, #tpu.memory_space<hbm>>
      tpu.enqueue_indirect_dma source(%dma_start3A_299 : memref<10000x128xf32, #tpu.memory_space<hbm>>) target(%arg9 : memref<128x128xf32, #tpu.memory_space<vmem>>) offsets(%dma_start3A_296 : memref<128xi32, #tpu.memory_space<vmem>>) semaphore(%arg11 : memref<!tpu.dma_semaphore, #tpu.memory_space<semaphore_mem>>)
      %dma_wait3A_300 = arith.constant 0 : i32
      %dma_wait3A_301 = tpu.memref_slice %arg7[%add3A_283, %dma_wait3A_300] : memref<40x128xi32, #tpu.memory_space<vmem>> -> memref<1x128xi32, #tpu.memory_space<vmem>>
      %dma_wait3A_302 = tpu.memref_squeeze %dma_wait3A_301 : memref<1x128xi32, #tpu.memory_space<vmem>> -> memref<128xi32, #tpu.memory_space<vmem>>
      %dma_wait3A_303 = arith.constant 0 : i32
      %dma_wait3A_304 = arith.constant 0 : i32
      %dma_wait3A_305 = tpu.memref_slice %arg2[%dma_wait3A_303, %dma_wait3A_304] : memref<10000x128xf32, #tpu.memory_space<hbm>> -> memref<10000x128xf32, #tpu.memory_space<hbm>>
      tpu.wait_indirect_dma semaphore(%arg12 : memref<!tpu.dma_semaphore, #tpu.memory_space<semaphore_mem>>) src(%dma_wait3A_305 : memref<10000x128xf32, #tpu.memory_space<hbm>>) dst(%arg10 : memref<128x128xf32, #tpu.memory_space<vmem>>)
      %dma_start3A_306 = arith.constant 0 : i32
      %dma_start3A_307 = tpu.memref_slice %arg8[%add3A_283, %dma_start3A_306] : memref<40x128xi32, #tpu.memory_space<vmem>> -> memref<1x128xi32, #tpu.memory_space<vmem>>
      %dma_start3A_308 = tpu.memref_squeeze %dma_start3A_307 : memref<1x128xi32, #tpu.memory_space<vmem>> -> memref<128xi32, #tpu.memory_space<vmem>>
      %dma_start3A_309 = arith.constant 0 : i32
      %dma_start3A_310 = arith.constant 0 : i32
      %dma_start3A_311 = tpu.memref_slice %arg16[%dma_start3A_309, %dma_start3A_310] : memref<10112x128xf32, #tpu.memory_space<vmem_shared>> -> memref<10112x128xf32, #tpu.memory_space<vmem_shared>>
      tpu.enqueue_indirect_dma source(%arg10 : memref<128x128xf32, #tpu.memory_space<vmem>>) target(%dma_start3A_311 : memref<10112x128xf32, #tpu.memory_space<vmem_shared>>) offsets(%dma_start3A_308 : memref<128xi32, #tpu.memory_space<vmem>>) semaphore(%arg14 : memref<!tpu.dma_semaphore, #tpu.memory_space<semaphore_mem>>) {add = true}
    }
    %scan3A_189 = arith.constant 18 : i32
    %dma_wait3A_190 = arith.constant 37 : i32
    %dma_wait3A_191 = arith.constant 0 : i32
    %dma_wait3A_192 = tpu.memref_slice %arg8[%dma_wait3A_190, %dma_wait3A_191] : memref<40x128xi32, #tpu.memory_space<vmem>> -> memref<1x128xi32, #tpu.memory_space<vmem>>
    %dma_wait3A_193 = tpu.memref_squeeze %dma_wait3A_192 : memref<1x128xi32, #tpu.memory_space<vmem>> -> memref<128xi32, #tpu.memory_space<vmem>>
    %dma_wait3A_194 = arith.constant 0 : i32
    %dma_wait3A_195 = arith.constant 0 : i32
    %dma_wait3A_196 = tpu.memref_slice %arg16[%dma_wait3A_194, %dma_wait3A_195] : memref<10112x128xf32, #tpu.memory_space<vmem_shared>> -> memref<10112x128xf32, #tpu.memory_space<vmem_shared>>
    tpu.wait_indirect_dma semaphore(%arg14 : memref<!tpu.dma_semaphore, #tpu.memory_space<semaphore_mem>>) src(%arg10 : memref<128x128xf32, #tpu.memory_space<vmem>>) dst(%dma_wait3A_196 : memref<10112x128xf32, #tpu.memory_space<vmem_shared>>)
    %dma_start3A_197 = arith.constant 39 : i32
    %dma_start3A_198 = arith.constant 0 : i32
    %dma_start3A_199 = tpu.memref_slice %arg7[%dma_start3A_197, %dma_start3A_198] : memref<40x128xi32, #tpu.memory_space<vmem>> -> memref<1x128xi32, #tpu.memory_space<vmem>>
    %dma_start3A_200 = tpu.memref_squeeze %dma_start3A_199 : memref<1x128xi32, #tpu.memory_space<vmem>> -> memref<128xi32, #tpu.memory_space<vmem>>
    %dma_start3A_201 = arith.constant 0 : i32
    %dma_start3A_202 = arith.constant 0 : i32
    %dma_start3A_203 = tpu.memref_slice %arg2[%dma_start3A_201, %dma_start3A_202] : memref<10000x128xf32, #tpu.memory_space<hbm>> -> memref<10000x128xf32, #tpu.memory_space<hbm>>
    tpu.enqueue_indirect_dma source(%dma_start3A_203 : memref<10000x128xf32, #tpu.memory_space<hbm>>) target(%arg10 : memref<128x128xf32, #tpu.memory_space<vmem>>) offsets(%dma_start3A_200 : memref<128xi32, #tpu.memory_space<vmem>>) semaphore(%arg12 : memref<!tpu.dma_semaphore, #tpu.memory_space<semaphore_mem>>)
    %dma_wait3A_204 = arith.constant 38 : i32
    %dma_wait3A_205 = arith.constant 0 : i32
    %dma_wait3A_206 = tpu.memref_slice %arg7[%dma_wait3A_204, %dma_wait3A_205] : memref<40x128xi32, #tpu.memory_space<vmem>> -> memref<1x128xi32, #tpu.memory_space<vmem>>
    %dma_wait3A_207 = tpu.memref_squeeze %dma_wait3A_206 : memref<1x128xi32, #tpu.memory_space<vmem>> -> memref<128xi32, #tpu.memory_space<vmem>>
    %dma_wait3A_208 = arith.constant 0 : i32
    %dma_wait3A_209 = arith.constant 0 : i32
    %dma_wait3A_210 = tpu.memref_slice %arg2[%dma_wait3A_208, %dma_wait3A_209] : memref<10000x128xf32, #tpu.memory_space<hbm>> -> memref<10000x128xf32, #tpu.memory_space<hbm>>
    tpu.wait_indirect_dma semaphore(%arg11 : memref<!tpu.dma_semaphore, #tpu.memory_space<semaphore_mem>>) src(%dma_wait3A_210 : memref<10000x128xf32, #tpu.memory_space<hbm>>) dst(%arg9 : memref<128x128xf32, #tpu.memory_space<vmem>>)
    %dma_start3A_211 = arith.constant 38 : i32
    %dma_start3A_212 = arith.constant 0 : i32
    %dma_start3A_213 = tpu.memref_slice %arg8[%dma_start3A_211, %dma_start3A_212] : memref<40x128xi32, #tpu.memory_space<vmem>> -> memref<1x128xi32, #tpu.memory_space<vmem>>
    %dma_start3A_214 = tpu.memref_squeeze %dma_start3A_213 : memref<1x128xi32, #tpu.memory_space<vmem>> -> memref<128xi32, #tpu.memory_space<vmem>>
    %dma_start3A_215 = arith.constant 0 : i32
    %dma_start3A_216 = arith.constant 0 : i32
    %dma_start3A_217 = tpu.memref_slice %arg16[%dma_start3A_215, %dma_start3A_216] : memref<10112x128xf32, #tpu.memory_space<vmem_shared>> -> memref<10112x128xf32, #tpu.memory_space<vmem_shared>>
    tpu.enqueue_indirect_dma source(%arg9 : memref<128x128xf32, #tpu.memory_space<vmem>>) target(%dma_start3A_217 : memref<10112x128xf32, #tpu.memory_space<vmem_shared>>) offsets(%dma_start3A_214 : memref<128xi32, #tpu.memory_space<vmem>>) semaphore(%arg13 : memref<!tpu.dma_semaphore, #tpu.memory_space<semaphore_mem>>) {add = true}
    %dma_wait3A_218 = arith.constant 38 : i32
    %dma_wait3A_219 = arith.constant 0 : i32
    %dma_wait3A_220 = tpu.memref_slice %arg8[%dma_wait3A_218, %dma_wait3A_219] : memref<40x128xi32, #tpu.memory_space<vmem>> -> memref<1x128xi32, #tpu.memory_space<vmem>>
    %dma_wait3A_221 = tpu.memref_squeeze %dma_wait3A_220 : memref<1x128xi32, #tpu.memory_space<vmem>> -> memref<128xi32, #tpu.memory_space<vmem>>
    %dma_wait3A_222 = arith.constant 0 : i32
    %dma_wait3A_223 = arith.constant 0 : i32
    %dma_wait3A_224 = tpu.memref_slice %arg16[%dma_wait3A_222, %dma_wait3A_223] : memref<10112x128xf32, #tpu.memory_space<vmem_shared>> -> memref<10112x128xf32, #tpu.memory_space<vmem_shared>>
    tpu.wait_indirect_dma semaphore(%arg13 : memref<!tpu.dma_semaphore, #tpu.memory_space<semaphore_mem>>) src(%arg9 : memref<128x128xf32, #tpu.memory_space<vmem>>) dst(%dma_wait3A_224 : memref<10112x128xf32, #tpu.memory_space<vmem_shared>>)
    %dma_wait3A_225 = arith.constant 39 : i32
    %dma_wait3A_226 = arith.constant 0 : i32
    %dma_wait3A_227 = tpu.memref_slice %arg7[%dma_wait3A_225, %dma_wait3A_226] : memref<40x128xi32, #tpu.memory_space<vmem>> -> memref<1x128xi32, #tpu.memory_space<vmem>>
    %dma_wait3A_228 = tpu.memref_squeeze %dma_wait3A_227 : memref<1x128xi32, #tpu.memory_space<vmem>> -> memref<128xi32, #tpu.memory_space<vmem>>
    %dma_wait3A_229 = arith.constant 0 : i32
    %dma_wait3A_230 = arith.constant 0 : i32
    %dma_wait3A_231 = tpu.memref_slice %arg2[%dma_wait3A_229, %dma_wait3A_230] : memref<10000x128xf32, #tpu.memory_space<hbm>> -> memref<10000x128xf32, #tpu.memory_space<hbm>>
    tpu.wait_indirect_dma semaphore(%arg12 : memref<!tpu.dma_semaphore, #tpu.memory_space<semaphore_mem>>) src(%dma_wait3A_231 : memref<10000x128xf32, #tpu.memory_space<hbm>>) dst(%arg10 : memref<128x128xf32, #tpu.memory_space<vmem>>)
    %dma_start3A_232 = arith.constant 39 : i32
    %dma_start3A_233 = arith.constant 0 : i32
    %dma_start3A_234 = tpu.memref_slice %arg8[%dma_start3A_232, %dma_start3A_233] : memref<40x128xi32, #tpu.memory_space<vmem>> -> memref<1x128xi32, #tpu.memory_space<vmem>>
    %dma_start3A_235 = tpu.memref_squeeze %dma_start3A_234 : memref<1x128xi32, #tpu.memory_space<vmem>> -> memref<128xi32, #tpu.memory_space<vmem>>
    %dma_start3A_236 = arith.constant 0 : i32
    %dma_start3A_237 = arith.constant 0 : i32
    %dma_start3A_238 = tpu.memref_slice %arg16[%dma_start3A_236, %dma_start3A_237] : memref<10112x128xf32, #tpu.memory_space<vmem_shared>> -> memref<10112x128xf32, #tpu.memory_space<vmem_shared>>
    tpu.enqueue_indirect_dma source(%arg10 : memref<128x128xf32, #tpu.memory_space<vmem>>) target(%dma_start3A_238 : memref<10112x128xf32, #tpu.memory_space<vmem_shared>>) offsets(%dma_start3A_235 : memref<128xi32, #tpu.memory_space<vmem>>) semaphore(%arg14 : memref<!tpu.dma_semaphore, #tpu.memory_space<semaphore_mem>>) {add = true}
    %dma_wait3A_239 = arith.constant 39 : i32
    %dma_wait3A_240 = arith.constant 0 : i32
    %dma_wait3A_241 = tpu.memref_slice %arg8[%dma_wait3A_239, %dma_wait3A_240] : memref<40x128xi32, #tpu.memory_space<vmem>> -> memref<1x128xi32, #tpu.memory_space<vmem>>
    %dma_wait3A_242 = tpu.memref_squeeze %dma_wait3A_241 : memref<1x128xi32, #tpu.memory_space<vmem>> -> memref<128xi32, #tpu.memory_space<vmem>>
    %dma_wait3A_243 = arith.constant 0 : i32
    %dma_wait3A_244 = arith.constant 0 : i32
    %dma_wait3A_245 = tpu.memref_slice %arg16[%dma_wait3A_243, %dma_wait3A_244] : memref<10112x128xf32, #tpu.memory_space<vmem_shared>> -> memref<10112x128xf32, #tpu.memory_space<vmem_shared>>
    tpu.wait_indirect_dma semaphore(%arg14 : memref<!tpu.dma_semaphore, #tpu.memory_space<semaphore_mem>>) src(%arg10 : memref<128x128xf32, #tpu.memory_space<vmem>>) dst(%dma_wait3A_245 : memref<10112x128xf32, #tpu.memory_space<vmem_shared>>)
    %barrier3A_246 = arith.constant 0 : index
    tpu.barrier barrier_id(%barrier3A_246)
    %mul3A_247 = arith.constant 632 : i32
    %mul3A_248 = arith.muli %arg1, %mul3A_247 : i32
    %min3A = arith.constant 9368 : i32
    %min3A_249 = arith.minsi %mul3A_248, %min3A : i32
    "tpu.region"() ({
      %run_scoped3A = tpu.sem_alloc : memref<!tpu.dma_semaphore, #tpu.memory_space<semaphore_mem>>
      %dma_start3A_250 = arith.constant 0 : i32
      %dma_start3A_251 = tpu.memref_slice %arg6[%arg0, %min3A_249, %dma_start3A_250] : memref<2x10000x128xf32, #tpu.memory_space<hbm>> -> memref<1x632x128xf32, #tpu.memory_space<hbm>>
      %dma_start3A_252 = tpu.memref_squeeze %dma_start3A_251 : memref<1x632x128xf32, #tpu.memory_space<hbm>> -> memref<632x128xf32, #tpu.memory_space<hbm>>
      %dma_start3A_253 = arith.constant 0 : i32
      %dma_start3A_254 = tpu.memref_slice %arg16[%min3A_249, %dma_start3A_253] : memref<10112x128xf32, #tpu.memory_space<vmem_shared>> -> memref<632x128xf32, #tpu.memory_space<vmem_shared>>
      tpu.enqueue_dma source(%dma_start3A_254 : memref<632x128xf32, #tpu.memory_space<vmem_shared>>) target(%dma_start3A_252 : memref<632x128xf32, #tpu.memory_space<hbm>>) target_semaphore(%run_scoped3A : memref<!tpu.dma_semaphore, #tpu.memory_space<semaphore_mem>>)
      %dma_wait3A_255 = arith.constant 0 : i32
      %dma_wait3A_256 = tpu.memref_slice %arg6[%arg0, %min3A_249, %dma_wait3A_255] : memref<2x10000x128xf32, #tpu.memory_space<hbm>> -> memref<1x632x128xf32, #tpu.memory_space<hbm>>
      %dma_wait3A_257 = tpu.memref_squeeze %dma_wait3A_256 : memref<1x632x128xf32, #tpu.memory_space<hbm>> -> memref<632x128xf32, #tpu.memory_space<hbm>>
      %dma_wait3A_258 = arith.constant 0 : i32
      %dma_wait3A_259 = tpu.memref_slice %arg16[%min3A_249, %dma_wait3A_258] : memref<10112x128xf32, #tpu.memory_space<vmem_shared>> -> memref<632x128xf32, #tpu.memory_space<vmem_shared>>
      tpu.wait_dma2 semaphore(%run_scoped3A : memref<!tpu.dma_semaphore, #tpu.memory_space<semaphore_mem>>) src(%dma_wait3A_259 : memref<632x128xf32, #tpu.memory_space<vmem_shared>>) dst(%dma_wait3A_257 : memref<632x128xf32, #tpu.memory_space<hbm>>)
      tpu.yield
    }) : () -> ()
    return
  }
}

module attributes {stable_mosaic.version = 14 : i64} {
  func.func @_layer_compute(%arg0: i32, %arg1: i32, %arg2: memref<2000x128xf32, #tpu.memory_space<vmem>>, %arg3: memref<2x2000x128xf32, #tpu.memory_space<vmem>>, %arg4: memref<128x128xf32, #tpu.memory_space<vmem>>, %arg5: memref<1x128xf32, #tpu.memory_space<vmem>>, %arg6: memref<128x128xf32, #tpu.memory_space<vmem>>, %arg7: memref<1x128xf32, #tpu.memory_space<vmem>>, %arg8: memref<1x128xf32, #tpu.memory_space<vmem>>, %arg9: memref<1x128xf32, #tpu.memory_space<vmem>>, %arg10: memref<2000x1xi32, #tpu.memory_space<vmem>>, %arg11: memref<2000x128xf32, #tpu.memory_space<vmem>>, %arg12: memref<64x128xf32, #tpu.memory_space<vmem>>, %arg13: memref<10000x128xf32, #tpu.memory_space<vmem>>, %arg14: memref<8x128xf32, #tpu.memory_space<vmem>>, %arg15: memref<64x128xf32, #tpu.memory_space<vmem>>) attributes {dimension_semantics = [#tpu.dimension_semantics<arbitrary>, #tpu.dimension_semantics<arbitrary>], iteration_bounds = array<i64: 2, 5>, scalar_prefetch = 0 : i64, scratch_operands = 3 : i64, tpu.core_type = #tpu.core_type<tc>, window_params = [{transform_indices = @transform_0, window_bounds = array<i64: 2000, 128>}, {transform_indices = @transform_1, window_bounds = array<i64: 2, 2000, 128>}, {pipeline_mode = #tpu.pipeline_mode<synchronous>, transform_indices = @transform_2, window_bounds = array<i64: 128, 128>}, {pipeline_mode = #tpu.pipeline_mode<synchronous>, transform_indices = @transform_3, window_bounds = array<i64: 1, 128>}, {pipeline_mode = #tpu.pipeline_mode<synchronous>, transform_indices = @transform_4, window_bounds = array<i64: 128, 128>}, {pipeline_mode = #tpu.pipeline_mode<synchronous>, transform_indices = @transform_5, window_bounds = array<i64: 1, 128>}, {pipeline_mode = #tpu.pipeline_mode<synchronous>, transform_indices = @transform_6, window_bounds = array<i64: 1, 128>}, {pipeline_mode = #tpu.pipeline_mode<synchronous>, transform_indices = @transform_7, window_bounds = array<i64: 1, 128>}, {transform_indices = @transform_8, window_bounds = array<i64: 2000, 1>}, {transform_indices = @transform_9, window_bounds = array<i64: 2000, 128>}, {pipeline_mode = #tpu.pipeline_mode<synchronous>, transform_indices = @transform_10, window_bounds = array<i64: 64, 128>}]} {
    %eq3A = arith.constant 0 : i32
    %eq3A_0 = arith.cmpi eq, %arg0, %eq3A : i32
    %convert_element_type3A = arith.extui %eq3A_0 : i1 to i32
    %cond3A = arith.constant 0 : i32
    %cond3A_1 = arith.cmpi ne, %convert_element_type3A, %cond3A : i32
    scf.if %cond3A_1 {
      %get3A = arith.constant 0 : index
      %get3A_7 = arith.constant 0 : index
      %get3A_8 = vector.load %arg2[%get3A, %get3A_7] : memref<2000x128xf32, #tpu.memory_space<vmem>>, vector<2000x128xf32>
      %get3A_9 = arith.constant 0 : index
      %get3A_10 = arith.constant 0 : index
      %get3A_11 = arith.constant 0 : index
      %get3A_12 = vector.load %arg3[%get3A_9, %get3A_10, %get3A_11] : memref<2x2000x128xf32, #tpu.memory_space<vmem>>, vector<1x2000x128xf32>
      %get3A_13 = vector.shape_cast %get3A_12 : vector<1x2000x128xf32> to vector<2000x128xf32>
      %add3A = arith.addf %get3A_8, %get3A_13 : vector<2000x128xf32>
      %get3A_14 = arith.constant 1 : index
      %get3A_15 = arith.constant 0 : index
      %get3A_16 = arith.constant 0 : index
      %get3A_17 = vector.load %arg3[%get3A_14, %get3A_15, %get3A_16] : memref<2x2000x128xf32, #tpu.memory_space<vmem>>, vector<1x2000x128xf32>
      %get3A_18 = vector.shape_cast %get3A_17 : vector<1x2000x128xf32> to vector<2000x128xf32>
      %add3A_19 = arith.addf %add3A, %get3A_18 : vector<2000x128xf32>
      %get3A_20 = arith.constant 0 : index
      %get3A_21 = arith.constant 0 : index
      %get3A_22 = vector.load %arg4[%get3A_20, %get3A_21] : memref<128x128xf32, #tpu.memory_space<vmem>>, vector<128x128xf32>
      %dot_general3A = arith.constant dense<0.000000e+00> : vector<2000x128xf32>
      %dot_general3A_23 = tpu.matmul %add3A_19, %get3A_22, %dot_general3A {dimension_numbers = #tpu.dot_dimension_numbers<[1], [0], [0], [1], [0, 0, 1, 1], [], []>, transpose_lhs_hint = false} : vector<2000x128xf32>, vector<128x128xf32>, vector<2000x128xf32> -> vector<2000x128xf32>
      %get3A_24 = arith.constant 0 : index
      %get3A_25 = arith.constant 0 : index
      %get3A_26 = vector.load %arg5[%get3A_24, %get3A_25] : memref<1x128xf32, #tpu.memory_space<vmem>>, vector<1x128xf32>
      %add3A_27 = vector.broadcast %get3A_26 : vector<1x128xf32> to vector<2000x128xf32>
      %add3A_28 = arith.addf %dot_general3A_23, %add3A_27 : vector<2000x128xf32>
      %max3A = arith.constant 0.000000e+00 : f32
      %max3A_29 = vector.broadcast %max3A : f32 to vector<2000x128xf32>
      %max3A_30 = arith.maximumf %add3A_28, %max3A_29 : vector<2000x128xf32>
      %get3A_31 = arith.constant 0 : index
      %get3A_32 = arith.constant 0 : index
      %get3A_33 = vector.load %arg6[%get3A_31, %get3A_32] : memref<128x128xf32, #tpu.memory_space<vmem>>, vector<128x128xf32>
      %dot_general3A_34 = arith.constant dense<0.000000e+00> : vector<2000x128xf32>
      %dot_general3A_35 = tpu.matmul %max3A_30, %get3A_33, %dot_general3A_34 {dimension_numbers = #tpu.dot_dimension_numbers<[1], [0], [0], [1], [0, 0, 1, 1], [], []>, transpose_lhs_hint = false} : vector<2000x128xf32>, vector<128x128xf32>, vector<2000x128xf32> -> vector<2000x128xf32>
      %get3A_36 = arith.constant 0 : index
      %get3A_37 = arith.constant 0 : index
      %get3A_38 = vector.load %arg7[%get3A_36, %get3A_37] : memref<1x128xf32, #tpu.memory_space<vmem>>, vector<1x128xf32>
      %add3A_39 = vector.broadcast %get3A_38 : vector<1x128xf32> to vector<2000x128xf32>
      %add3A_40 = arith.addf %dot_general3A_35, %add3A_39 : vector<2000x128xf32>
      %max3A_41 = arith.constant 0.000000e+00 : f32
      %max3A_42 = vector.broadcast %max3A_41 : f32 to vector<2000x128xf32>
      %max3A_43 = arith.maximumf %add3A_40, %max3A_42 : vector<2000x128xf32>
      %mul3A = arith.constant 2000 : i32
      %mul3A_44 = arith.muli %arg1, %mul3A : i32
      %swap3A = arith.index_cast %mul3A_44 : i32 to index
      %swap3A_45 = arith.constant 0 : index
      %swap3A_46 = vector.load %arg13[%swap3A, %swap3A_45] : memref<10000x128xf32, #tpu.memory_space<vmem>>, vector<2000x128xf32>
      tpu.vector_store %arg13[%swap3A, %swap3A_45], %max3A_43 {strides = array<i32>} : memref<10000x128xf32, #tpu.memory_space<vmem>>, vector<2000x128xf32>,
      %eq3A_47 = arith.constant 0 : i32
      %eq3A_48 = arith.cmpi eq, %arg1, %eq3A_47 : i32
      %convert_element_type3A_49 = arith.extui %eq3A_48 : i1 to i32
      %cond3A_50 = arith.constant 0 : i32
      %cond3A_51 = arith.cmpi ne, %convert_element_type3A_49, %cond3A_50 : i32
      scf.if %cond3A_51 {
        %broadcast_in_dim3A_71 = arith.constant 0.000000e+00 : f32
        %broadcast_in_dim3A_72 = vector.broadcast %broadcast_in_dim3A_71 : f32 to vector<8x128xf32>
        %swap3A_73 = arith.constant 0 : index
        %swap3A_74 = arith.constant 0 : index
        %swap3A_75 = vector.load %arg14[%swap3A_73, %swap3A_74] : memref<8x128xf32, #tpu.memory_space<vmem>>, vector<8x128xf32>
        tpu.vector_store %arg14[%swap3A_73, %swap3A_74], %broadcast_in_dim3A_72 {strides = array<i32>} : memref<8x128xf32, #tpu.memory_space<vmem>>, vector<8x128xf32>,
      } else {
      }
      %get3A_52 = arith.constant 0 : index
      %get3A_53 = arith.constant 0 : index
      %get3A_54 = vector.load %arg14[%get3A_52, %get3A_53] : memref<8x128xf32, #tpu.memory_space<vmem>>, vector<1x128xf32>
      %reduce_sum3A = arith.constant dense<0.000000e+00> : vector<128xf32>
      %reduce_sum3A_55 = vector.multi_reduction <add>, %max3A_43, %reduce_sum3A [0] : vector<2000x128xf32> to vector<128xf32>
      %broadcast_in_dim3A = vector.shape_cast %reduce_sum3A_55 : vector<128xf32> to vector<1x128xf32>
      %add3A_56 = arith.addf %get3A_54, %broadcast_in_dim3A : vector<1x128xf32>
      %swap3A_57 = arith.constant 0 : index
      %swap3A_58 = arith.constant 0 : index
      %swap3A_59 = vector.load %arg14[%swap3A_57, %swap3A_58] : memref<8x128xf32, #tpu.memory_space<vmem>>, vector<1x128xf32>
      tpu.vector_store %arg14[%swap3A_57, %swap3A_58], %add3A_56 {strides = array<i32>} : memref<8x128xf32, #tpu.memory_space<vmem>>, vector<1x128xf32>,
      %get3A_60 = arith.constant 1 : index
      %get3A_61 = arith.constant 0 : index
      %get3A_62 = vector.load %arg14[%get3A_60, %get3A_61] : memref<8x128xf32, #tpu.memory_space<vmem>>, vector<1x128xf32>
      %mul3A_63 = arith.mulf %max3A_43, %max3A_43 : vector<2000x128xf32>
      %reduce_sum3A_64 = arith.constant dense<0.000000e+00> : vector<128xf32>
      %reduce_sum3A_65 = vector.multi_reduction <add>, %mul3A_63, %reduce_sum3A_64 [0] : vector<2000x128xf32> to vector<128xf32>
      %broadcast_in_dim3A_66 = vector.shape_cast %reduce_sum3A_65 : vector<128xf32> to vector<1x128xf32>
      %add3A_67 = arith.addf %get3A_62, %broadcast_in_dim3A_66 : vector<1x128xf32>
      %swap3A_68 = arith.constant 1 : index
      %swap3A_69 = arith.constant 0 : index
      %swap3A_70 = vector.load %arg14[%swap3A_68, %swap3A_69] : memref<8x128xf32, #tpu.memory_space<vmem>>, vector<1x128xf32>
      tpu.vector_store %arg14[%swap3A_68, %swap3A_69], %add3A_67 {strides = array<i32>} : memref<8x128xf32, #tpu.memory_space<vmem>>, vector<1x128xf32>,
    } else {
    }
    %eq3A_2 = arith.constant 1 : i32
    %eq3A_3 = arith.cmpi eq, %arg0, %eq3A_2 : i32
    %convert_element_type3A_4 = arith.extui %eq3A_3 : i1 to i32
    %cond3A_5 = arith.constant 0 : i32
    %cond3A_6 = arith.cmpi ne, %convert_element_type3A_4, %cond3A_5 : i32
    scf.if %cond3A_6 {
      %get3A = arith.constant 0 : index
      %get3A_7 = arith.constant 0 : index
      %get3A_8 = vector.load %arg14[%get3A, %get3A_7] : memref<8x128xf32, #tpu.memory_space<vmem>>, vector<8x128xf32>
      %slice3A = vector.extract_strided_slice %get3A_8 {offsets = [0, 0], sizes = [1, 128], strides = [1, 1]} : vector<8x128xf32> to vector<1x128xf32>
      %mul3A = arith.constant 9.99999974E-5 : f32
      %mul3A_9 = vector.broadcast %mul3A : f32 to vector<1x128xf32>
      %mul3A_10 = arith.mulf %slice3A, %mul3A_9 : vector<1x128xf32>
      %slice3A_11 = vector.extract_strided_slice %get3A_8 {offsets = [1, 0], sizes = [1, 128], strides = [1, 1]} : vector<8x128xf32> to vector<1x128xf32>
      %mul3A_12 = arith.constant 9.99999974E-5 : f32
      %mul3A_13 = vector.broadcast %mul3A_12 : f32 to vector<1x128xf32>
      %mul3A_14 = arith.mulf %slice3A_11, %mul3A_13 : vector<1x128xf32>
      %mul3A_15 = arith.mulf %mul3A_10, %mul3A_10 : vector<1x128xf32>
      %sub3A = arith.subf %mul3A_14, %mul3A_15 : vector<1x128xf32>
      %get3A_16 = arith.constant 0 : index
      %get3A_17 = arith.constant 0 : index
      %get3A_18 = vector.load %arg8[%get3A_16, %get3A_17] : memref<1x128xf32, #tpu.memory_space<vmem>>, vector<1x128xf32>
      %add3A = arith.constant 9.99999974E-6 : f32
      %add3A_19 = vector.broadcast %add3A : f32 to vector<1x128xf32>
      %add3A_20 = arith.addf %sub3A, %add3A_19 : vector<1x128xf32>
      %sqrt3A = math.sqrt %add3A_20 : vector<1x128xf32>
      %div3A = arith.divf %get3A_18, %sqrt3A : vector<1x128xf32>
      %get3A_21 = arith.constant 0 : index
      %get3A_22 = arith.constant 0 : index
      %get3A_23 = vector.load %arg9[%get3A_21, %get3A_22] : memref<1x128xf32, #tpu.memory_space<vmem>>, vector<1x128xf32>
      %mul3A_24 = arith.mulf %mul3A_10, %div3A : vector<1x128xf32>
      %sub3A_25 = arith.subf %get3A_23, %mul3A_24 : vector<1x128xf32>
      %mul3A_26 = arith.constant 2000 : i32
      %mul3A_27 = arith.muli %arg1, %mul3A_26 : i32
      %get3A_28 = arith.index_cast %mul3A_27 : i32 to index
      %get3A_29 = arith.constant 0 : index
      %get3A_30 = vector.load %arg13[%get3A_28, %get3A_29] : memref<10000x128xf32, #tpu.memory_space<vmem>>, vector<2000x128xf32>
      %mul3A_31 = vector.broadcast %div3A : vector<1x128xf32> to vector<2000x128xf32>
      %mul3A_32 = arith.mulf %get3A_30, %mul3A_31 : vector<2000x128xf32>
      %add3A_33 = vector.broadcast %sub3A_25 : vector<1x128xf32> to vector<2000x128xf32>
      %add3A_34 = arith.addf %mul3A_32, %add3A_33 : vector<2000x128xf32>
      %swap3A = arith.constant 0 : index
      %swap3A_35 = arith.constant 0 : index
      %swap3A_36 = vector.load %arg11[%swap3A, %swap3A_35] : memref<2000x128xf32, #tpu.memory_space<vmem>>, vector<2000x128xf32>
      tpu.vector_store %arg11[%swap3A, %swap3A_35], %add3A_34 {strides = array<i32>} : memref<2000x128xf32, #tpu.memory_space<vmem>>, vector<2000x128xf32>,
      %get3A_37 = arith.constant 0 : index
      %get3A_38 = arith.constant 0 : index
      %get3A_39 = vector.load %arg10[%get3A_37, %get3A_38] : memref<2000x1xi32, #tpu.memory_space<vmem>>, vector<2000x1xi32>
      %iota3A = tpu.iota {dimensions = array<i32: 1>} : vector<2000x64xi32>
      %eq3A_40 = vector.broadcast %get3A_39 : vector<2000x1xi32> to vector<2000x64xi32>
      %eq3A_41 = arith.cmpi eq, %eq3A_40, %iota3A : vector<2000x64xi32>
      %convert_element_type3A_42 = arith.extui %eq3A_41 : vector<2000x64xi1> to vector<2000x64xi32>
      %convert_element_type3A_43 = arith.sitofp %convert_element_type3A_42 : vector<2000x64xi32> to vector<2000x64xf32>
      %eq3A_44 = arith.constant 0 : i32
      %eq3A_45 = arith.cmpi eq, %arg1, %eq3A_44 : i32
      %convert_element_type3A_46 = arith.extui %eq3A_45 : i1 to i32
      %cond3A_47 = arith.constant 0 : i32
      %cond3A_48 = arith.cmpi ne, %convert_element_type3A_46, %cond3A_47 : i32
      scf.if %cond3A_48 {
        %broadcast_in_dim3A = arith.constant 0.000000e+00 : f32
        %broadcast_in_dim3A_62 = vector.broadcast %broadcast_in_dim3A : f32 to vector<64x128xf32>
        %swap3A_63 = arith.constant 0 : index
        %swap3A_64 = arith.constant 0 : index
        %swap3A_65 = vector.load %arg15[%swap3A_63, %swap3A_64] : memref<64x128xf32, #tpu.memory_space<vmem>>, vector<64x128xf32>
        tpu.vector_store %arg15[%swap3A_63, %swap3A_64], %broadcast_in_dim3A_62 {strides = array<i32>} : memref<64x128xf32, #tpu.memory_space<vmem>>, vector<64x128xf32>,
      } else {
      }
      %get3A_49 = arith.constant 0 : index
      %get3A_50 = arith.constant 0 : index
      %get3A_51 = vector.load %arg15[%get3A_49, %get3A_50] : memref<64x128xf32, #tpu.memory_space<vmem>>, vector<64x128xf32>
      %dot_general3A = arith.constant dense<0.000000e+00> : vector<64x128xf32>
      %dot_general3A_52 = tpu.matmul %convert_element_type3A_43, %add3A_34, %dot_general3A {dimension_numbers = #tpu.dot_dimension_numbers<[0], [0], [1], [1], [0, 1, 1, 1], [], []>, transpose_lhs_hint = false} : vector<2000x64xf32>, vector<2000x128xf32>, vector<64x128xf32> -> vector<64x128xf32>
      %add3A_53 = arith.addf %get3A_51, %dot_general3A_52 : vector<64x128xf32>
      %swap3A_54 = arith.constant 0 : index
      %swap3A_55 = arith.constant 0 : index
      %swap3A_56 = vector.load %arg15[%swap3A_54, %swap3A_55] : memref<64x128xf32, #tpu.memory_space<vmem>>, vector<64x128xf32>
      tpu.vector_store %arg15[%swap3A_54, %swap3A_55], %add3A_53 {strides = array<i32>} : memref<64x128xf32, #tpu.memory_space<vmem>>, vector<64x128xf32>,
      %eq3A_57 = arith.constant 4 : i32
      %eq3A_58 = arith.cmpi eq, %arg1, %eq3A_57 : i32
      %convert_element_type3A_59 = arith.extui %eq3A_58 : i1 to i32
      %cond3A_60 = arith.constant 0 : i32
      %cond3A_61 = arith.cmpi ne, %convert_element_type3A_59, %cond3A_60 : i32
      scf.if %cond3A_61 {
        %get3A_62 = arith.constant 0 : index
        %get3A_63 = arith.constant 0 : index
        %get3A_64 = vector.load %arg15[%get3A_62, %get3A_63] : memref<64x128xf32, #tpu.memory_space<vmem>>, vector<64x128xf32>
        %swap3A_65 = arith.constant 0 : index
        %swap3A_66 = arith.constant 0 : index
        %swap3A_67 = vector.load %arg12[%swap3A_65, %swap3A_66] : memref<64x128xf32, #tpu.memory_space<vmem>>, vector<64x128xf32>
        tpu.vector_store %arg12[%swap3A_65, %swap3A_66], %get3A_64 {strides = array<i32>} : memref<64x128xf32, #tpu.memory_space<vmem>>, vector<64x128xf32>,
      } else {
      }
    } else {
    }
    return
  }
  func.func @transform_0(%arg0: i32, %arg1: i32) -> (i32, i32) {
    %sub3A = arith.constant 1 : i32
    %sub3A_0 = arith.subi %sub3A, %arg0 : i32
    %mul3A = arith.muli %arg1, %sub3A_0 : i32
    %c0_i32 = arith.constant 0 : i32
    %c0_i32_1 = arith.constant 0 : i32
    return %mul3A, %c0_i32 : i32, i32
  }
  func.func @transform_1(%arg0: i32, %arg1: i32) -> (i32, i32, i32) {
    %sub3A = arith.constant 1 : i32
    %sub3A_0 = arith.subi %sub3A, %arg0 : i32
    %mul3A = arith.muli %arg1, %sub3A_0 : i32
    %c0_i32 = arith.constant 0 : i32
    %c0_i32_1 = arith.constant 0 : i32
    %c0_i32_2 = arith.constant 0 : i32
    return %c0_i32, %mul3A, %c0_i32_1 : i32, i32, i32
  }
  func.func @transform_2(%arg0: i32, %arg1: i32) -> (i32, i32) {
    %c0_i32 = arith.constant 0 : i32
    %c0_i32_0 = arith.constant 0 : i32
    %c0_i32_1 = arith.constant 0 : i32
    return %c0_i32, %c0_i32_0 : i32, i32
  }
  func.func @transform_3(%arg0: i32, %arg1: i32) -> (i32, i32) {
    %c0_i32 = arith.constant 0 : i32
    %c0_i32_0 = arith.constant 0 : i32
    %c0_i32_1 = arith.constant 0 : i32
    return %c0_i32, %c0_i32_0 : i32, i32
  }
  func.func @transform_4(%arg0: i32, %arg1: i32) -> (i32, i32) {
    %c0_i32 = arith.constant 0 : i32
    %c0_i32_0 = arith.constant 0 : i32
    %c0_i32_1 = arith.constant 0 : i32
    return %c0_i32, %c0_i32_0 : i32, i32
  }
  func.func @transform_5(%arg0: i32, %arg1: i32) -> (i32, i32) {
    %c0_i32 = arith.constant 0 : i32
    %c0_i32_0 = arith.constant 0 : i32
    %c0_i32_1 = arith.constant 0 : i32
    return %c0_i32, %c0_i32_0 : i32, i32
  }
  func.func @transform_6(%arg0: i32, %arg1: i32) -> (i32, i32) {
    %c0_i32 = arith.constant 0 : i32
    %c0_i32_0 = arith.constant 0 : i32
    %c0_i32_1 = arith.constant 0 : i32
    return %c0_i32, %c0_i32_0 : i32, i32
  }
  func.func @transform_7(%arg0: i32, %arg1: i32) -> (i32, i32) {
    %c0_i32 = arith.constant 0 : i32
    %c0_i32_0 = arith.constant 0 : i32
    %c0_i32_1 = arith.constant 0 : i32
    return %c0_i32, %c0_i32_0 : i32, i32
  }
  func.func @transform_8(%arg0: i32, %arg1: i32) -> (i32, i32) {
    %mul3A = arith.muli %arg1, %arg0 : i32
    %c0_i32 = arith.constant 0 : i32
    %c0_i32_0 = arith.constant 0 : i32
    return %mul3A, %c0_i32 : i32, i32
  }
  func.func @transform_9(%arg0: i32, %arg1: i32) -> (i32, i32) {
    %mul3A = arith.muli %arg1, %arg0 : i32
    %c0_i32 = arith.constant 0 : i32
    %c0_i32_0 = arith.constant 0 : i32
    return %mul3A, %c0_i32 : i32, i32
  }
  func.func @transform_10(%arg0: i32, %arg1: i32) -> (i32, i32) {
    %c0_i32 = arith.constant 0 : i32
    %c0_i32_0 = arith.constant 0 : i32
    %c0_i32_1 = arith.constant 0 : i32
    return %c0_i32, %c0_i32_0 : i32, i32
  }
}

</mosaic_0001>

<sc_bundles>
// kernel: sc_aggregate_c0.11.cloned.1.call-start
scs
__scs_entry_jumppad:
0x0: {  	(pc) =	sbr.rel $0x88, $3  }
0x1: {  	(tag) =	ssettag $0x0;
	lr =	simm.s32 $0x1  }
0x2: {  	[smem:$0x3F8C] =	sst lr;
	_ =	strace $0xD0000000  }
0x3: {  	_ = 	snop  }
0x4: {  	_ = 	snop  }
0x5: {  	_ = 	snop  }
0x6: {  	_ = 	snop  }
0x7: {  	_ = 	snop  }
__scs_overlays_trampoline_lowered:
0x8: {  	[smem:$0x3F9B] =	sst s0  }
0x9: {  	[smem:$0x3F9C] =	sst s1  }
0xa: {  	[smem:$0x3F9D] =	sst s2  }
0xb: {  	[smem:$0x3F9E] =	sst s3  }
0xc: {  	[smem:$0x3F9F] =	sst s4  }
0xd: {  	[smem:$0x3FA0] =	sst s5  }
0xe: {  	[smem:$0x3FA1] =	sst s6  }
0xf: {  	[smem:$0x3FA2] =	sst s7  }
0x10: {  	[smem:$0x3FA3] =	sst s8  }
0x11: {  	[smem:$0x3FA4] =	sst s9;
	s0 =	simm.s32 @!p0 $0x0  }
0x12: {  	s1 =	sld [smem:$0x3F8A];
	s0 =	simm.s32 @p0 $0x1  }
0x13: {  	[smem:$0x3FA5] =	sst s0;
	s0 =	simm.s32 @!p1 $0x0  }
0x14: {  	s2 =	sld [smem:$0x3F89];
	s0 =	simm.s32 @p1 $0x1  }
0x15: {  	[smem:$0x3FA6] =	sst s0;
	s0 =	simm.s32 @!p2 $0x0  }
0x16: {  	s3 =	sld [smem:$0x3FDB];
	s0 =	simm.s32 @p2 $0x1  }
0x17: {  	s4 =	simm.s32 $0x1BF5;
	[smem:$0x3FA8] =	sst s0  }
0x18: {  	s0 =	sld [smem:$0x3F8B];
	_ =	swait.ge [sflag:s4], $0x0  }
0x19: {  	s7 =	sld [smem:$0x3F8C]  }
0x1a: {  	s8 =	sadd.s32 $0xFFFFE003, lr  }
0x1b: {  	s9 =	sadd.s32 $0xFFFFFEF7, lr;
	s5 =	simm.s32 $0xFFFFFFFF;
	p2 =	slt.u32 s8, $0xFFFFF086  }
0x1c: {  	p1 =	slt.u32 s9, $0xF7A;
	s5 =	simm.s32 @!p2 $0x0  }
0x1d: {  	s5 =	simm.s32 @p1 $0x1;
	p0 =	seq.s32 s7, s2  }
0x1e: {  	s7 =	smul.u32 @!p0 $0xF7A, s2;
	p2 =	seq.s32 @!p0 s5, $0x0  }
0x1f: {  	s9 =	smul.u32 $0xF7A, s1;
	s8 =	simm.s32 @!p0 $0x1BF5;
	p2 =	por !p2, p0  }
0x20: {  	[sflag:s8] =	ssyncset.s32 @!p0 $0xFFFFF086;
	s6 =	sadd.s32 @!p0 s3, s7;
	s7 =	simm.s32 @!p0 $0x108  }
0x21: {  	s3 =	sadd.s32 s3, s9;
	s6 =	sadd.s32 @!p0 $0x88, s6;
	s7 =	simm.s32 @p2 $0x1082  }
0x22: {  	[simem:s7], [sflag:s8] =	dma.local @!p0 [hbm:s6], $0xF7A  }
0x23: {  	s9 =	sor.u32 $0xD0000000, s2;
	s6 =	simm.s32 $0x108;
	_ =	swait.ge @!p0 [sflag:s8], $0x0  }
0x24: {  	s3 =	sadd.s32 $0x88, s3;
	s6 =	simm.s32 @!p1 $0x1082;
	[sflag:s4] =	ssyncset.s32 $0xFFFFF086  }
0x25: {  	[simem:s6], [sflag:s4] =	dma.local [hbm:s3], $0xF7A  }
0x26: {  	[smem:$0x3F8C] =	sst s1;
	(tag) =	ssettag s2;
	_ =	strace s9  }
0x27: {  	s1 =	sld [smem:$0x3F9C]  }
0x28: {  	s2 =	sld [smem:$0x3F9D]  }
0x29: {  	s4 =	sld [smem:$0x3F9F]  }
0x2a: {  	p0 =	seq.s32 s5, $0x0;
	s5 =	sld [smem:$0x3FA0]  }
0x2b: {  	s6 =	sld [smem:$0x3FA1]  }
0x2c: {  	s7 =	sld [smem:$0x3FA2]  }
0x2d: {  	s3 =	simm.s32 $0x108;
	s8 =	sld [smem:$0x3FA3]  }
0x2e: {  	s3 =	simm.s32 @!p0 $0x1082;
	s9 =	sld [smem:$0x3FA4]  }
0x2f: {  	lr =	sadd.s32 s0, s3;
	s0 =	sld [smem:$0x3F9B]  }
0x30: {  	s3 =	sld [smem:$0x3F9E]  }
0x31: {  	[smem:$0x3FA7] =	sst s10  }
0x32: {  	s10 =	sld [smem:$0x3FA5];
	_ =	sdelay $0x3  }
0x33: {  	p0 =	seq.s32 s10, $0x1;
	s10 =	sld [smem:$0x3FA7];
	_ =	sdelay $0x3  }
0x34: {  	[smem:$0x3FA7] =	sst s10  }
0x35: {  	s10 =	sld [smem:$0x3FA6];
	_ =	sdelay $0x3  }
0x36: {  	p1 =	seq.s32 s10, $0x1;
	s10 =	sld [smem:$0x3FA7];
	_ =	sdelay $0x3  }
0x37: {  	[smem:$0x3FA7] =	sst s10  }
0x38: {  	s10 =	sld [smem:$0x3FA8]  }
0x39: {  	_ = 	snop;
	(pc) =	sbr.ind lr, $3  }
0x3a: {  	_ = 	snop  }
0x3b: {  	_ = 	snop  }
0x3c: {  	p2 =	seq.s32 s10, $0x1;
	s10 =	sld [smem:$0x3FA7]  }
0x3d: {  	_ =	shalt  }
0x3e: {  	_ =	shalt  }
0x3f: {  	_ =	shalt  }
0x40: {  	_ =	shalt  }
0x41: {  	_ =	shalt  }
0x42: {  	_ =	shalt  }
0x43: {  	_ =	shalt  }
0x44: {  	_ =	shalt  }
0x45: {  	_ =	shalt  }
0x46: {  	_ =	shalt  }
0x47: {  	_ =	shalt  }
0x48: {  	_ =	shalt  }
0x49: {  	_ =	shalt  }
0x4a: {  	_ =	shalt  }
0x4b: {  	_ =	shalt  }
0x4c: {  	_ =	shalt  }
0x4d: {  	_ =	shalt  }
0x4e: {  	_ =	shalt  }
0x4f: {  	_ =	shalt  }
0x50: {  	_ =	shalt  }
0x51: {  	_ =	shalt  }
0x52: {  	_ =	shalt  }
0x53: {  	_ =	shalt  }
0x54: {  	_ =	shalt  }
0x55: {  	_ =	shalt  }
0x56: {  	_ =	shalt  }
0x57: {  	_ =	shalt  }
0x58: {  	_ =	shalt  }
0x59: {  	_ =	shalt  }
0x5a: {  	_ =	shalt  }
0x5b: {  	_ =	shalt  }
0x5c: {  	_ =	shalt  }
0x5d: {  	_ =	shalt  }
0x5e: {  	_ =	shalt  }
0x5f: {  	_ =	shalt  }
0x60: {  	_ =	shalt  }
0x61: {  	_ =	shalt  }
0x62: {  	_ =	shalt  }
0x63: {  	_ =	shalt  }
0x64: {  	_ =	shalt  }
0x65: {  	_ =	shalt  }
0x66: {  	_ =	shalt  }
0x67: {  	_ =	shalt  }
0x68: {  	_ =	shalt  }
0x69: {  	_ =	shalt  }
0x6a: {  	_ =	shalt  }
0x6b: {  	_ =	shalt  }
0x6c: {  	_ =	shalt  }
0x6d: {  	_ =	shalt  }
0x6e: {  	_ =	shalt  }
0x6f: {  	_ =	shalt  }
0x70: {  	_ =	shalt  }
0x71: {  	_ =	shalt  }
0x72: {  	_ =	shalt  }
0x73: {  	_ =	shalt  }
0x74: {  	_ =	shalt  }
0x75: {  	_ =	shalt  }
0x76: {  	_ =	shalt  }
0x77: {  	_ =	shalt  }
0x78: {  	_ =	shalt  }
0x79: {  	_ =	shalt  }
0x7a: {  	_ =	shalt  }
0x7b: {  	_ =	shalt  }
0x7c: {  	_ =	shalt  }
0x7d: {  	_ =	shalt  }
0x7e: {  	_ =	shalt  }
0x7f: {  	_ =	shalt  }
0x80: {  	_ =	shalt  }
0x81: {  	_ =	shalt  }
0x82: {  	_ =	shalt  }
0x83: {  	_ =	shalt  }
0x84: {  	_ =	shalt  }
0x85: {  	_ =	shalt  }
0x86: {  	_ =	shalt  }
0x87: {  	_ =	shalt  }
.Lfunc_end0:
.L_simem_size_0:
called_computation.2_lowered:
.L_overlay_start_0:
0x88: {  	s2 =	sld [smem:$0x3FD9]  }
0x89: {  	s3 =	sld [smem:$0x3FFE];
	_ =	sdelay $0x1  }
0x8a: {  	s1 =	srdreg.scid  }
0x8b: {  	s0 =	sand.u32 $0x1, s1  }
0x8c: {  	s14 =	sshll.u32 s0, $0xA;
	s2 =	sadd.s32 s3, s2  }
0x8d: {  	s2 =	sadd.s32 s2, s14  }
0x8e: {  	[smem:$0x3FB3] =	sst s2  }
0x8f: {  	_ = 	snop  }
0x90: {  	s2 =	sld [smem:$0x3FD0];
	_ =	sdelay $0x2  }
0x91: {  	s15 =	simm.s32 $0xA;
	s4 =	simm.s32 $0x10  }
0x92: {  	[smem:s4], [sflag:s15] =	dma.local [hbm:s2], $0x1  }
0x93: {  	_ =	swait.eq [sflag:s15], $0x1  }
0x94: {  	[sflag:s15] =	ssyncset.done $0x0  }
0x95: {  	[sflag:s15] =	ssyncadd.s32 $0xFFFFFFFF  }
0x96: {  	s16 =	sld [smem:$0x10];
	(tm) =	ssettm $0x1  }
0x97: {  	s17 =	sld [smem:$0x3FFB];
	_ =	sdelay $0x3  }
0x98: {  	_ =	strace s17  }
0x99: {  	s3 =	sld [smem:$0x3FFC];
	_ =	sdelay $0x3  }
0x9a: {  	_ =	strace s3  }
0x9b: {  	s3 =	sld [smem:$0x3FFD];
	_ =	sdelay $0x3  }
0x9c: {  	_ =	strace s3  }
0x9d: {  	_ =	strace $0x8FFFFFFF  }
0x9e: {  	s18 =	sld [smem:$0x3FDB];
	_ =	sdelay $0x1  }
0x9f: {  	s19 =	simm.s32 $_scs_section_size  }
0xa0: {  	s5 =	simm.s32 $_size__tile_overlayer_lowered;
	s6 =	simm.s32 $_tile_overlayer_lowered  }
0xa1: {  	s22 =	simm.s32 $0x1BFF;
	s21 =	sshll.u32 s6, $0x1;
	s3 =	sadd.s32 s19, s18  }
0xa2: {  	s7 =	simm.s32 $0x0;
	s20 =	sshll.u32 s5, $0x1;
	s5 =	sadd.s32 s21, s3  }
0xa3: {  	[timem:s7], [sflag:s22] =	dma.local [hbm:s5], s20  }
0xa4: {  	_ =	swait.ge [sflag:s22], s20  }
0xa5: {  	s4 =	ssub.s32 $0x0, s20;
	[sflag:s22] =	ssyncset.done $0x0  }
0xa6: {  	[sflag:s22] =	ssyncadd.s32 s4;
	_ =	sdelay $0x1  }
0xa7: {  	s23 =	simm.s32 $0x1B8B  }
0xa8: {  	_ =	swait.ge [sflag:s23], $0x1  }
0xa9: {  	[sflag:s23] =	ssyncset.done $0x0  }
0xaa: {  	s25 =	simm.s32 $0x1B8E;
	s24 =	sld [smem:$0x3FFE];
	[sflag:s23] =	ssyncadd.s32 $0xFFFFFFFF  }
0xab: {  	s26 =	simm.s32 $execute0_lowered;
	[smem:$0x3FD2] =	sst s25  }
0xac: {  	s5 =	sshll.u32 s26, $0x1;
	_ =	strace $0x8000004C;
	[dreg:$0x1] =	wrdreg $0xFFFFFFFF  }
0xad: {  	s28 =	simm.s32 $_size_execute0_lowered;
	s3 =	sadd.s32 s3, s5;
	[dreg:$0x0] =	wrdreg $0x0  }
0xae: {  	s5 =	sshll.u32 s28, $0x1;
	[dreg:$0x2] =	wrdreg s3  }
0xaf: {  	[dreg:$0x3] =	wrdreg s5  }
0xb0: {  	[dreg:$0x4] =	wrdreg $0xC0  }
0xb1: {  	_ =	task [dreg:s7], $0x5FFFF  }
0xb2: {  	[dreg:$0x1] =	wrdreg $0xFFFFFFFF  }
0xb3: {  	[dreg:$0x0] =	wrdreg $0x60  }
0xb4: {  	[dreg:$0x2] =	wrdreg s24  }
0xb5: {  	[dreg:$0x3] =	wrdreg s16  }
0xb6: {  	[dreg:$0x4] =	wrdreg $0xA8000  }
0xb7: {  	[dreg:$0x5] =	wrdreg $0x9  }
0xb8: {  	_ =	task.clear_ibuf [dreg:s7], $0x6FFFF;
	_ =	strace $0x9000004C  }
0xb9: {  	s29 =	simm.s32 $0x9;
	_ =	strace $0x8000004E  }
0xba: {  	_ =	swait.ge [sflag:s29], $0x1  }
0xbb: {  	[sflag:s29] =	ssyncadd.s32 $0xFFFFFFFF  }
0xbc: {  	_ =	strace $0x9000004E  }
0xbd: {  	_ =	sfence  }
0xbe: {  	s30 =	sld [smem:$0x0];
	_ =	sdelay $0x2  }
0xbf: {  	s31 =	sshll.u32 s1, $0xD;
	s1 =	sshrl.u32 s1, $0x2  }
0xc0: {  	s3 =	sand.u32 $0x4000, s31;
	s1 =	sadd.s32 s1, s30  }
0xc1: {  	s0 =	sor.u32 s3, s0;
	s1 =	sshll.u32 s1, $0x11  }
0xc2: {  	s0 =	sor.u32 s1, s0  }
0xc3: {  	s0 =	sadd.s32 $0x8F2B, s0  }
0xc4: {  	[sflag:s0] =	ssyncadd.remote.s32 $0x1  }
0xc5: {  	_ =	sfence.sel $0xFFFF  }
0xc6: {  	[dreg:$0x0] =	wrdreg $0xFFFFFFFF;
	(pc) =	sbr.abs _section_cstart, $3  }
0xc7: {  	[dreg:$0x1] =	wrdreg $0xFFFFFFFF  }
0xc8: {  	_ =	task.clear_ibuf [dreg:s7], $0x2FFFF;
	_ =	strace $0x9FFFFFFF  }
0xc9: {  	(tm) =	ssettm $0x7FFFFFFF  }
tec
execute0_lowered:
.L_overlay_start_1:
0x0: {  	(tag) =	ssettag $0x1  }
0x1: {  	s0 =	rddreg [dreg:$0x0]  }
0x2: {  	s1 =	rddreg [dreg:$0x1]  }
0x3: {  	s2 =	rddreg [dreg:$0x2];
	s3 =	simm.s32 $0x0  }
0x4: {  	s15 =	stileid.u32;
	s6 =	srdreg.scid;
	s16 =	simm.s32 $0x1400  }
0x5: {  	s17 =	simm.s32 $0x80;
	s28 =	simm.s32 $0x4;
	s29 =	simm.s32 $0x1380  }
0x6: {  	s30 =	simm.s32 $0x2700;
	s31 =	simm.s32 $0x2780;
	[smem:$0x7FF] =	sst s3  }
0x7: {  	s5 =	smul.u32 $0x2780, s15;
	s4 =	sadd.s32 $0x3FC00, s0;
	s10 =	sadd.s32 $0x4400, s0  }
0x8: {  	s11 =	sadd.s32 $0xE400, s0;
	s18 =	sand.u32 $0x1, s6;
	s7 =	smul.u32 $0x4F000, s15  }
0x9: {  	s12 =	smul.u32 $0x278, s15;
	_ =	strace $0x8000004D;
	s6 =	ssub.s32 $0x2, s18  }
0xa: {  	s8 =	sshll.u32 s18, $0x4;
	s0 =	sadd.s32 s5, s0;
	s9 =	sshrl.u32 s6, $0x1  }
0xb: {  	s8 =	sor.u32 s15, s8;
	s19 =	sshrl.u32 s7, $0x2;
	s5 =	smul.u32 $0x138800, s18  }
0xc: {  	s22 =	smin.u32 s12, $0x2498;
	s18 =	simm.s32 $0x2800;
	s13 =	ssub.s32 s6, s9  }
0xd: {  	s20 =	smul.u32 $0x2800, s8;
	s14 =	sadd.s32 s19, s2;
	s0 =	sadd.s32 $0x18400, s0  }
0xe: {  	s6 =	sshll.u32 s15, $0x6;
	s24 =	sshll.u32 s22, $0x7;
	s15 =	simm.s32 $0x6  }
0xf: {  	s19 =	simm.s32 $0x5;
	s22 =	simm.s32 $0x3;
	[dreg:$0x4] =	wrdreg s0  }
0x10: {  	s23 =	sor.u32 $0x1C05, s6;
	s5 =	sadd.s32 s5, s24;
	s26 =	sadd.s32 s24, s2  }
0x11: {  	s13 =	smax.u32 s13, $0x1;
	s14 =	sshrl.u32 s14, $0x3;
	s24 =	simm.s32 $0x2  }
0x12: {  	s21 =	sshrl.u32 s20, $0x3;
	[dreg:$0x5] =	wrdreg s23;
	s25 =	sshrl.u32 s5, $0x3  }
0x13: {  	s20 =	simm.s32 $0x6800;
	s23 =	simm.s32 $0x100;
	s8 =	sadd.s32 s10, s21  }
0x14: {  	s9 =	sadd.s32 s11, s21;
	s0 =	sadd.s32 $0x280, s21;
	s12 =	sadd.s32 s1, s25  }
0x15: {  	s21 =	simm.s32 $0x1;
	s25 =	sshrl.u32 s26, $0x3;
	s26 =	simm.s32 $0x1480  }
0x16: {  	s10 =	sadd.s32 s10, s0;
	s11 =	sadd.s32 s11, s0;
	s0 =	simm.s32 $0x0  }
.LBB2_1:
0x17: {  	s1 =	rddreg [dreg:$0x4]  }
0x18: {  	s5 =	rddreg [dreg:$0x5]  }
0x19: {  	[spmem:s14], [sflag:s5] =	dma.local [hbm:s1], $0x2780  }
0x1a: {  	[tilespmem:s3], [sflag:$0x6] =	stream.linear.gather [hbm4b:s8+s3], $0x1400, $0x38;
	[tilespmem:$0x1E400] =	vst v63  }
0x1b: {  	_ =	swait.ge [sflag:s15], $0x1400  }
0x1c: {  	[sflag:s15] =	ssyncset.done $0x0  }
0x1d: {  	[sflag:s15] =	ssyncadd.s32 $0xFFFFEC00  }
0x1e: {  	[tilespmem:s16], [sflag:$0x6] =	stream.linear.gather [hbm4b:s9+s3], $0x1400, $0x38;
	[tilespmem:$0x1E400] =	vst v63  }
0x1f: {  	_ =	swait.ge [sflag:s15], $0x1400  }
0x20: {  	[sflag:s15] =	ssyncset.done $0x0  }
0x21: {  	[sflag:s15] =	ssyncadd.s32 $0xFFFFEC00  }
0x22: {  	[tilespmem:s18], [sflag:$0x1] =	stream.indirect.gather [hbm4b:s4+s17], $0x80, s3, s17, $0xb8;
	[tilespmem:$0x1E400] =	vst v63  }
0x23: {  	_ =	swait.ge [sflag:s19], $0x2780  }
0x24: {  	[sflag:s19] =	ssyncset.done $0x0  }
0x25: {  	[sflag:s19] =	ssyncadd.s32 $0xFFFFD880  }
0x26: {  	[bflag:$0x0] =	sbarrier.arrive $0xFFFF  }
0x27: {  	[tilespmem:s20], [sflag:$0x2] =	stream.indirect.gather [hbm4b:s4+s17], $0x80, s17, s17, $0xb8;
	[tilespmem:$0x1E400] =	vst v63  }
0x28: {  	_ =	swait.ge [sflag:s21], $0x4000  }
0x29: {  	[sflag:s21] =	ssyncset.done $0x0  }
0x2a: {  	[sflag:s21] =	ssyncadd.s32 $0xFFFFC000  }
0x2b: {  	[spmem:s2] =	stream.indirect.scatter.add.f32 [tilespmem:s18], [sflag:$0x3], $0x80, s16, s17, $0xb8;
	[tilespmem:$0x1E400] =	vst v63  }
0x2c: {  	_ =	swait.ge [sflag:s22], $0x4000  }
0x2d: {  	[sflag:s22] =	ssyncset.done $0x0  }
0x2e: {  	[sflag:s22] =	ssyncadd.s32 $0xFFFFC000  }
0x2f: {  	[tilespmem:s18], [sflag:$0x1] =	stream.indirect.gather [hbm4b:s4+s17], $0x80, s23, s17, $0xb8;
	[tilespmem:$0x1E400] =	vst v63  }
0x30: {  	_ =	swait.ge [sflag:s24], $0x4000  }
0x31: {  	[sflag:s24] =	ssyncset.done $0x0  }
0x32: {  	[sflag:s24] =	ssyncadd.s32 $0xFFFFC000  }
0x33: {  	[spmem:s2] =	stream.indirect.scatter.add.f32 [tilespmem:s20], [sflag:$0x4], $0x80, s26, s17, $0xb8;
	[tilespmem:$0x1E400] =	vst v63  }
0x34: {  	_ =	swait.ge [sflag:s28], $0x4000  }
0x35: {  	[sflag:s28] =	ssyncset.done $0x0  }
0x36: {  	s7 =	simm.s32 $0x180;
	[sflag:s28] =	ssyncadd.s32 $0xFFFFC000  }
0x37: {  	[tilespmem:s20], [sflag:$0x2] =	stream.indirect.gather [hbm4b:s4+s17], $0x80, s7, s17, $0xb8;
	[tilespmem:$0x1E400] =	vst v63  }
0x38: {  	_ =	swait.ge [sflag:s21], $0x4000  }
0x39: {  	[sflag:s21] =	ssyncset.done $0x0  }
0x3a: {  	s5 =	simm.s32 $0x1500;
	[sflag:s21] =	ssyncadd.s32 $0xFFFFC000  }
0x3b: {  	[spmem:s2] =	stream.indirect.scatter.add.f32 [tilespmem:s18], [sflag:$0x3], $0x80, s5, s17, $0xb8;
	[tilespmem:$0x1E400] =	vst v63  }
0x3c: {  	_ =	swait.ge [sflag:s22], $0x4000  }
0x3d: {  	[sflag:s22] =	ssyncset.done $0x0  }
0x3e: {  	s7 =	simm.s32 $0x200;
	[sflag:s22] =	ssyncadd.s32 $0xFFFFC000  }
0x3f: {  	[tilespmem:s18], [sflag:$0x1] =	stream.indirect.gather [hbm4b:s4+s17], $0x80, s7, s17, $0xb8;
	[tilespmem:$0x1E400] =	vst v63  }
0x40: {  	_ =	swait.ge [sflag:s24], $0x4000  }
0x41: {  	[sflag:s24] =	ssyncset.done $0x0  }
0x42: {  	s1 =	simm.s32 $0xFFFFBC00;
	s5 =	simm.s32 $0x1580;
	[sflag:s24] =	ssyncadd.s32 $0xFFFFC000  }
.LBB2_2:
0x43: {  	[spmem:s2] =	stream.indirect.scatter.add.f32 [tilespmem:s20], [sflag:$0x4], $0x80, s5, s17, $0xb8;
	[tilespmem:$0x1E400] =	vst v63  }
0x44: {  	s5 =	smov.u32 s1  }
0x45: {  	p0 =	sne.s32 s1, $0xFFFFFC00;
	s1 =	sadd.s32 $0x400, s1;
	_ =	swait.ge [sflag:s28], $0x4000  }
0x46: {  	s5 =	sshra.s32 s5, $0x2;
	[sflag:s28] =	ssyncset.done $0x0  }
0x47: {  	s7 =	sadd.s32 $0x1380, s5;
	[sflag:s28] =	ssyncadd.s32 $0xFFFFC000  }
0x48: {  	[tilespmem:s20], [sflag:$0x2] =	stream.indirect.gather [hbm4b:s4+s17], $0x80, s7, s17, $0xb8;
	[tilespmem:$0x1E400] =	vst v63  }
0x49: {  	_ =	swait.ge [sflag:s21], $0x4000  }
0x4a: {  	[sflag:s21] =	ssyncset.done $0x0  }
0x4b: {  	s7 =	sadd.s32 $0x2700, s5;
	[sflag:s21] =	ssyncadd.s32 $0xFFFFC000  }
0x4c: {  	[spmem:s2] =	stream.indirect.scatter.add.f32 [tilespmem:s18], [sflag:$0x3], $0x80, s7, s17, $0xb8;
	[tilespmem:$0x1E400] =	vst v63  }
0x4d: {  	_ =	swait.ge [sflag:s22], $0x4000  }
0x4e: {  	[sflag:s22] =	ssyncset.done $0x0  }
.Ltmp0:
0x4f: {  	s7 =	sadd.s32 $0x1400, s5;
	[sflag:s22] =	ssyncadd.s32 $0xFFFFC000;
	(pc) =	sbr.rel @p0 .LBB2_2-.Ltmp0, $4  }
0x50: {  	[tilespmem:s18], [sflag:$0x1] =	stream.indirect.gather [hbm4b:s4+s17], $0x80, s7, s17, $0xb8;
	[tilespmem:$0x1E400] =	vst v63  }
0x51: {  	_ =	swait.ge [sflag:s24], $0x4000  }
0x52: {  	[sflag:s24] =	ssyncset.done $0x0  }
0x53: {  	s5 =	sadd.s32 $0x2780, s5;
	[sflag:s24] =	ssyncadd.s32 $0xFFFFC000  }
0x54: {  	[spmem:s2] =	stream.indirect.scatter.add.f32 [tilespmem:s20], [sflag:$0x4], $0x80, s5, s17, $0xb8;
	[tilespmem:$0x1E400] =	vst v63  }
0x55: {  	_ =	swait.ge [sflag:s28], $0x4000  }
0x56: {  	[sflag:s28] =	ssyncset.done $0x0  }
0x57: {  	[sflag:s28] =	ssyncadd.s32 $0xFFFFC000  }
0x58: {  	[tilespmem:s20], [sflag:$0x2] =	stream.indirect.gather [hbm4b:s4+s17], $0x80, s29, s17, $0xb8;
	[tilespmem:$0x1E400] =	vst v63  }
0x59: {  	_ =	swait.ge [sflag:s21], $0x4000  }
0x5a: {  	[sflag:s21] =	ssyncset.done $0x0  }
0x5b: {  	[sflag:s21] =	ssyncadd.s32 $0xFFFFC000  }
0x5c: {  	[spmem:s2] =	stream.indirect.scatter.add.f32 [tilespmem:s18], [sflag:$0x3], $0x80, s30, s17, $0xb8;
	[tilespmem:$0x1E400] =	vst v63  }
0x5d: {  	_ =	swait.ge [sflag:s22], $0x4000  }
0x5e: {  	[sflag:s22] =	ssyncset.done $0x0  }
0x5f: {  	[sflag:s22] =	ssyncadd.s32 $0xFFFFC000  }
0x60: {  	_ =	swait.ge [sflag:s24], $0x4000  }
0x61: {  	[sflag:s24] =	ssyncset.done $0x0  }
0x62: {  	[sflag:s24] =	ssyncadd.s32 $0xFFFFC000  }
0x63: {  	[spmem:s2] =	stream.indirect.scatter.add.f32 [tilespmem:s20], [sflag:$0x4], $0x80, s31, s17, $0xb8;
	[tilespmem:$0x1E400] =	vst v63  }
0x64: {  	_ =	swait.ge [sflag:s28], $0x4000  }
0x65: {  	[sflag:s28] =	ssyncset.done $0x0  }
0x66: {  	[sflag:s28] =	ssyncadd.s32 $0xFFFFC000  }
0x67: {  	[tilespmem:s3], [sflag:$0x6] =	stream.linear.gather [hbm4b:s10+s3], $0x1400, $0x38;
	[tilespmem:$0x1E400] =	vst v63  }
0x68: {  	_ =	swait.ge [sflag:s15], $0x1400  }
0x69: {  	[sflag:s15] =	ssyncset.done $0x0  }
0x6a: {  	[sflag:s15] =	ssyncadd.s32 $0xFFFFEC00  }
0x6b: {  	[tilespmem:s16], [sflag:$0x6] =	stream.linear.gather [hbm4b:s11+s3], $0x1400, $0x38;
	[tilespmem:$0x1E400] =	vst v63  }
0x6c: {  	_ =	swait.ge [sflag:s15], $0x1400  }
0x6d: {  	[sflag:s15] =	ssyncset.done $0x0  }
0x6e: {  	[sflag:s15] =	ssyncadd.s32 $0xFFFFEC00  }
0x6f: {  	[tilespmem:s18], [sflag:$0x1] =	stream.indirect.gather [hbm4b:s4+s17], $0x80, s3, s17, $0xb8;
	[tilespmem:$0x1E400] =	vst v63  }
0x70: {  	_ = 	snop  }
0x71: {  	[tilespmem:s20], [sflag:$0x2] =	stream.indirect.gather [hbm4b:s4+s17], $0x80, s17, s17, $0xb8;
	[tilespmem:$0x1E400] =	vst v63  }
0x72: {  	_ =	swait.ge [sflag:s21], $0x4000  }
0x73: {  	[sflag:s21] =	ssyncset.done $0x0  }
0x74: {  	[sflag:s21] =	ssyncadd.s32 $0xFFFFC000  }
0x75: {  	[spmem:s2] =	stream.indirect.scatter.add.f32 [tilespmem:s18], [sflag:$0x3], $0x80, s16, s17, $0xb8;
	[tilespmem:$0x1E400] =	vst v63  }
0x76: {  	_ =	swait.ge [sflag:s22], $0x4000  }
0x77: {  	[sflag:s22] =	ssyncset.done $0x0  }
0x78: {  	[sflag:s22] =	ssyncadd.s32 $0xFFFFC000  }
0x79: {  	[tilespmem:s18], [sflag:$0x1] =	stream.indirect.gather [hbm4b:s4+s17], $0x80, s23, s17, $0xb8;
	[tilespmem:$0x1E400] =	vst v63  }
0x7a: {  	_ =	swait.ge [sflag:s24], $0x4000  }
0x7b: {  	[sflag:s24] =	ssyncset.done $0x0  }
0x7c: {  	[sflag:s24] =	ssyncadd.s32 $0xFFFFC000  }
0x7d: {  	[spmem:s2] =	stream.indirect.scatter.add.f32 [tilespmem:s20], [sflag:$0x4], $0x80, s26, s17, $0xb8;
	[tilespmem:$0x1E400] =	vst v63  }
0x7e: {  	_ =	swait.ge [sflag:s28], $0x4000  }
0x7f: {  	[sflag:s28] =	ssyncset.done $0x0  }
0x80: {  	s1 =	simm.s32 $0x180;
	[sflag:s28] =	ssyncadd.s32 $0xFFFFC000  }
0x81: {  	[tilespmem:s20], [sflag:$0x2] =	stream.indirect.gather [hbm4b:s4+s17], $0x80, s1, s17, $0xb8;
	[tilespmem:$0x1E400] =	vst v63  }
0x82: {  	_ =	swait.ge [sflag:s21], $0x4000  }
0x83: {  	[sflag:s21] =	ssyncset.done $0x0  }
0x84: {  	s5 =	simm.s32 $0x1500;
	[sflag:s21] =	ssyncadd.s32 $0xFFFFC000  }
0x85: {  	[spmem:s2] =	stream.indirect.scatter.add.f32 [tilespmem:s18], [sflag:$0x3], $0x80, s5, s17, $0xb8;
	[tilespmem:$0x1E400] =	vst v63  }
0x86: {  	_ =	swait.ge [sflag:s22], $0x4000  }
0x87: {  	[sflag:s22] =	ssyncset.done $0x0  }
0x88: {  	s7 =	simm.s32 $0x200;
	[sflag:s22] =	ssyncadd.s32 $0xFFFFC000  }
0x89: {  	[tilespmem:s18], [sflag:$0x1] =	stream.indirect.gather [hbm4b:s4+s17], $0x80, s7, s17, $0xb8;
	[tilespmem:$0x1E400] =	vst v63  }
0x8a: {  	_ =	swait.ge [sflag:s24], $0x4000  }
0x8b: {  	[sflag:s24] =	ssyncset.done $0x0  }
0x8c: {  	s1 =	simm.s32 $0xFFFFBC00;
	s5 =	simm.s32 $0x1580;
	[sflag:s24] =	ssyncadd.s32 $0xFFFFC000  }
.LBB2_4:
0x8d: {  	[spmem:s2] =	stream.indirect.scatter.add.f32 [tilespmem:s20], [sflag:$0x4], $0x80, s5, s17, $0xb8;
	[tilespmem:$0x1E400] =	vst v63  }
0x8e: {  	s5 =	smov.u32 s1  }
0x8f: {  	p0 =	sne.s32 s1, $0xFFFFFC00;
	s1 =	sadd.s32 $0x400, s1;
	_ =	swait.ge [sflag:s28], $0x4000  }
0x90: {  	s5 =	sshra.s32 s5, $0x2;
	[sflag:s28] =	ssyncset.done $0x0  }
0x91: {  	s7 =	sadd.s32 $0x1380, s5;
	[sflag:s28] =	ssyncadd.s32 $0xFFFFC000  }
0x92: {  	[tilespmem:s20], [sflag:$0x2] =	stream.indirect.gather [hbm4b:s4+s17], $0x80, s7, s17, $0xb8;
	[tilespmem:$0x1E400] =	vst v63  }
0x93: {  	_ =	swait.ge [sflag:s21], $0x4000  }
0x94: {  	[sflag:s21] =	ssyncset.done $0x0  }
0x95: {  	s7 =	sadd.s32 $0x2700, s5;
	[sflag:s21] =	ssyncadd.s32 $0xFFFFC000  }
0x96: {  	[spmem:s2] =	stream.indirect.scatter.add.f32 [tilespmem:s18], [sflag:$0x3], $0x80, s7, s17, $0xb8;
	[tilespmem:$0x1E400] =	vst v63  }
0x97: {  	_ =	swait.ge [sflag:s22], $0x4000  }
0x98: {  	[sflag:s22] =	ssyncset.done $0x0  }
.Ltmp1:
0x99: {  	s7 =	sadd.s32 $0x1400, s5;
	[sflag:s22] =	ssyncadd.s32 $0xFFFFC000;
	(pc) =	sbr.rel @p0 .LBB2_4-.Ltmp1, $4  }
0x9a: {  	[tilespmem:s18], [sflag:$0x1] =	stream.indirect.gather [hbm4b:s4+s17], $0x80, s7, s17, $0xb8;
	[tilespmem:$0x1E400] =	vst v63  }
0x9b: {  	_ =	swait.ge [sflag:s24], $0x4000  }
0x9c: {  	[sflag:s24] =	ssyncset.done $0x0  }
0x9d: {  	s5 =	sadd.s32 $0x2780, s5;
	[sflag:s24] =	ssyncadd.s32 $0xFFFFC000  }
0x9e: {  	[spmem:s2] =	stream.indirect.scatter.add.f32 [tilespmem:s20], [sflag:$0x4], $0x80, s5, s17, $0xb8;
	[tilespmem:$0x1E400] =	vst v63  }
0x9f: {  	_ =	swait.ge [sflag:s28], $0x4000  }
0xa0: {  	[sflag:s28] =	ssyncset.done $0x0  }
0xa1: {  	[sflag:s28] =	ssyncadd.s32 $0xFFFFC000  }
0xa2: {  	[tilespmem:s20], [sflag:$0x2] =	stream.indirect.gather [hbm4b:s4+s17], $0x80, s29, s17, $0xb8;
	[tilespmem:$0x1E400] =	vst v63  }
0xa3: {  	_ =	swait.ge [sflag:s21], $0x4000  }
0xa4: {  	[sflag:s21] =	ssyncset.done $0x0  }
0xa5: {  	[sflag:s21] =	ssyncadd.s32 $0xFFFFC000  }
0xa6: {  	[spmem:s2] =	stream.indirect.scatter.add.f32 [tilespmem:s18], [sflag:$0x3], $0x80, s30, s17, $0xb8;
	[tilespmem:$0x1E400] =	vst v63  }
0xa7: {  	_ =	swait.ge [sflag:s22], $0x4000  }
0xa8: {  	[sflag:s22] =	ssyncset.done $0x0  }
0xa9: {  	[sflag:s22] =	ssyncadd.s32 $0xFFFFC000  }
0xaa: {  	_ =	swait.ge [sflag:s24], $0x4000  }
0xab: {  	[sflag:s24] =	ssyncset.done $0x0  }
0xac: {  	[sflag:s24] =	ssyncadd.s32 $0xFFFFC000  }
0xad: {  	[spmem:s2] =	stream.indirect.scatter.add.f32 [tilespmem:s20], [sflag:$0x4], $0x80, s31, s17, $0xb8;
	[tilespmem:$0x1E400] =	vst v63  }
0xae: {  	_ =	swait.ge [sflag:s28], $0x4000  }
0xaf: {  	s0 =	sadd.s32 $0x1, s0;
	[sflag:s28] =	ssyncset.done $0x0  }
0xb0: {  	p0 =	sne.s32 s0, s13;
	[sflag:s28] =	ssyncadd.s32 $0xFFFFC000  }
.Ltmp2:
0xb1: {  	s1 =	sor.u32 $0x1C06, s6;
	[bflag:$0x0] =	sbarrier.arrive $0xFFFF;
	(pc) =	sbr.rel @p0 .LBB2_1-.Ltmp2, $4  }
0xb2: {  	[hbm:s12], [sflag:s1] =	dma.local [spmem:s25], $0x2780  }
0xb3: {  	_ =	swait.ge [sflag:s15], $0x2780  }
0xb4: {  	[sflag:s15] =	ssyncset.done $0x0  }
0xb5: {  	[sflag:s15] =	ssyncadd.s32 $0xFFFFD880  }
0xb6: {  	_ =	sfence.sel $0x180000  }
0xb7: {  	[bflag:$0x0] =	sbarrier.arrive $0xFFFF  }
0xb8: {  	_ =	strace $0x9000004D  }
0xb9: {  	s0 =	stileid.u32;
	[bflag:$0x2] =	sbarrier.arrive $0xFFFF  }
0xba: {  	p0 =	sne.s32 s0, $0x0;
	s0 =	rddreg [dreg:$0x3]  }
0xbb: {  	s0 =	sadd.s32 @!p0 $0x100000, s0  }
0xbc: {  	[sflag:s0] =	ssyncadd.tile.s32 @!p0 $0x1;
	_ =	shalt  }
.Lfunc_end2:
_tile_overlayer_lowered:
.L_overlay_start_2:
0xbd: {  	(tag) =	ssettag $0x2  }
0xbe: {  	s0 =	rddreg [dreg:$0x0];
	s2 =	stileid.u32  }
0xbf: {  	s1 =	rddreg [dreg:$0x1];
	p0 =	sne.s32 s2, $0x0  }
0xc0: {  	s3 =	rddreg [dreg:$0x2];
	[bflag:$0x3] =	sbarrier.arrive $0xFFFF;
	s2 =	simm.s32 @!p0 $0x1C06  }
0xc1: {  	[timem:s3], [sflag:s2] =	dma.local @!p0 [hbm:s0], s1  }
0xc2: {  	s0 =	simm.s32 @!p0 $0x6  }
0xc3: {  	_ =	swait.ge @!p0 [sflag:s0], s1  }
0xc4: {  	s1 =	ssub.s32 @!p0 $0x0, s1;
	[sflag:s0] =	ssyncset.done @!p0 $0x0  }
0xc5: {  	[sflag:s0] =	ssyncadd.s32 @!p0 s1  }
0xc6: {  	[bflag:$0x3] =	sbarrier.arrive $0xFFFF  }
0xc7: {  	_ =	shalt  }

// kernel: sc_aggregate_c0.5.cloned.1.call-start
scs
__scs_entry_jumppad:
0x0: {  	(pc) =	sbr.rel $0x88, $3  }
0x1: {  	(tag) =	ssettag $0x0;
	lr =	simm.s32 $0x1  }
0x2: {  	[smem:$0x3F8C] =	sst lr;
	_ =	strace $0xD0000000  }
0x3: {  	_ = 	snop  }
0x4: {  	_ = 	snop  }
0x5: {  	_ = 	snop  }
0x6: {  	_ = 	snop  }
0x7: {  	_ = 	snop  }
__scs_overlays_trampoline_lowered:
0x8: {  	[smem:$0x3F9B] =	sst s0  }
0x9: {  	[smem:$0x3F9C] =	sst s1  }
0xa: {  	[smem:$0x3F9D] =	sst s2  }
0xb: {  	[smem:$0x3F9E] =	sst s3  }
0xc: {  	[smem:$0x3F9F] =	sst s4  }
0xd: {  	[smem:$0x3FA0] =	sst s5  }
0xe: {  	[smem:$0x3FA1] =	sst s6  }
0xf: {  	[smem:$0x3FA2] =	sst s7  }
0x10: {  	[smem:$0x3FA3] =	sst s8  }
0x11: {  	[smem:$0x3FA4] =	sst s9;
	s0 =	simm.s32 @!p0 $0x0  }
0x12: {  	s1 =	sld [smem:$0x3F8A];
	s0 =	simm.s32 @p0 $0x1  }
0x13: {  	[smem:$0x3FA5] =	sst s0;
	s0 =	simm.s32 @!p1 $0x0  }
0x14: {  	s2 =	sld [smem:$0x3F89];
	s0 =	simm.s32 @p1 $0x1  }
0x15: {  	[smem:$0x3FA6] =	sst s0;
	s0 =	simm.s32 @!p2 $0x0  }
0x16: {  	s3 =	sld [smem:$0x3FDB];
	s0 =	simm.s32 @p2 $0x1  }
0x17: {  	s4 =	simm.s32 $0x1BF5;
	[smem:$0x3FA8] =	sst s0  }
0x18: {  	s0 =	sld [smem:$0x3F8B];
	_ =	swait.ge [sflag:s4], $0x0  }
0x19: {  	s7 =	sld [smem:$0x3F8C]  }
0x1a: {  	s8 =	sadd.s32 $0xFFFFE003, lr  }
0x1b: {  	s9 =	sadd.s32 $0xFFFFFEF7, lr;
	s5 =	simm.s32 $0xFFFFFFFF;
	p2 =	slt.u32 s8, $0xFFFFF086  }
0x1c: {  	p1 =	slt.u32 s9, $0xF7A;
	s5 =	simm.s32 @!p2 $0x0  }
0x1d: {  	s5 =	simm.s32 @p1 $0x1;
	p0 =	seq.s32 s7, s2  }
0x1e: {  	s7 =	smul.u32 @!p0 $0xF7A, s2;
	p2 =	seq.s32 @!p0 s5, $0x0  }
0x1f: {  	s9 =	smul.u32 $0xF7A, s1;
	s8 =	simm.s32 @!p0 $0x1BF5;
	p2 =	por !p2, p0  }
0x20: {  	[sflag:s8] =	ssyncset.s32 @!p0 $0xFFFFF086;
	s6 =	sadd.s32 @!p0 s3, s7;
	s7 =	simm.s32 @!p0 $0x108  }
0x21: {  	s3 =	sadd.s32 s3, s9;
	s6 =	sadd.s32 @!p0 $0x88, s6;
	s7 =	simm.s32 @p2 $0x1082  }
0x22: {  	[simem:s7], [sflag:s8] =	dma.local @!p0 [hbm:s6], $0xF7A  }
0x23: {  	s9 =	sor.u32 $0xD0000000, s2;
	s6 =	simm.s32 $0x108;
	_ =	swait.ge @!p0 [sflag:s8], $0x0  }
0x24: {  	s3 =	sadd.s32 $0x88, s3;
	s6 =	simm.s32 @!p1 $0x1082;
	[sflag:s4] =	ssyncset.s32 $0xFFFFF086  }
0x25: {  	[simem:s6], [sflag:s4] =	dma.local [hbm:s3], $0xF7A  }
0x26: {  	[smem:$0x3F8C] =	sst s1;
	(tag) =	ssettag s2;
	_ =	strace s9  }
0x27: {  	s1 =	sld [smem:$0x3F9C]  }
0x28: {  	s2 =	sld [smem:$0x3F9D]  }
0x29: {  	s4 =	sld [smem:$0x3F9F]  }
0x2a: {  	p0 =	seq.s32 s5, $0x0;
	s5 =	sld [smem:$0x3FA0]  }
0x2b: {  	s6 =	sld [smem:$0x3FA1]  }
0x2c: {  	s7 =	sld [smem:$0x3FA2]  }
0x2d: {  	s3 =	simm.s32 $0x108;
	s8 =	sld [smem:$0x3FA3]  }
0x2e: {  	s3 =	simm.s32 @!p0 $0x1082;
	s9 =	sld [smem:$0x3FA4]  }
0x2f: {  	lr =	sadd.s32 s0, s3;
	s0 =	sld [smem:$0x3F9B]  }
0x30: {  	s3 =	sld [smem:$0x3F9E]  }
0x31: {  	[smem:$0x3FA7] =	sst s10  }
0x32: {  	s10 =	sld [smem:$0x3FA5];
	_ =	sdelay $0x3  }
0x33: {  	p0 =	seq.s32 s10, $0x1;
	s10 =	sld [smem:$0x3FA7];
	_ =	sdelay $0x3  }
0x34: {  	[smem:$0x3FA7] =	sst s10  }
0x35: {  	s10 =	sld [smem:$0x3FA6];
	_ =	sdelay $0x3  }
0x36: {  	p1 =	seq.s32 s10, $0x1;
	s10 =	sld [smem:$0x3FA7];
	_ =	sdelay $0x3  }
0x37: {  	[smem:$0x3FA7] =	sst s10  }
0x38: {  	s10 =	sld [smem:$0x3FA8]  }
0x39: {  	_ = 	snop;
	(pc) =	sbr.ind lr, $3  }
0x3a: {  	_ = 	snop  }
0x3b: {  	_ = 	snop  }
0x3c: {  	p2 =	seq.s32 s10, $0x1;
	s10 =	sld [smem:$0x3FA7]  }
0x3d: {  	_ =	shalt  }
0x3e: {  	_ =	shalt  }
0x3f: {  	_ =	shalt  }
0x40: {  	_ =	shalt  }
0x41: {  	_ =	shalt  }
0x42: {  	_ =	shalt  }
0x43: {  	_ =	shalt  }
0x44: {  	_ =	shalt  }
0x45: {  	_ =	shalt  }
0x46: {  	_ =	shalt  }
0x47: {  	_ =	shalt  }
0x48: {  	_ =	shalt  }
0x49: {  	_ =	shalt  }
0x4a: {  	_ =	shalt  }
0x4b: {  	_ =	shalt  }
0x4c: {  	_ =	shalt  }
0x4d: {  	_ =	shalt  }
0x4e: {  	_ =	shalt  }
0x4f: {  	_ =	shalt  }
0x50: {  	_ =	shalt  }
0x51: {  	_ =	shalt  }
0x52: {  	_ =	shalt  }
0x53: {  	_ =	shalt  }
0x54: {  	_ =	shalt  }
0x55: {  	_ =	shalt  }
0x56: {  	_ =	shalt  }
0x57: {  	_ =	shalt  }
0x58: {  	_ =	shalt  }
0x59: {  	_ =	shalt  }
0x5a: {  	_ =	shalt  }
0x5b: {  	_ =	shalt  }
0x5c: {  	_ =	shalt  }
0x5d: {  	_ =	shalt  }
0x5e: {  	_ =	shalt  }
0x5f: {  	_ =	shalt  }
0x60: {  	_ =	shalt  }
0x61: {  	_ =	shalt  }
0x62: {  	_ =	shalt  }
0x63: {  	_ =	shalt  }
0x64: {  	_ =	shalt  }
0x65: {  	_ =	shalt  }
0x66: {  	_ =	shalt  }
0x67: {  	_ =	shalt  }
0x68: {  	_ =	shalt  }
0x69: {  	_ =	shalt  }
0x6a: {  	_ =	shalt  }
0x6b: {  	_ =	shalt  }
0x6c: {  	_ =	shalt  }
0x6d: {  	_ =	shalt  }
0x6e: {  	_ =	shalt  }
0x6f: {  	_ =	shalt  }
0x70: {  	_ =	shalt  }
0x71: {  	_ =	shalt  }
0x72: {  	_ =	shalt  }
0x73: {  	_ =	shalt  }
0x74: {  	_ =	shalt  }
0x75: {  	_ =	shalt  }
0x76: {  	_ =	shalt  }
0x77: {  	_ =	shalt  }
0x78: {  	_ =	shalt  }
0x79: {  	_ =	shalt  }
0x7a: {  	_ =	shalt  }
0x7b: {  	_ =	shalt  }
0x7c: {  	_ =	shalt  }
0x7d: {  	_ =	shalt  }
0x7e: {  	_ =	shalt  }
0x7f: {  	_ =	shalt  }
0x80: {  	_ =	shalt  }
0x81: {  	_ =	shalt  }
0x82: {  	_ =	shalt  }
0x83: {  	_ =	shalt  }
0x84: {  	_ =	shalt  }
0x85: {  	_ =	shalt  }
0x86: {  	_ =	shalt  }
0x87: {  	_ =	shalt  }
.Lfunc_end0:
.L_simem_size_0:
called_computation_lowered:
.L_overlay_start_0:
0x88: {  	s2 =	sld [smem:$0x3FD9]  }
0x89: {  	s3 =	sld [smem:$0x3FFE];
	_ =	sdelay $0x1  }
0x8a: {  	s1 =	srdreg.scid  }
0x8b: {  	s0 =	sand.u32 $0x1, s1  }
0x8c: {  	s14 =	sshll.u32 s0, $0xA;
	s2 =	sadd.s32 s3, s2  }
0x8d: {  	s2 =	sadd.s32 s2, s14  }
0x8e: {  	[smem:$0x3FB3] =	sst s2  }
0x8f: {  	_ = 	snop  }
0x90: {  	s2 =	sld [smem:$0x3FD0];
	_ =	sdelay $0x2  }
0x91: {  	s4 =	simm.s32 $0xA;
	s5 =	simm.s32 $0x10;
	s15 =	sld [smem:$0x3FC9]  }
0x92: {  	[smem:s5], [sflag:s4] =	dma.local [hbm:s2], $0x1  }
0x93: {  	_ =	swait.eq [sflag:s4], $0x1  }
0x94: {  	[sflag:s4] =	ssyncset.done $0x0  }
0x95: {  	[sflag:s4] =	ssyncadd.s32 $0xFFFFFFFF  }
0x96: {  	s16 =	sld [smem:$0x10];
	(tm) =	ssettm $0x1  }
0x97: {  	s17 =	sld [smem:$0x3FFB];
	_ =	sdelay $0x3  }
0x98: {  	_ =	strace s17  }
0x99: {  	s4 =	sld [smem:$0x3FFC];
	_ =	sdelay $0x3  }
0x9a: {  	_ =	strace s4  }
0x9b: {  	s4 =	sld [smem:$0x3FFD];
	_ =	sdelay $0x3  }
0x9c: {  	_ =	strace s4  }
0x9d: {  	_ =	strace $0x8FFFFFFF  }
0x9e: {  	s18 =	sld [smem:$0x3FDB];
	_ =	sdelay $0x1  }
0x9f: {  	s19 =	simm.s32 $_scs_section_size  }
0xa0: {  	s6 =	simm.s32 $_size__tile_overlayer_lowered;
	s7 =	simm.s32 $_tile_overlayer_lowered  }
0xa1: {  	s22 =	simm.s32 $0x1BFF;
	s21 =	sshll.u32 s7, $0x1;
	s4 =	sadd.s32 s19, s18  }
0xa2: {  	s8 =	simm.s32 $0x0;
	s20 =	sshll.u32 s6, $0x1;
	s6 =	sadd.s32 s21, s4  }
0xa3: {  	[timem:s8], [sflag:s22] =	dma.local [hbm:s6], s20  }
0xa4: {  	_ =	swait.ge [sflag:s22], s20  }
0xa5: {  	s5 =	ssub.s32 $0x0, s20;
	[sflag:s22] =	ssyncset.done $0x0  }
0xa6: {  	[sflag:s22] =	ssyncadd.s32 s5;
	_ =	sdelay $0x1  }
0xa7: {  	s23 =	simm.s32 $0x1B8B  }
0xa8: {  	_ =	swait.ge [sflag:s23], $0x1  }
0xa9: {  	[sflag:s23] =	ssyncset.done $0x0  }
0xaa: {  	s25 =	simm.s32 $0x1B8E;
	s24 =	sld [smem:$0x3FFE];
	[sflag:s23] =	ssyncadd.s32 $0xFFFFFFFF  }
0xab: {  	s26 =	simm.s32 $execute0_lowered;
	[smem:$0x3FD2] =	sst s25  }
0xac: {  	s6 =	sshll.u32 s26, $0x1;
	_ =	strace $0x80000046;
	[dreg:$0x1] =	wrdreg $0xFFFFFFFF  }
0xad: {  	s28 =	simm.s32 $_size_execute0_lowered;
	s4 =	sadd.s32 s4, s6;
	[dreg:$0x0] =	wrdreg $0x0  }
0xae: {  	s6 =	sshll.u32 s28, $0x1;
	[dreg:$0x2] =	wrdreg s4  }
0xaf: {  	[dreg:$0x3] =	wrdreg s6  }
0xb0: {  	[dreg:$0x4] =	wrdreg $0xC0  }
0xb1: {  	_ =	task [dreg:s8], $0x5FFFF  }
0xb2: {  	[dreg:$0x1] =	wrdreg $0xFFFFFFFF  }
0xb3: {  	[dreg:$0x0] =	wrdreg $0x60  }
0xb4: {  	[dreg:$0x2] =	wrdreg s15  }
0xb5: {  	[dreg:$0x3] =	wrdreg s24  }
0xb6: {  	[dreg:$0x4] =	wrdreg s16  }
0xb7: {  	[dreg:$0x5] =	wrdreg $0xA8000  }
0xb8: {  	[dreg:$0x6] =	wrdreg $0x9  }
0xb9: {  	_ =	task.clear_ibuf [dreg:s8], $0x7FFFF;
	_ =	strace $0x90000046  }
0xba: {  	s29 =	simm.s32 $0x9;
	_ =	strace $0x80000048  }
0xbb: {  	_ =	swait.ge [sflag:s29], $0x1  }
0xbc: {  	[sflag:s29] =	ssyncadd.s32 $0xFFFFFFFF  }
0xbd: {  	_ =	strace $0x90000048  }
0xbe: {  	_ =	sfence  }
0xbf: {  	s30 =	sld [smem:$0x0];
	_ =	sdelay $0x2  }
0xc0: {  	s31 =	sshll.u32 s1, $0xD;
	s1 =	sshrl.u32 s1, $0x2  }
0xc1: {  	s3 =	sand.u32 $0x4000, s31;
	s1 =	sadd.s32 s1, s30  }
0xc2: {  	s0 =	sor.u32 s3, s0;
	s1 =	sshll.u32 s1, $0x11  }
0xc3: {  	s0 =	sor.u32 s1, s0  }
0xc4: {  	s0 =	sadd.s32 $0x8F2B, s0  }
0xc5: {  	[sflag:s0] =	ssyncadd.remote.s32 $0x1  }
0xc6: {  	_ =	sfence.sel $0xFFFF  }
0xc7: {  	[dreg:$0x0] =	wrdreg $0xFFFFFFFF;
	(pc) =	sbr.abs _section_cstart, $3  }
0xc8: {  	[dreg:$0x1] =	wrdreg $0xFFFFFFFF  }
0xc9: {  	_ =	task.clear_ibuf [dreg:s8], $0x2FFFF;
	_ =	strace $0x9FFFFFFF  }
0xca: {  	(tm) =	ssettm $0x7FFFFFFF  }
0xcb: {  	_ =	shalt  }
tec
execute0_lowered:
.L_overlay_start_1:
0x0: {  	(tag) =	ssettag $0x1  }
0x1: {  	s1 =	rddreg [dreg:$0x0]  }
0x2: {  	s0 =	rddreg [dreg:$0x1]  }
0x3: {  	s2 =	rddreg [dreg:$0x2]  }
0x4: {  	s3 =	rddreg [dreg:$0x3]  }
0x5: {  	s4 =	simm.s32 $0x0;
	s15 =	stileid.u32;
	s6 =	srdreg.scid  }
0x6: {  	s16 =	simm.s32 $0x1400;
	s17 =	simm.s32 $0x80;
	s28 =	simm.s32 $0x4  }
0x7: {  	s29 =	simm.s32 $0x1380;
	s30 =	simm.s32 $0x2700;
	s31 =	simm.s32 $0x2780  }
0x8: {  	[smem:$0x7FF] =	sst s4;
	s5 =	smul.u32 $0x2780, s15;
	s10 =	sadd.s32 $0x4400, s0  }
0x9: {  	s11 =	sadd.s32 $0xE400, s0;
	s18 =	sand.u32 $0x1, s6;
	s7 =	smul.u32 $0x4F000, s15  }
0xa: {  	s12 =	smul.u32 $0x278, s15;
	_ =	strace $0x80000047;
	s6 =	ssub.s32 $0x2, s18  }
0xb: {  	s8 =	sshll.u32 s18, $0x4;
	s0 =	sadd.s32 s5, s0;
	s9 =	sshrl.u32 s6, $0x1  }
0xc: {  	s8 =	sor.u32 s15, s8;
	s19 =	sshrl.u32 s7, $0x2;
	s5 =	smul.u32 $0x138800, s18  }
0xd: {  	s22 =	smin.u32 s12, $0x2498;
	s18 =	simm.s32 $0x2800;
	s13 =	ssub.s32 s6, s9  }
0xe: {  	s20 =	smul.u32 $0x2800, s8;
	s14 =	sadd.s32 s19, s3;
	s0 =	sadd.s32 $0x18400, s0  }
0xf: {  	s6 =	sshll.u32 s15, $0x6;
	s24 =	sshll.u32 s22, $0x7;
	s15 =	simm.s32 $0x6  }
0x10: {  	s19 =	simm.s32 $0x5;
	s22 =	simm.s32 $0x3;
	[dreg:$0x5] =	wrdreg s0  }
0x11: {  	s23 =	sor.u32 $0x1C05, s6;
	s5 =	sadd.s32 s5, s24;
	s26 =	sadd.s32 s24, s3  }
0x12: {  	s13 =	smax.u32 s13, $0x1;
	s14 =	sshrl.u32 s14, $0x3;
	s24 =	simm.s32 $0x2  }
0x13: {  	s21 =	sshrl.u32 s20, $0x3;
	[dreg:$0x6] =	wrdreg s23;
	s25 =	sshrl.u32 s5, $0x3  }
0x14: {  	s20 =	simm.s32 $0x6800;
	s23 =	simm.s32 $0x100;
	s8 =	sadd.s32 s10, s21  }
0x15: {  	s9 =	sadd.s32 s11, s21;
	s0 =	sadd.s32 $0x280, s21;
	s12 =	sadd.s32 s2, s25  }
0x16: {  	s21 =	simm.s32 $0x1;
	s25 =	sshrl.u32 s26, $0x3;
	s26 =	simm.s32 $0x1480  }
0x17: {  	s10 =	sadd.s32 s10, s0;
	s11 =	sadd.s32 s11, s0;
	s0 =	simm.s32 $0x0  }
.LBB2_1:
0x18: {  	s2 =	rddreg [dreg:$0x5]  }
0x19: {  	s5 =	rddreg [dreg:$0x6]  }
0x1a: {  	[spmem:s14], [sflag:s5] =	dma.local [hbm:s2], $0x2780  }
0x1b: {  	[tilespmem:s4], [sflag:$0x6] =	stream.linear.gather [hbm4b:s8+s4], $0x1400, $0x38;
	[tilespmem:$0x1E400] =	vst v63  }
0x1c: {  	_ =	swait.ge [sflag:s15], $0x1400  }
0x1d: {  	[sflag:s15] =	ssyncset.done $0x0  }
0x1e: {  	[sflag:s15] =	ssyncadd.s32 $0xFFFFEC00  }
0x1f: {  	[tilespmem:s16], [sflag:$0x6] =	stream.linear.gather [hbm4b:s9+s4], $0x1400, $0x38;
	[tilespmem:$0x1E400] =	vst v63  }
0x20: {  	_ =	swait.ge [sflag:s15], $0x1400  }
0x21: {  	[sflag:s15] =	ssyncset.done $0x0  }
0x22: {  	[sflag:s15] =	ssyncadd.s32 $0xFFFFEC00  }
0x23: {  	[tilespmem:s18], [sflag:$0x1] =	stream.indirect.gather [hbm4b:s1+s17], $0x80, s4, s17, $0xb8;
	[tilespmem:$0x1E400] =	vst v63  }
0x24: {  	_ =	swait.ge [sflag:s19], $0x2780  }
0x25: {  	[sflag:s19] =	ssyncset.done $0x0  }
0x26: {  	[sflag:s19] =	ssyncadd.s32 $0xFFFFD880  }
0x27: {  	[bflag:$0x0] =	sbarrier.arrive $0xFFFF  }
0x28: {  	[tilespmem:s20], [sflag:$0x2] =	stream.indirect.gather [hbm4b:s1+s17], $0x80, s17, s17, $0xb8;
	[tilespmem:$0x1E400] =	vst v63  }
0x29: {  	_ =	swait.ge [sflag:s21], $0x4000  }
0x2a: {  	[sflag:s21] =	ssyncset.done $0x0  }
0x2b: {  	[sflag:s21] =	ssyncadd.s32 $0xFFFFC000  }
0x2c: {  	[spmem:s3] =	stream.indirect.scatter.add.f32 [tilespmem:s18], [sflag:$0x3], $0x80, s16, s17, $0xb8;
	[tilespmem:$0x1E400] =	vst v63  }
0x2d: {  	_ =	swait.ge [sflag:s22], $0x4000  }
0x2e: {  	[sflag:s22] =	ssyncset.done $0x0  }
0x2f: {  	[sflag:s22] =	ssyncadd.s32 $0xFFFFC000  }
0x30: {  	[tilespmem:s18], [sflag:$0x1] =	stream.indirect.gather [hbm4b:s1+s17], $0x80, s23, s17, $0xb8;
	[tilespmem:$0x1E400] =	vst v63  }
0x31: {  	_ =	swait.ge [sflag:s24], $0x4000  }
0x32: {  	[sflag:s24] =	ssyncset.done $0x0  }
0x33: {  	[sflag:s24] =	ssyncadd.s32 $0xFFFFC000  }
0x34: {  	[spmem:s3] =	stream.indirect.scatter.add.f32 [tilespmem:s20], [sflag:$0x4], $0x80, s26, s17, $0xb8;
	[tilespmem:$0x1E400] =	vst v63  }
0x35: {  	_ =	swait.ge [sflag:s28], $0x4000  }
0x36: {  	[sflag:s28] =	ssyncset.done $0x0  }
0x37: {  	s7 =	simm.s32 $0x180;
	[sflag:s28] =	ssyncadd.s32 $0xFFFFC000  }
0x38: {  	[tilespmem:s20], [sflag:$0x2] =	stream.indirect.gather [hbm4b:s1+s17], $0x80, s7, s17, $0xb8;
	[tilespmem:$0x1E400] =	vst v63  }
0x39: {  	_ =	swait.ge [sflag:s21], $0x4000  }
0x3a: {  	[sflag:s21] =	ssyncset.done $0x0  }
0x3b: {  	s5 =	simm.s32 $0x1500;
	[sflag:s21] =	ssyncadd.s32 $0xFFFFC000  }
0x3c: {  	[spmem:s3] =	stream.indirect.scatter.add.f32 [tilespmem:s18], [sflag:$0x3], $0x80, s5, s17, $0xb8;
	[tilespmem:$0x1E400] =	vst v63  }
0x3d: {  	_ =	swait.ge [sflag:s22], $0x4000  }
0x3e: {  	[sflag:s22] =	ssyncset.done $0x0  }
0x3f: {  	s7 =	simm.s32 $0x200;
	[sflag:s22] =	ssyncadd.s32 $0xFFFFC000  }
0x40: {  	[tilespmem:s18], [sflag:$0x1] =	stream.indirect.gather [hbm4b:s1+s17], $0x80, s7, s17, $0xb8;
	[tilespmem:$0x1E400] =	vst v63  }
0x41: {  	_ =	swait.ge [sflag:s24], $0x4000  }
0x42: {  	[sflag:s24] =	ssyncset.done $0x0  }
0x43: {  	s2 =	simm.s32 $0xFFFFBC00;
	s5 =	simm.s32 $0x1580;
	[sflag:s24] =	ssyncadd.s32 $0xFFFFC000  }
.LBB2_2:
0x44: {  	[spmem:s3] =	stream.indirect.scatter.add.f32 [tilespmem:s20], [sflag:$0x4], $0x80, s5, s17, $0xb8;
	[tilespmem:$0x1E400] =	vst v63  }
0x45: {  	s5 =	smov.u32 s2  }
0x46: {  	p0 =	sne.s32 s2, $0xFFFFFC00;
	s2 =	sadd.s32 $0x400, s2;
	_ =	swait.ge [sflag:s28], $0x4000  }
0x47: {  	s5 =	sshra.s32 s5, $0x2;
	[sflag:s28] =	ssyncset.done $0x0  }
0x48: {  	s7 =	sadd.s32 $0x1380, s5;
	[sflag:s28] =	ssyncadd.s32 $0xFFFFC000  }
0x49: {  	[tilespmem:s20], [sflag:$0x2] =	stream.indirect.gather [hbm4b:s1+s17], $0x80, s7, s17, $0xb8;
	[tilespmem:$0x1E400] =	vst v63  }
0x4a: {  	_ =	swait.ge [sflag:s21], $0x4000  }
0x4b: {  	[sflag:s21] =	ssyncset.done $0x0  }
0x4c: {  	s7 =	sadd.s32 $0x2700, s5;
	[sflag:s21] =	ssyncadd.s32 $0xFFFFC000  }
0x4d: {  	[spmem:s3] =	stream.indirect.scatter.add.f32 [tilespmem:s18], [sflag:$0x3], $0x80, s7, s17, $0xb8;
	[tilespmem:$0x1E400] =	vst v63  }
0x4e: {  	_ =	swait.ge [sflag:s22], $0x4000  }
0x4f: {  	[sflag:s22] =	ssyncset.done $0x0  }
.Ltmp0:
0x50: {  	s7 =	sadd.s32 $0x1400, s5;
	[sflag:s22] =	ssyncadd.s32 $0xFFFFC000;
	(pc) =	sbr.rel @p0 .LBB2_2-.Ltmp0, $4  }
0x51: {  	[tilespmem:s18], [sflag:$0x1] =	stream.indirect.gather [hbm4b:s1+s17], $0x80, s7, s17, $0xb8;
	[tilespmem:$0x1E400] =	vst v63  }
0x52: {  	_ =	swait.ge [sflag:s24], $0x4000  }
0x53: {  	[sflag:s24] =	ssyncset.done $0x0  }
0x54: {  	s5 =	sadd.s32 $0x2780, s5;
	[sflag:s24] =	ssyncadd.s32 $0xFFFFC000  }
0x55: {  	[spmem:s3] =	stream.indirect.scatter.add.f32 [tilespmem:s20], [sflag:$0x4], $0x80, s5, s17, $0xb8;
	[tilespmem:$0x1E400] =	vst v63  }
0x56: {  	_ =	swait.ge [sflag:s28], $0x4000  }
0x57: {  	[sflag:s28] =	ssyncset.done $0x0  }
0x58: {  	[sflag:s28] =	ssyncadd.s32 $0xFFFFC000  }
0x59: {  	[tilespmem:s20], [sflag:$0x2] =	stream.indirect.gather [hbm4b:s1+s17], $0x80, s29, s17, $0xb8;
	[tilespmem:$0x1E400] =	vst v63  }
0x5a: {  	_ =	swait.ge [sflag:s21], $0x4000  }
0x5b: {  	[sflag:s21] =	ssyncset.done $0x0  }
0x5c: {  	[sflag:s21] =	ssyncadd.s32 $0xFFFFC000  }
0x5d: {  	[spmem:s3] =	stream.indirect.scatter.add.f32 [tilespmem:s18], [sflag:$0x3], $0x80, s30, s17, $0xb8;
	[tilespmem:$0x1E400] =	vst v63  }
0x5e: {  	_ =	swait.ge [sflag:s22], $0x4000  }
0x5f: {  	[sflag:s22] =	ssyncset.done $0x0  }
0x60: {  	[sflag:s22] =	ssyncadd.s32 $0xFFFFC000  }
0x61: {  	_ =	swait.ge [sflag:s24], $0x4000  }
0x62: {  	[sflag:s24] =	ssyncset.done $0x0  }
0x63: {  	[sflag:s24] =	ssyncadd.s32 $0xFFFFC000  }
0x64: {  	[spmem:s3] =	stream.indirect.scatter.add.f32 [tilespmem:s20], [sflag:$0x4], $0x80, s31, s17, $0xb8;
	[tilespmem:$0x1E400] =	vst v63  }
0x65: {  	_ =	swait.ge [sflag:s28], $0x4000  }
0x66: {  	[sflag:s28] =	ssyncset.done $0x0  }
0x67: {  	[sflag:s28] =	ssyncadd.s32 $0xFFFFC000  }
0x68: {  	[tilespmem:s4], [sflag:$0x6] =	stream.linear.gather [hbm4b:s10+s4], $0x1400, $0x38;
	[tilespmem:$0x1E400] =	vst v63  }
0x69: {  	_ =	swait.ge [sflag:s15], $0x1400  }
0x6a: {  	[sflag:s15] =	ssyncset.done $0x0  }
0x6b: {  	[sflag:s15] =	ssyncadd.s32 $0xFFFFEC00  }
0x6c: {  	[tilespmem:s16], [sflag:$0x6] =	stream.linear.gather [hbm4b:s11+s4], $0x1400, $0x38;
	[tilespmem:$0x1E400] =	vst v63  }
0x6d: {  	_ =	swait.ge [sflag:s15], $0x1400  }
0x6e: {  	[sflag:s15] =	ssyncset.done $0x0  }
0x6f: {  	[sflag:s15] =	ssyncadd.s32 $0xFFFFEC00  }
0x70: {  	[tilespmem:s18], [sflag:$0x1] =	stream.indirect.gather [hbm4b:s1+s17], $0x80, s4, s17, $0xb8;
	[tilespmem:$0x1E400] =	vst v63  }
0x71: {  	_ = 	snop  }
0x72: {  	[tilespmem:s20], [sflag:$0x2] =	stream.indirect.gather [hbm4b:s1+s17], $0x80, s17, s17, $0xb8;
	[tilespmem:$0x1E400] =	vst v63  }
0x73: {  	_ =	swait.ge [sflag:s21], $0x4000  }
0x74: {  	[sflag:s21] =	ssyncset.done $0x0  }
0x75: {  	[sflag:s21] =	ssyncadd.s32 $0xFFFFC000  }
0x76: {  	[spmem:s3] =	stream.indirect.scatter.add.f32 [tilespmem:s18], [sflag:$0x3], $0x80, s16, s17, $0xb8;
	[tilespmem:$0x1E400] =	vst v63  }
0x77: {  	_ =	swait.ge [sflag:s22], $0x4000  }
0x78: {  	[sflag:s22] =	ssyncset.done $0x0  }
0x79: {  	[sflag:s22] =	ssyncadd.s32 $0xFFFFC000  }
0x7a: {  	[tilespmem:s18], [sflag:$0x1] =	stream.indirect.gather [hbm4b:s1+s17], $0x80, s23, s17, $0xb8;
	[tilespmem:$0x1E400] =	vst v63  }
0x7b: {  	_ =	swait.ge [sflag:s24], $0x4000  }
0x7c: {  	[sflag:s24] =	ssyncset.done $0x0  }
0x7d: {  	[sflag:s24] =	ssyncadd.s32 $0xFFFFC000  }
0x7e: {  	[spmem:s3] =	stream.indirect.scatter.add.f32 [tilespmem:s20], [sflag:$0x4], $0x80, s26, s17, $0xb8;
	[tilespmem:$0x1E400] =	vst v63  }
0x7f: {  	_ =	swait.ge [sflag:s28], $0x4000  }
0x80: {  	[sflag:s28] =	ssyncset.done $0x0  }
0x81: {  	s2 =	simm.s32 $0x180;
	[sflag:s28] =	ssyncadd.s32 $0xFFFFC000  }
0x82: {  	[tilespmem:s20], [sflag:$0x2] =	stream.indirect.gather [hbm4b:s1+s17], $0x80, s2, s17, $0xb8;
	[tilespmem:$0x1E400] =	vst v63  }
0x83: {  	_ =	swait.ge [sflag:s21], $0x4000  }
0x84: {  	[sflag:s21] =	ssyncset.done $0x0  }
0x85: {  	s5 =	simm.s32 $0x1500;
	[sflag:s21] =	ssyncadd.s32 $0xFFFFC000  }
0x86: {  	[spmem:s3] =	stream.indirect.scatter.add.f32 [tilespmem:s18], [sflag:$0x3], $0x80, s5, s17, $0xb8;
	[tilespmem:$0x1E400] =	vst v63  }
0x87: {  	_ =	swait.ge [sflag:s22], $0x4000  }
0x88: {  	[sflag:s22] =	ssyncset.done $0x0  }
0x89: {  	s7 =	simm.s32 $0x200;
	[sflag:s22] =	ssyncadd.s32 $0xFFFFC000  }
0x8a: {  	[tilespmem:s18], [sflag:$0x1] =	stream.indirect.gather [hbm4b:s1+s17], $0x80, s7, s17, $0xb8;
	[tilespmem:$0x1E400] =	vst v63  }
0x8b: {  	_ =	swait.ge [sflag:s24], $0x4000  }
0x8c: {  	[sflag:s24] =	ssyncset.done $0x0  }
0x8d: {  	s2 =	simm.s32 $0xFFFFBC00;
	s5 =	simm.s32 $0x1580;
	[sflag:s24] =	ssyncadd.s32 $0xFFFFC000  }
.LBB2_4:
0x8e: {  	[spmem:s3] =	stream.indirect.scatter.add.f32 [tilespmem:s20], [sflag:$0x4], $0x80, s5, s17, $0xb8;
	[tilespmem:$0x1E400] =	vst v63  }
0x8f: {  	s5 =	smov.u32 s2  }
0x90: {  	p0 =	sne.s32 s2, $0xFFFFFC00;
	s2 =	sadd.s32 $0x400, s2;
	_ =	swait.ge [sflag:s28], $0x4000  }
0x91: {  	s5 =	sshra.s32 s5, $0x2;
	[sflag:s28] =	ssyncset.done $0x0  }
0x92: {  	s7 =	sadd.s32 $0x1380, s5;
	[sflag:s28] =	ssyncadd.s32 $0xFFFFC000  }
0x93: {  	[tilespmem:s20], [sflag:$0x2] =	stream.indirect.gather [hbm4b:s1+s17], $0x80, s7, s17, $0xb8;
	[tilespmem:$0x1E400] =	vst v63  }
0x94: {  	_ =	swait.ge [sflag:s21], $0x4000  }
0x95: {  	[sflag:s21] =	ssyncset.done $0x0  }
0x96: {  	s7 =	sadd.s32 $0x2700, s5;
	[sflag:s21] =	ssyncadd.s32 $0xFFFFC000  }
0x97: {  	[spmem:s3] =	stream.indirect.scatter.add.f32 [tilespmem:s18], [sflag:$0x3], $0x80, s7, s17, $0xb8;
	[tilespmem:$0x1E400] =	vst v63  }
0x98: {  	_ =	swait.ge [sflag:s22], $0x4000  }
0x99: {  	[sflag:s22] =	ssyncset.done $0x0  }
.Ltmp1:
0x9a: {  	s7 =	sadd.s32 $0x1400, s5;
	[sflag:s22] =	ssyncadd.s32 $0xFFFFC000;
	(pc) =	sbr.rel @p0 .LBB2_4-.Ltmp1, $4  }
0x9b: {  	[tilespmem:s18], [sflag:$0x1] =	stream.indirect.gather [hbm4b:s1+s17], $0x80, s7, s17, $0xb8;
	[tilespmem:$0x1E400] =	vst v63  }
0x9c: {  	_ =	swait.ge [sflag:s24], $0x4000  }
0x9d: {  	[sflag:s24] =	ssyncset.done $0x0  }
0x9e: {  	s5 =	sadd.s32 $0x2780, s5;
	[sflag:s24] =	ssyncadd.s32 $0xFFFFC000  }
0x9f: {  	[spmem:s3] =	stream.indirect.scatter.add.f32 [tilespmem:s20], [sflag:$0x4], $0x80, s5, s17, $0xb8;
	[tilespmem:$0x1E400] =	vst v63  }
0xa0: {  	_ =	swait.ge [sflag:s28], $0x4000  }
0xa1: {  	[sflag:s28] =	ssyncset.done $0x0  }
0xa2: {  	[sflag:s28] =	ssyncadd.s32 $0xFFFFC000  }
0xa3: {  	[tilespmem:s20], [sflag:$0x2] =	stream.indirect.gather [hbm4b:s1+s17], $0x80, s29, s17, $0xb8;
	[tilespmem:$0x1E400] =	vst v63  }
0xa4: {  	_ =	swait.ge [sflag:s21], $0x4000  }
0xa5: {  	[sflag:s21] =	ssyncset.done $0x0  }
0xa6: {  	[sflag:s21] =	ssyncadd.s32 $0xFFFFC000  }
0xa7: {  	[spmem:s3] =	stream.indirect.scatter.add.f32 [tilespmem:s18], [sflag:$0x3], $0x80, s30, s17, $0xb8;
	[tilespmem:$0x1E400] =	vst v63  }
0xa8: {  	_ =	swait.ge [sflag:s22], $0x4000  }
0xa9: {  	[sflag:s22] =	ssyncset.done $0x0  }
0xaa: {  	[sflag:s22] =	ssyncadd.s32 $0xFFFFC000  }
0xab: {  	_ =	swait.ge [sflag:s24], $0x4000  }
0xac: {  	[sflag:s24] =	ssyncset.done $0x0  }
0xad: {  	[sflag:s24] =	ssyncadd.s32 $0xFFFFC000  }
0xae: {  	[spmem:s3] =	stream.indirect.scatter.add.f32 [tilespmem:s20], [sflag:$0x4], $0x80, s31, s17, $0xb8;
	[tilespmem:$0x1E400] =	vst v63  }
0xaf: {  	_ =	swait.ge [sflag:s28], $0x4000  }
0xb0: {  	s0 =	sadd.s32 $0x1, s0;
	[sflag:s28] =	ssyncset.done $0x0  }
0xb1: {  	p0 =	sne.s32 s0, s13;
	[sflag:s28] =	ssyncadd.s32 $0xFFFFC000  }
.Ltmp2:
0xb2: {  	s2 =	sor.u32 $0x1C06, s6;
	[bflag:$0x0] =	sbarrier.arrive $0xFFFF;
	(pc) =	sbr.rel @p0 .LBB2_1-.Ltmp2, $4  }
0xb3: {  	[hbm:s12], [sflag:s2] =	dma.local [spmem:s25], $0x2780  }
0xb4: {  	_ =	swait.ge [sflag:s15], $0x2780  }
0xb5: {  	[sflag:s15] =	ssyncset.done $0x0  }
0xb6: {  	[sflag:s15] =	ssyncadd.s32 $0xFFFFD880  }
0xb7: {  	_ =	sfence.sel $0x180000  }
0xb8: {  	[bflag:$0x0] =	sbarrier.arrive $0xFFFF  }
0xb9: {  	_ =	strace $0x90000047  }
0xba: {  	s0 =	stileid.u32;
	[bflag:$0x2] =	sbarrier.arrive $0xFFFF  }
0xbb: {  	p0 =	sne.s32 s0, $0x0;
	s0 =	rddreg [dreg:$0x4]  }
0xbc: {  	s0 =	sadd.s32 @!p0 $0x100000, s0  }
0xbd: {  	[sflag:s0] =	ssyncadd.tile.s32 @!p0 $0x1;
	_ =	shalt  }
.Lfunc_end2:
_tile_overlayer_lowered:
.L_overlay_start_2:
0xbe: {  	(tag) =	ssettag $0x2  }
0xbf: {  	s0 =	rddreg [dreg:$0x0];
	s2 =	stileid.u32  }
0xc0: {  	s1 =	rddreg [dreg:$0x1];
	p0 =	sne.s32 s2, $0x0  }
0xc1: {  	s3 =	rddreg [dreg:$0x2];
	[bflag:$0x3] =	sbarrier.arrive $0xFFFF;
	s2 =	simm.s32 @!p0 $0x1C06  }
0xc2: {  	[timem:s3], [sflag:s2] =	dma.local @!p0 [hbm:s0], s1  }
0xc3: {  	s0 =	simm.s32 @!p0 $0x6  }
0xc4: {  	_ =	swait.ge @!p0 [sflag:s0], s1  }
0xc5: {  	s1 =	ssub.s32 @!p0 $0x0, s1;
	[sflag:s0] =	ssyncset.done @!p0 $0x0  }
0xc6: {  	[sflag:s0] =	ssyncadd.s32 @!p0 s1  }
0xc7: {  	[bflag:$0x3] =	sbarrier.arrive $0xFFFF  }
0xc8: {  	_ =	shalt  }

// kernel: sc_aggregate_c0.8.cloned.1.call-start
scs
__scs_entry_jumppad:
0x0: {  	(pc) =	sbr.rel $0x88, $3  }
0x1: {  	(tag) =	ssettag $0x0;
	lr =	simm.s32 $0x1  }
0x2: {  	[smem:$0x3F8C] =	sst lr;
	_ =	strace $0xD0000000  }
0x3: {  	_ = 	snop  }
0x4: {  	_ = 	snop  }
0x5: {  	_ = 	snop  }
0x6: {  	_ = 	snop  }
0x7: {  	_ = 	snop  }
__scs_overlays_trampoline_lowered:
0x8: {  	[smem:$0x3F9B] =	sst s0  }
0x9: {  	[smem:$0x3F9C] =	sst s1  }
0xa: {  	[smem:$0x3F9D] =	sst s2  }
0xb: {  	[smem:$0x3F9E] =	sst s3  }
0xc: {  	[smem:$0x3F9F] =	sst s4  }
0xd: {  	[smem:$0x3FA0] =	sst s5  }
0xe: {  	[smem:$0x3FA1] =	sst s6  }
0xf: {  	[smem:$0x3FA2] =	sst s7  }
0x10: {  	[smem:$0x3FA3] =	sst s8  }
0x11: {  	[smem:$0x3FA4] =	sst s9;
	s0 =	simm.s32 @!p0 $0x0  }
0x12: {  	s1 =	sld [smem:$0x3F8A];
	s0 =	simm.s32 @p0 $0x1  }
0x13: {  	[smem:$0x3FA5] =	sst s0;
	s0 =	simm.s32 @!p1 $0x0  }
0x14: {  	s2 =	sld [smem:$0x3F89];
	s0 =	simm.s32 @p1 $0x1  }
0x15: {  	[smem:$0x3FA6] =	sst s0;
	s0 =	simm.s32 @!p2 $0x0  }
0x16: {  	s3 =	sld [smem:$0x3FDB];
	s0 =	simm.s32 @p2 $0x1  }
0x17: {  	s4 =	simm.s32 $0x1BF5;
	[smem:$0x3FA8] =	sst s0  }
0x18: {  	s0 =	sld [smem:$0x3F8B];
	_ =	swait.ge [sflag:s4], $0x0  }
0x19: {  	s7 =	sld [smem:$0x3F8C]  }
0x1a: {  	s8 =	sadd.s32 $0xFFFFE003, lr  }
0x1b: {  	s9 =	sadd.s32 $0xFFFFFEF7, lr;
	s5 =	simm.s32 $0xFFFFFFFF;
	p2 =	slt.u32 s8, $0xFFFFF086  }
0x1c: {  	p1 =	slt.u32 s9, $0xF7A;
	s5 =	simm.s32 @!p2 $0x0  }
0x1d: {  	s5 =	simm.s32 @p1 $0x1;
	p0 =	seq.s32 s7, s2  }
0x1e: {  	s7 =	smul.u32 @!p0 $0xF7A, s2;
	p2 =	seq.s32 @!p0 s5, $0x0  }
0x1f: {  	s9 =	smul.u32 $0xF7A, s1;
	s8 =	simm.s32 @!p0 $0x1BF5;
	p2 =	por !p2, p0  }
0x20: {  	[sflag:s8] =	ssyncset.s32 @!p0 $0xFFFFF086;
	s6 =	sadd.s32 @!p0 s3, s7;
	s7 =	simm.s32 @!p0 $0x108  }
0x21: {  	s3 =	sadd.s32 s3, s9;
	s6 =	sadd.s32 @!p0 $0x88, s6;
	s7 =	simm.s32 @p2 $0x1082  }
0x22: {  	[simem:s7], [sflag:s8] =	dma.local @!p0 [hbm:s6], $0xF7A  }
0x23: {  	s9 =	sor.u32 $0xD0000000, s2;
	s6 =	simm.s32 $0x108;
	_ =	swait.ge @!p0 [sflag:s8], $0x0  }
0x24: {  	s3 =	sadd.s32 $0x88, s3;
	s6 =	simm.s32 @!p1 $0x1082;
	[sflag:s4] =	ssyncset.s32 $0xFFFFF086  }
0x25: {  	[simem:s6], [sflag:s4] =	dma.local [hbm:s3], $0xF7A  }
0x26: {  	[smem:$0x3F8C] =	sst s1;
	(tag) =	ssettag s2;
	_ =	strace s9  }
0x27: {  	s1 =	sld [smem:$0x3F9C]  }
0x28: {  	s2 =	sld [smem:$0x3F9D]  }
0x29: {  	s4 =	sld [smem:$0x3F9F]  }
0x2a: {  	p0 =	seq.s32 s5, $0x0;
	s5 =	sld [smem:$0x3FA0]  }
0x2b: {  	s6 =	sld [smem:$0x3FA1]  }
0x2c: {  	s7 =	sld [smem:$0x3FA2]  }
0x2d: {  	s3 =	simm.s32 $0x108;
	s8 =	sld [smem:$0x3FA3]  }
0x2e: {  	s3 =	simm.s32 @!p0 $0x1082;
	s9 =	sld [smem:$0x3FA4]  }
0x2f: {  	lr =	sadd.s32 s0, s3;
	s0 =	sld [smem:$0x3F9B]  }
0x30: {  	s3 =	sld [smem:$0x3F9E]  }
0x31: {  	[smem:$0x3FA7] =	sst s10  }
0x32: {  	s10 =	sld [smem:$0x3FA5];
	_ =	sdelay $0x3  }
0x33: {  	p0 =	seq.s32 s10, $0x1;
	s10 =	sld [smem:$0x3FA7];
	_ =	sdelay $0x3  }
0x34: {  	[smem:$0x3FA7] =	sst s10  }
0x35: {  	s10 =	sld [smem:$0x3FA6];
	_ =	sdelay $0x3  }
0x36: {  	p1 =	seq.s32 s10, $0x1;
	s10 =	sld [smem:$0x3FA7];
	_ =	sdelay $0x3  }
0x37: {  	[smem:$0x3FA7] =	sst s10  }
0x38: {  	s10 =	sld [smem:$0x3FA8]  }
0x39: {  	_ = 	snop;
	(pc) =	sbr.ind lr, $3  }
0x3a: {  	_ = 	snop  }
0x3b: {  	_ = 	snop  }
0x3c: {  	p2 =	seq.s32 s10, $0x1;
	s10 =	sld [smem:$0x3FA7]  }
0x3d: {  	_ =	shalt  }
0x3e: {  	_ =	shalt  }
0x3f: {  	_ =	shalt  }
0x40: {  	_ =	shalt  }
0x41: {  	_ =	shalt  }
0x42: {  	_ =	shalt  }
0x43: {  	_ =	shalt  }
0x44: {  	_ =	shalt  }
0x45: {  	_ =	shalt  }
0x46: {  	_ =	shalt  }
0x47: {  	_ =	shalt  }
0x48: {  	_ =	shalt  }
0x49: {  	_ =	shalt  }
0x4a: {  	_ =	shalt  }
0x4b: {  	_ =	shalt  }
0x4c: {  	_ =	shalt  }
0x4d: {  	_ =	shalt  }
0x4e: {  	_ =	shalt  }
0x4f: {  	_ =	shalt  }
0x50: {  	_ =	shalt  }
0x51: {  	_ =	shalt  }
0x52: {  	_ =	shalt  }
0x53: {  	_ =	shalt  }
0x54: {  	_ =	shalt  }
0x55: {  	_ =	shalt  }
0x56: {  	_ =	shalt  }
0x57: {  	_ =	shalt  }
0x58: {  	_ =	shalt  }
0x59: {  	_ =	shalt  }
0x5a: {  	_ =	shalt  }
0x5b: {  	_ =	shalt  }
0x5c: {  	_ =	shalt  }
0x5d: {  	_ =	shalt  }
0x5e: {  	_ =	shalt  }
0x5f: {  	_ =	shalt  }
0x60: {  	_ =	shalt  }
0x61: {  	_ =	shalt  }
0x62: {  	_ =	shalt  }
0x63: {  	_ =	shalt  }
0x64: {  	_ =	shalt  }
0x65: {  	_ =	shalt  }
0x66: {  	_ =	shalt  }
0x67: {  	_ =	shalt  }
0x68: {  	_ =	shalt  }
0x69: {  	_ =	shalt  }
0x6a: {  	_ =	shalt  }
0x6b: {  	_ =	shalt  }
0x6c: {  	_ =	shalt  }
0x6d: {  	_ =	shalt  }
0x6e: {  	_ =	shalt  }
0x6f: {  	_ =	shalt  }
0x70: {  	_ =	shalt  }
0x71: {  	_ =	shalt  }
0x72: {  	_ =	shalt  }
0x73: {  	_ =	shalt  }
0x74: {  	_ =	shalt  }
0x75: {  	_ =	shalt  }
0x76: {  	_ =	shalt  }
0x77: {  	_ =	shalt  }
0x78: {  	_ =	shalt  }
0x79: {  	_ =	shalt  }
0x7a: {  	_ =	shalt  }
0x7b: {  	_ =	shalt  }
0x7c: {  	_ =	shalt  }
0x7d: {  	_ =	shalt  }
0x7e: {  	_ =	shalt  }
0x7f: {  	_ =	shalt  }
0x80: {  	_ =	shalt  }
0x81: {  	_ =	shalt  }
0x82: {  	_ =	shalt  }
0x83: {  	_ =	shalt  }
0x84: {  	_ =	shalt  }
0x85: {  	_ =	shalt  }
0x86: {  	_ =	shalt  }
0x87: {  	_ =	shalt  }
.Lfunc_end0:
.L_simem_size_0:
called_computation.1_lowered:
.L_overlay_start_0:
0x88: {  	s2 =	sld [smem:$0x3FD9]  }
0x89: {  	s3 =	sld [smem:$0x3FFE];
	_ =	sdelay $0x1  }
0x8a: {  	s1 =	srdreg.scid  }
0x8b: {  	s0 =	sand.u32 $0x1, s1  }
0x8c: {  	s14 =	sshll.u32 s0, $0xA;
	s2 =	sadd.s32 s3, s2  }
0x8d: {  	s2 =	sadd.s32 s2, s14  }
0x8e: {  	[smem:$0x3FB3] =	sst s2  }
0x8f: {  	_ = 	snop  }
0x90: {  	s2 =	sld [smem:$0x3FD0];
	_ =	sdelay $0x2  }
0x91: {  	s15 =	simm.s32 $0xA;
	s4 =	simm.s32 $0x10  }
0x92: {  	[smem:s4], [sflag:s15] =	dma.local [hbm:s2], $0x1  }
0x93: {  	_ =	swait.eq [sflag:s15], $0x1  }
0x94: {  	[sflag:s15] =	ssyncset.done $0x0  }
0x95: {  	[sflag:s15] =	ssyncadd.s32 $0xFFFFFFFF  }
0x96: {  	s16 =	sld [smem:$0x10];
	(tm) =	ssettm $0x1  }
0x97: {  	s17 =	sld [smem:$0x3FFB];
	_ =	sdelay $0x3  }
0x98: {  	_ =	strace s17  }
0x99: {  	s3 =	sld [smem:$0x3FFC];
	_ =	sdelay $0x3  }
0x9a: {  	_ =	strace s3  }
0x9b: {  	s3 =	sld [smem:$0x3FFD];
	_ =	sdelay $0x3  }
0x9c: {  	_ =	strace s3  }
0x9d: {  	_ =	strace $0x8FFFFFFF  }
0x9e: {  	s18 =	sld [smem:$0x3FDB];
	_ =	sdelay $0x1  }
0x9f: {  	s19 =	simm.s32 $_scs_section_size  }
0xa0: {  	s5 =	simm.s32 $_size__tile_overlayer_lowered;
	s6 =	simm.s32 $_tile_overlayer_lowered  }
0xa1: {  	s22 =	simm.s32 $0x1BFF;
	s21 =	sshll.u32 s6, $0x1;
	s3 =	sadd.s32 s19, s18  }
0xa2: {  	s7 =	simm.s32 $0x0;
	s20 =	sshll.u32 s5, $0x1;
	s5 =	sadd.s32 s21, s3  }
0xa3: {  	[timem:s7], [sflag:s22] =	dma.local [hbm:s5], s20  }
0xa4: {  	_ =	swait.ge [sflag:s22], s20  }
0xa5: {  	s4 =	ssub.s32 $0x0, s20;
	[sflag:s22] =	ssyncset.done $0x0  }
0xa6: {  	[sflag:s22] =	ssyncadd.s32 s4;
	_ =	sdelay $0x1  }
0xa7: {  	s23 =	simm.s32 $0x1B8B  }
0xa8: {  	_ =	swait.ge [sflag:s23], $0x1  }
0xa9: {  	[sflag:s23] =	ssyncset.done $0x0  }
0xaa: {  	s25 =	simm.s32 $0x1B8E;
	s24 =	sld [smem:$0x3FFE];
	[sflag:s23] =	ssyncadd.s32 $0xFFFFFFFF  }
0xab: {  	s26 =	simm.s32 $execute0_lowered;
	[smem:$0x3FD2] =	sst s25  }
0xac: {  	s5 =	sshll.u32 s26, $0x1;
	_ =	strace $0x80000049;
	[dreg:$0x1] =	wrdreg $0xFFFFFFFF  }
0xad: {  	s28 =	simm.s32 $_size_execute0_lowered;
	s3 =	sadd.s32 s3, s5;
	[dreg:$0x0] =	wrdreg $0x0  }
0xae: {  	s5 =	sshll.u32 s28, $0x1;
	[dreg:$0x2] =	wrdreg s3  }
0xaf: {  	[dreg:$0x3] =	wrdreg s5  }
0xb0: {  	[dreg:$0x4] =	wrdreg $0xC0  }
0xb1: {  	_ =	task [dreg:s7], $0x5FFFF  }
0xb2: {  	[dreg:$0x1] =	wrdreg $0xFFFFFFFF  }
0xb3: {  	[dreg:$0x0] =	wrdreg $0x60  }
0xb4: {  	[dreg:$0x2] =	wrdreg s24  }
0xb5: {  	[dreg:$0x3] =	wrdreg s16  }
0xb6: {  	[dreg:$0x4] =	wrdreg $0xA8000  }
0xb7: {  	[dreg:$0x5] =	wrdreg $0x9  }
0xb8: {  	_ =	task.clear_ibuf [dreg:s7], $0x6FFFF;
	_ =	strace $0x90000049  }
0xb9: {  	s29 =	simm.s32 $0x9;
	_ =	strace $0x8000004B  }
0xba: {  	_ =	swait.ge [sflag:s29], $0x1  }
0xbb: {  	[sflag:s29] =	ssyncadd.s32 $0xFFFFFFFF  }
0xbc: {  	_ =	strace $0x9000004B  }
0xbd: {  	_ =	sfence  }
0xbe: {  	s30 =	sld [smem:$0x0];
	_ =	sdelay $0x2  }
0xbf: {  	s31 =	sshll.u32 s1, $0xD;
	s1 =	sshrl.u32 s1, $0x2  }
0xc0: {  	s3 =	sand.u32 $0x4000, s31;
	s1 =	sadd.s32 s1, s30  }
0xc1: {  	s0 =	sor.u32 s3, s0;
	s1 =	sshll.u32 s1, $0x11  }
0xc2: {  	s0 =	sor.u32 s1, s0  }
0xc3: {  	s0 =	sadd.s32 $0x8F2B, s0  }
0xc4: {  	[sflag:s0] =	ssyncadd.remote.s32 $0x1  }
0xc5: {  	_ =	sfence.sel $0xFFFF  }
0xc6: {  	[dreg:$0x0] =	wrdreg $0xFFFFFFFF;
	(pc) =	sbr.abs _section_cstart, $3  }
0xc7: {  	[dreg:$0x1] =	wrdreg $0xFFFFFFFF  }
0xc8: {  	_ =	task.clear_ibuf [dreg:s7], $0x2FFFF;
	_ =	strace $0x9FFFFFFF  }
0xc9: {  	(tm) =	ssettm $0x7FFFFFFF  }
tec
execute0_lowered:
.L_overlay_start_1:
0x0: {  	(tag) =	ssettag $0x1  }
0x1: {  	s0 =	rddreg [dreg:$0x0]  }
0x2: {  	s1 =	rddreg [dreg:$0x1]  }
0x3: {  	s2 =	rddreg [dreg:$0x2];
	s3 =	simm.s32 $0x0  }
0x4: {  	s15 =	stileid.u32;
	s6 =	srdreg.scid;
	s16 =	simm.s32 $0x1400  }
0x5: {  	s17 =	simm.s32 $0x80;
	s28 =	simm.s32 $0x4;
	s29 =	simm.s32 $0x1380  }
0x6: {  	s30 =	simm.s32 $0x2700;
	s31 =	simm.s32 $0x2780;
	[smem:$0x7FF] =	sst s3  }
0x7: {  	s5 =	smul.u32 $0x2780, s15;
	s4 =	sadd.s32 $0x3FC00, s0;
	s10 =	sadd.s32 $0x4400, s0  }
0x8: {  	s11 =	sadd.s32 $0xE400, s0;
	s18 =	sand.u32 $0x1, s6;
	s7 =	smul.u32 $0x4F000, s15  }
0x9: {  	s12 =	smul.u32 $0x278, s15;
	_ =	strace $0x8000004A;
	s6 =	ssub.s32 $0x2, s18  }
0xa: {  	s8 =	sshll.u32 s18, $0x4;
	s0 =	sadd.s32 s5, s0;
	s9 =	sshrl.u32 s6, $0x1  }
0xb: {  	s8 =	sor.u32 s15, s8;
	s19 =	sshrl.u32 s7, $0x2;
	s5 =	smul.u32 $0x138800, s18  }
0xc: {  	s22 =	smin.u32 s12, $0x2498;
	s18 =	simm.s32 $0x2800;
	s13 =	ssub.s32 s6, s9  }
0xd: {  	s20 =	smul.u32 $0x2800, s8;
	s14 =	sadd.s32 s19, s2;
	s0 =	sadd.s32 $0x18400, s0  }
0xe: {  	s6 =	sshll.u32 s15, $0x6;
	s24 =	sshll.u32 s22, $0x7;
	s15 =	simm.s32 $0x6  }
0xf: {  	s19 =	simm.s32 $0x5;
	s22 =	simm.s32 $0x3;
	[dreg:$0x4] =	wrdreg s0  }
0x10: {  	s23 =	sor.u32 $0x1C05, s6;
	s5 =	sadd.s32 s5, s24;
	s26 =	sadd.s32 s24, s2  }
0x11: {  	s13 =	smax.u32 s13, $0x1;
	s14 =	sshrl.u32 s14, $0x3;
	s24 =	simm.s32 $0x2  }
0x12: {  	s21 =	sshrl.u32 s20, $0x3;
	[dreg:$0x5] =	wrdreg s23;
	s25 =	sshrl.u32 s5, $0x3  }
0x13: {  	s20 =	simm.s32 $0x6800;
	s23 =	simm.s32 $0x100;
	s8 =	sadd.s32 s10, s21  }
0x14: {  	s9 =	sadd.s32 s11, s21;
	s0 =	sadd.s32 $0x280, s21;
	s12 =	sadd.s32 s1, s25  }
0x15: {  	s21 =	simm.s32 $0x1;
	s25 =	sshrl.u32 s26, $0x3;
	s26 =	simm.s32 $0x1480  }
0x16: {  	s10 =	sadd.s32 s10, s0;
	s11 =	sadd.s32 s11, s0;
	s0 =	simm.s32 $0x0  }
.LBB2_1:
0x17: {  	s1 =	rddreg [dreg:$0x4]  }
0x18: {  	s5 =	rddreg [dreg:$0x5]  }
0x19: {  	[spmem:s14], [sflag:s5] =	dma.local [hbm:s1], $0x2780  }
0x1a: {  	[tilespmem:s3], [sflag:$0x6] =	stream.linear.gather [hbm4b:s8+s3], $0x1400, $0x38;
	[tilespmem:$0x1E400] =	vst v63  }
0x1b: {  	_ =	swait.ge [sflag:s15], $0x1400  }
0x1c: {  	[sflag:s15] =	ssyncset.done $0x0  }
0x1d: {  	[sflag:s15] =	ssyncadd.s32 $0xFFFFEC00  }
0x1e: {  	[tilespmem:s16], [sflag:$0x6] =	stream.linear.gather [hbm4b:s9+s3], $0x1400, $0x38;
	[tilespmem:$0x1E400] =	vst v63  }
0x1f: {  	_ =	swait.ge [sflag:s15], $0x1400  }
0x20: {  	[sflag:s15] =	ssyncset.done $0x0  }
0x21: {  	[sflag:s15] =	ssyncadd.s32 $0xFFFFEC00  }
0x22: {  	[tilespmem:s18], [sflag:$0x1] =	stream.indirect.gather [hbm4b:s4+s17], $0x80, s3, s17, $0xb8;
	[tilespmem:$0x1E400] =	vst v63  }
0x23: {  	_ =	swait.ge [sflag:s19], $0x2780  }
0x24: {  	[sflag:s19] =	ssyncset.done $0x0  }
0x25: {  	[sflag:s19] =	ssyncadd.s32 $0xFFFFD880  }
0x26: {  	[bflag:$0x0] =	sbarrier.arrive $0xFFFF  }
0x27: {  	[tilespmem:s20], [sflag:$0x2] =	stream.indirect.gather [hbm4b:s4+s17], $0x80, s17, s17, $0xb8;
	[tilespmem:$0x1E400] =	vst v63  }
0x28: {  	_ =	swait.ge [sflag:s21], $0x4000  }
0x29: {  	[sflag:s21] =	ssyncset.done $0x0  }
0x2a: {  	[sflag:s21] =	ssyncadd.s32 $0xFFFFC000  }
0x2b: {  	[spmem:s2] =	stream.indirect.scatter.add.f32 [tilespmem:s18], [sflag:$0x3], $0x80, s16, s17, $0xb8;
	[tilespmem:$0x1E400] =	vst v63  }
0x2c: {  	_ =	swait.ge [sflag:s22], $0x4000  }
0x2d: {  	[sflag:s22] =	ssyncset.done $0x0  }
0x2e: {  	[sflag:s22] =	ssyncadd.s32 $0xFFFFC000  }
0x2f: {  	[tilespmem:s18], [sflag:$0x1] =	stream.indirect.gather [hbm4b:s4+s17], $0x80, s23, s17, $0xb8;
	[tilespmem:$0x1E400] =	vst v63  }
0x30: {  	_ =	swait.ge [sflag:s24], $0x4000  }
0x31: {  	[sflag:s24] =	ssyncset.done $0x0  }
0x32: {  	[sflag:s24] =	ssyncadd.s32 $0xFFFFC000  }
0x33: {  	[spmem:s2] =	stream.indirect.scatter.add.f32 [tilespmem:s20], [sflag:$0x4], $0x80, s26, s17, $0xb8;
	[tilespmem:$0x1E400] =	vst v63  }
0x34: {  	_ =	swait.ge [sflag:s28], $0x4000  }
0x35: {  	[sflag:s28] =	ssyncset.done $0x0  }
0x36: {  	s7 =	simm.s32 $0x180;
	[sflag:s28] =	ssyncadd.s32 $0xFFFFC000  }
0x37: {  	[tilespmem:s20], [sflag:$0x2] =	stream.indirect.gather [hbm4b:s4+s17], $0x80, s7, s17, $0xb8;
	[tilespmem:$0x1E400] =	vst v63  }
0x38: {  	_ =	swait.ge [sflag:s21], $0x4000  }
0x39: {  	[sflag:s21] =	ssyncset.done $0x0  }
0x3a: {  	s5 =	simm.s32 $0x1500;
	[sflag:s21] =	ssyncadd.s32 $0xFFFFC000  }
0x3b: {  	[spmem:s2] =	stream.indirect.scatter.add.f32 [tilespmem:s18], [sflag:$0x3], $0x80, s5, s17, $0xb8;
	[tilespmem:$0x1E400] =	vst v63  }
0x3c: {  	_ =	swait.ge [sflag:s22], $0x4000  }
0x3d: {  	[sflag:s22] =	ssyncset.done $0x0  }
0x3e: {  	s7 =	simm.s32 $0x200;
	[sflag:s22] =	ssyncadd.s32 $0xFFFFC000  }
0x3f: {  	[tilespmem:s18], [sflag:$0x1] =	stream.indirect.gather [hbm4b:s4+s17], $0x80, s7, s17, $0xb8;
	[tilespmem:$0x1E400] =	vst v63  }
0x40: {  	_ =	swait.ge [sflag:s24], $0x4000  }
0x41: {  	[sflag:s24] =	ssyncset.done $0x0  }
0x42: {  	s1 =	simm.s32 $0xFFFFBC00;
	s5 =	simm.s32 $0x1580;
	[sflag:s24] =	ssyncadd.s32 $0xFFFFC000  }
.LBB2_2:
0x43: {  	[spmem:s2] =	stream.indirect.scatter.add.f32 [tilespmem:s20], [sflag:$0x4], $0x80, s5, s17, $0xb8;
	[tilespmem:$0x1E400] =	vst v63  }
0x44: {  	s5 =	smov.u32 s1  }
0x45: {  	p0 =	sne.s32 s1, $0xFFFFFC00;
	s1 =	sadd.s32 $0x400, s1;
	_ =	swait.ge [sflag:s28], $0x4000  }
0x46: {  	s5 =	sshra.s32 s5, $0x2;
	[sflag:s28] =	ssyncset.done $0x0  }
0x47: {  	s7 =	sadd.s32 $0x1380, s5;
	[sflag:s28] =	ssyncadd.s32 $0xFFFFC000  }
0x48: {  	[tilespmem:s20], [sflag:$0x2] =	stream.indirect.gather [hbm4b:s4+s17], $0x80, s7, s17, $0xb8;
	[tilespmem:$0x1E400] =	vst v63  }
0x49: {  	_ =	swait.ge [sflag:s21], $0x4000  }
0x4a: {  	[sflag:s21] =	ssyncset.done $0x0  }
0x4b: {  	s7 =	sadd.s32 $0x2700, s5;
	[sflag:s21] =	ssyncadd.s32 $0xFFFFC000  }
0x4c: {  	[spmem:s2] =	stream.indirect.scatter.add.f32 [tilespmem:s18], [sflag:$0x3], $0x80, s7, s17, $0xb8;
	[tilespmem:$0x1E400] =	vst v63  }
0x4d: {  	_ =	swait.ge [sflag:s22], $0x4000  }
0x4e: {  	[sflag:s22] =	ssyncset.done $0x0  }
.Ltmp0:
0x4f: {  	s7 =	sadd.s32 $0x1400, s5;
	[sflag:s22] =	ssyncadd.s32 $0xFFFFC000;
	(pc) =	sbr.rel @p0 .LBB2_2-.Ltmp0, $4  }
0x50: {  	[tilespmem:s18], [sflag:$0x1] =	stream.indirect.gather [hbm4b:s4+s17], $0x80, s7, s17, $0xb8;
	[tilespmem:$0x1E400] =	vst v63  }
0x51: {  	_ =	swait.ge [sflag:s24], $0x4000  }
0x52: {  	[sflag:s24] =	ssyncset.done $0x0  }
0x53: {  	s5 =	sadd.s32 $0x2780, s5;
	[sflag:s24] =	ssyncadd.s32 $0xFFFFC000  }
0x54: {  	[spmem:s2] =	stream.indirect.scatter.add.f32 [tilespmem:s20], [sflag:$0x4], $0x80, s5, s17, $0xb8;
	[tilespmem:$0x1E400] =	vst v63  }
0x55: {  	_ =	swait.ge [sflag:s28], $0x4000  }
0x56: {  	[sflag:s28] =	ssyncset.done $0x0  }
0x57: {  	[sflag:s28] =	ssyncadd.s32 $0xFFFFC000  }
0x58: {  	[tilespmem:s20], [sflag:$0x2] =	stream.indirect.gather [hbm4b:s4+s17], $0x80, s29, s17, $0xb8;
	[tilespmem:$0x1E400] =	vst v63  }
0x59: {  	_ =	swait.ge [sflag:s21], $0x4000  }
0x5a: {  	[sflag:s21] =	ssyncset.done $0x0  }
0x5b: {  	[sflag:s21] =	ssyncadd.s32 $0xFFFFC000  }
0x5c: {  	[spmem:s2] =	stream.indirect.scatter.add.f32 [tilespmem:s18], [sflag:$0x3], $0x80, s30, s17, $0xb8;
	[tilespmem:$0x1E400] =	vst v63  }
0x5d: {  	_ =	swait.ge [sflag:s22], $0x4000  }
0x5e: {  	[sflag:s22] =	ssyncset.done $0x0  }
0x5f: {  	[sflag:s22] =	ssyncadd.s32 $0xFFFFC000  }
0x60: {  	_ =	swait.ge [sflag:s24], $0x4000  }
0x61: {  	[sflag:s24] =	ssyncset.done $0x0  }
0x62: {  	[sflag:s24] =	ssyncadd.s32 $0xFFFFC000  }
0x63: {  	[spmem:s2] =	stream.indirect.scatter.add.f32 [tilespmem:s20], [sflag:$0x4], $0x80, s31, s17, $0xb8;
	[tilespmem:$0x1E400] =	vst v63  }
0x64: {  	_ =	swait.ge [sflag:s28], $0x4000  }
0x65: {  	[sflag:s28] =	ssyncset.done $0x0  }
0x66: {  	[sflag:s28] =	ssyncadd.s32 $0xFFFFC000  }
0x67: {  	[tilespmem:s3], [sflag:$0x6] =	stream.linear.gather [hbm4b:s10+s3], $0x1400, $0x38;
	[tilespmem:$0x1E400] =	vst v63  }
0x68: {  	_ =	swait.ge [sflag:s15], $0x1400  }
0x69: {  	[sflag:s15] =	ssyncset.done $0x0  }
0x6a: {  	[sflag:s15] =	ssyncadd.s32 $0xFFFFEC00  }
0x6b: {  	[tilespmem:s16], [sflag:$0x6] =	stream.linear.gather [hbm4b:s11+s3], $0x1400, $0x38;
	[tilespmem:$0x1E400] =	vst v63  }
0x6c: {  	_ =	swait.ge [sflag:s15], $0x1400  }
0x6d: {  	[sflag:s15] =	ssyncset.done $0x0  }
0x6e: {  	[sflag:s15] =	ssyncadd.s32 $0xFFFFEC00  }
0x6f: {  	[tilespmem:s18], [sflag:$0x1] =	stream.indirect.gather [hbm4b:s4+s17], $0x80, s3, s17, $0xb8;
	[tilespmem:$0x1E400] =	vst v63  }
0x70: {  	_ = 	snop  }
0x71: {  	[tilespmem:s20], [sflag:$0x2] =	stream.indirect.gather [hbm4b:s4+s17], $0x80, s17, s17, $0xb8;
	[tilespmem:$0x1E400] =	vst v63  }
0x72: {  	_ =	swait.ge [sflag:s21], $0x4000  }
0x73: {  	[sflag:s21] =	ssyncset.done $0x0  }
0x74: {  	[sflag:s21] =	ssyncadd.s32 $0xFFFFC000  }
0x75: {  	[spmem:s2] =	stream.indirect.scatter.add.f32 [tilespmem:s18], [sflag:$0x3], $0x80, s16, s17, $0xb8;
	[tilespmem:$0x1E400] =	vst v63  }
0x76: {  	_ =	swait.ge [sflag:s22], $0x4000  }
0x77: {  	[sflag:s22] =	ssyncset.done $0x0  }
0x78: {  	[sflag:s22] =	ssyncadd.s32 $0xFFFFC000  }
0x79: {  	[tilespmem:s18], [sflag:$0x1] =	stream.indirect.gather [hbm4b:s4+s17], $0x80, s23, s17, $0xb8;
	[tilespmem:$0x1E400] =	vst v63  }
0x7a: {  	_ =	swait.ge [sflag:s24], $0x4000  }
0x7b: {  	[sflag:s24] =	ssyncset.done $0x0  }
0x7c: {  	[sflag:s24] =	ssyncadd.s32 $0xFFFFC000  }
0x7d: {  	[spmem:s2] =	stream.indirect.scatter.add.f32 [tilespmem:s20], [sflag:$0x4], $0x80, s26, s17, $0xb8;
	[tilespmem:$0x1E400] =	vst v63  }
0x7e: {  	_ =	swait.ge [sflag:s28], $0x4000  }
0x7f: {  	[sflag:s28] =	ssyncset.done $0x0  }
0x80: {  	s1 =	simm.s32 $0x180;
	[sflag:s28] =	ssyncadd.s32 $0xFFFFC000  }
0x81: {  	[tilespmem:s20], [sflag:$0x2] =	stream.indirect.gather [hbm4b:s4+s17], $0x80, s1, s17, $0xb8;
	[tilespmem:$0x1E400] =	vst v63  }
0x82: {  	_ =	swait.ge [sflag:s21], $0x4000  }
0x83: {  	[sflag:s21] =	ssyncset.done $0x0  }
0x84: {  	s5 =	simm.s32 $0x1500;
	[sflag:s21] =	ssyncadd.s32 $0xFFFFC000  }
0x85: {  	[spmem:s2] =	stream.indirect.scatter.add.f32 [tilespmem:s18], [sflag:$0x3], $0x80, s5, s17, $0xb8;
	[tilespmem:$0x1E400] =	vst v63  }
0x86: {  	_ =	swait.ge [sflag:s22], $0x4000  }
0x87: {  	[sflag:s22] =	ssyncset.done $0x0  }
0x88: {  	s7 =	simm.s32 $0x200;
	[sflag:s22] =	ssyncadd.s32 $0xFFFFC000  }
0x89: {  	[tilespmem:s18], [sflag:$0x1] =	stream.indirect.gather [hbm4b:s4+s17], $0x80, s7, s17, $0xb8;
	[tilespmem:$0x1E400] =	vst v63  }
0x8a: {  	_ =	swait.ge [sflag:s24], $0x4000  }
0x8b: {  	[sflag:s24] =	ssyncset.done $0x0  }
0x8c: {  	s1 =	simm.s32 $0xFFFFBC00;
	s5 =	simm.s32 $0x1580;
	[sflag:s24] =	ssyncadd.s32 $0xFFFFC000  }
.LBB2_4:
0x8d: {  	[spmem:s2] =	stream.indirect.scatter.add.f32 [tilespmem:s20], [sflag:$0x4], $0x80, s5, s17, $0xb8;
	[tilespmem:$0x1E400] =	vst v63  }
0x8e: {  	s5 =	smov.u32 s1  }
0x8f: {  	p0 =	sne.s32 s1, $0xFFFFFC00;
	s1 =	sadd.s32 $0x400, s1;
	_ =	swait.ge [sflag:s28], $0x4000  }
0x90: {  	s5 =	sshra.s32 s5, $0x2;
	[sflag:s28] =	ssyncset.done $0x0  }
0x91: {  	s7 =	sadd.s32 $0x1380, s5;
	[sflag:s28] =	ssyncadd.s32 $0xFFFFC000  }
0x92: {  	[tilespmem:s20], [sflag:$0x2] =	stream.indirect.gather [hbm4b:s4+s17], $0x80, s7, s17, $0xb8;
	[tilespmem:$0x1E400] =	vst v63  }
0x93: {  	_ =	swait.ge [sflag:s21], $0x4000  }
0x94: {  	[sflag:s21] =	ssyncset.done $0x0  }
0x95: {  	s7 =	sadd.s32 $0x2700, s5;
	[sflag:s21] =	ssyncadd.s32 $0xFFFFC000  }
0x96: {  	[spmem:s2] =	stream.indirect.scatter.add.f32 [tilespmem:s18], [sflag:$0x3], $0x80, s7, s17, $0xb8;
	[tilespmem:$0x1E400] =	vst v63  }
0x97: {  	_ =	swait.ge [sflag:s22], $0x4000  }
0x98: {  	[sflag:s22] =	ssyncset.done $0x0  }
.Ltmp1:
0x99: {  	s7 =	sadd.s32 $0x1400, s5;
	[sflag:s22] =	ssyncadd.s32 $0xFFFFC000;
	(pc) =	sbr.rel @p0 .LBB2_4-.Ltmp1, $4  }
0x9a: {  	[tilespmem:s18], [sflag:$0x1] =	stream.indirect.gather [hbm4b:s4+s17], $0x80, s7, s17, $0xb8;
	[tilespmem:$0x1E400] =	vst v63  }
0x9b: {  	_ =	swait.ge [sflag:s24], $0x4000  }
0x9c: {  	[sflag:s24] =	ssyncset.done $0x0  }
0x9d: {  	s5 =	sadd.s32 $0x2780, s5;
	[sflag:s24] =	ssyncadd.s32 $0xFFFFC000  }
0x9e: {  	[spmem:s2] =	stream.indirect.scatter.add.f32 [tilespmem:s20], [sflag:$0x4], $0x80, s5, s17, $0xb8;
	[tilespmem:$0x1E400] =	vst v63  }
0x9f: {  	_ =	swait.ge [sflag:s28], $0x4000  }
0xa0: {  	[sflag:s28] =	ssyncset.done $0x0  }
0xa1: {  	[sflag:s28] =	ssyncadd.s32 $0xFFFFC000  }
0xa2: {  	[tilespmem:s20], [sflag:$0x2] =	stream.indirect.gather [hbm4b:s4+s17], $0x80, s29, s17, $0xb8;
	[tilespmem:$0x1E400] =	vst v63  }
0xa3: {  	_ =	swait.ge [sflag:s21], $0x4000  }
0xa4: {  	[sflag:s21] =	ssyncset.done $0x0  }
0xa5: {  	[sflag:s21] =	ssyncadd.s32 $0xFFFFC000  }
0xa6: {  	[spmem:s2] =	stream.indirect.scatter.add.f32 [tilespmem:s18], [sflag:$0x3], $0x80, s30, s17, $0xb8;
	[tilespmem:$0x1E400] =	vst v63  }
0xa7: {  	_ =	swait.ge [sflag:s22], $0x4000  }
0xa8: {  	[sflag:s22] =	ssyncset.done $0x0  }
0xa9: {  	[sflag:s22] =	ssyncadd.s32 $0xFFFFC000  }
0xaa: {  	_ =	swait.ge [sflag:s24], $0x4000  }
0xab: {  	[sflag:s24] =	ssyncset.done $0x0  }
0xac: {  	[sflag:s24] =	ssyncadd.s32 $0xFFFFC000  }
0xad: {  	[spmem:s2] =	stream.indirect.scatter.add.f32 [tilespmem:s20], [sflag:$0x4], $0x80, s31, s17, $0xb8;
	[tilespmem:$0x1E400] =	vst v63  }
0xae: {  	_ =	swait.ge [sflag:s28], $0x4000  }
0xaf: {  	s0 =	sadd.s32 $0x1, s0;
	[sflag:s28] =	ssyncset.done $0x0  }
0xb0: {  	p0 =	sne.s32 s0, s13;
	[sflag:s28] =	ssyncadd.s32 $0xFFFFC000  }
.Ltmp2:
0xb1: {  	s1 =	sor.u32 $0x1C06, s6;
	[bflag:$0x0] =	sbarrier.arrive $0xFFFF;
	(pc) =	sbr.rel @p0 .LBB2_1-.Ltmp2, $4  }
0xb2: {  	[hbm:s12], [sflag:s1] =	dma.local [spmem:s25], $0x2780  }
0xb3: {  	_ =	swait.ge [sflag:s15], $0x2780  }
0xb4: {  	[sflag:s15] =	ssyncset.done $0x0  }
0xb5: {  	[sflag:s15] =	ssyncadd.s32 $0xFFFFD880  }
0xb6: {  	_ =	sfence.sel $0x180000  }
0xb7: {  	[bflag:$0x0] =	sbarrier.arrive $0xFFFF  }
0xb8: {  	_ =	strace $0x9000004A  }
0xb9: {  	s0 =	stileid.u32;
	[bflag:$0x2] =	sbarrier.arrive $0xFFFF  }
0xba: {  	p0 =	sne.s32 s0, $0x0;
	s0 =	rddreg [dreg:$0x3]  }
0xbb: {  	s0 =	sadd.s32 @!p0 $0x100000, s0  }
0xbc: {  	[sflag:s0] =	ssyncadd.tile.s32 @!p0 $0x1;
	_ =	shalt  }
.Lfunc_end2:
_tile_overlayer_lowered:
.L_overlay_start_2:
0xbd: {  	(tag) =	ssettag $0x2  }
0xbe: {  	s0 =	rddreg [dreg:$0x0];
	s2 =	stileid.u32  }
0xbf: {  	s1 =	rddreg [dreg:$0x1];
	p0 =	sne.s32 s2, $0x0  }
0xc0: {  	s3 =	rddreg [dreg:$0x2];
	[bflag:$0x3] =	sbarrier.arrive $0xFFFF;
	s2 =	simm.s32 @!p0 $0x1C06  }
0xc1: {  	[timem:s3], [sflag:s2] =	dma.local @!p0 [hbm:s0], s1  }
0xc2: {  	s0 =	simm.s32 @!p0 $0x6  }
0xc3: {  	_ =	swait.ge @!p0 [sflag:s0], s1  }
0xc4: {  	s1 =	ssub.s32 @!p0 $0x0, s1;
	[sflag:s0] =	ssyncset.done @!p0 $0x0  }
0xc5: {  	[sflag:s0] =	ssyncadd.s32 @!p0 s1  }
0xc6: {  	[bflag:$0x3] =	sbarrier.arrive $0xFFFF  }
0xc7: {  	_ =	shalt  }

</sc_bundles>
